<compile_context>
chip_gen: v7x
topology: tpu7x:2x2x1
jax: 0.10.2.dev20260603
libtpu: 0.0.44.dev20260713+nightly
codegen_flags: <defaults>
</compile_context>

<pallas_src>
import functools
import jax
import jax.numpy as jnp
from jax import lax
from jax.experimental import pallas as pl
from jax.experimental.pallas import tpu as pltpu
from jax.experimental.pallas import tpu_sc as plsc

E_DIM = 30
BATCH = 16384
NW = 32
B_PER_W = BATCH // NW
WAVES = B_PER_W // 16


def _rsqrt(x):
    i = plsc.bitcast(x, jnp.int32)
    i = 0x5F3759DF - lax.shift_right_arithmetic(i, 1)
    y = plsc.bitcast(i, jnp.float32)
    for _ in range(3):
        y = y * (1.5 - 0.5 * x * y * y)
    return y


@functools.partial(
    pl.kernel,
    mesh=plsc.VectorSubcoreMesh(core_axis_name="c", subcore_axis_name="s"),
    out_type=jax.ShapeDtypeStruct((BATCH,), jnp.float32),
    compiler_params=pltpu.CompilerParams(
        needs_layout_passes=False, use_tc_tiling_on_sc=True),
    scratch_types=[
        pltpu.VMEM((B_PER_W,), jnp.int32),
        pltpu.VMEM((B_PER_W,), jnp.int32),
        pltpu.VMEM((256, E_DIM), jnp.float32),
        pltpu.VMEM((256, E_DIM), jnp.float32),
        pltpu.VMEM((B_PER_W,), jnp.float32),
        pltpu.SemaphoreType.DMA,
    ],
)
def _sc_embed_dot(midx_hbm, lidx_hbm, wm_hbm, wl_hbm, out_hbm,
                  mi_v, li_v, m_w, l_w, r_v, sem):
    wid = lax.axis_index("s") * 2 + lax.axis_index("c")
    base = wid * B_PER_W

    pltpu.sync_copy(midx_hbm.at[pl.ds(base, B_PER_W)], mi_v)
    pltpu.sync_copy(lidx_hbm.at[pl.ds(base, B_PER_W)], li_v)

    iota16 = lax.broadcasted_iota(jnp.int32, (16,), 0)
    zeros = jnp.zeros((16,), jnp.float32)
    zeros_i = jnp.zeros((16,), jnp.int32)
    seven = jnp.full((16,), 7, jnp.int32)

    def wave_issue(c):
        b = c & 1
        o = c * 16
        ivm = mi_v[pl.ds(o, 16)]
        ivl = li_v[pl.ds(o, 16)]
        for l in range(16):
            lanemask = iota16 == l
            im = jnp.max(jnp.where(lanemask, ivm, 0))
            il = jnp.max(jnp.where(lanemask, ivl, 0))
            rm = pl.multiple_of(
                lax.shift_left(lax.shift_right_logical(im, 3), 3), 8)
            rl = pl.multiple_of(
                lax.shift_left(lax.shift_right_logical(il, 3), 3), 8)
            pltpu.async_copy(
                wm_hbm.at[pl.ds(rm, 8), :],
                m_w.at[pl.ds(128 * b + 8 * l, 8), :], sem)
            pltpu.async_copy(
                wl_hbm.at[pl.ds(rl, 8), :],
                l_w.at[pl.ds(128 * b + 8 * l, 8), :], sem)

    def wave_drain_compute(c):
        b = c & 1
        o = c * 16
        pltpu.make_async_copy(
            wm_hbm.at[pl.ds(0, 128), :],
            m_w.at[pl.ds(128 * b, 128), :], sem).wait()
        pltpu.make_async_copy(
            wl_hbm.at[pl.ds(0, 128), :],
            l_w.at[pl.ds(128 * b, 128), :], sem).wait()
        subm = mi_v[pl.ds(o, 16)] & seven
        subl = li_v[pl.ds(o, 16)] & seven
        ev = zeros_i + 128 * b + iota16 * 8
        md = zeros
        mm = zeros
        ll = zeros
        for j in range(E_DIM):
            jv = jnp.full((16,), j, jnp.int32)
            mv = plsc.load_gather(m_w, [ev + subm, jv])
            lv = plsc.load_gather(l_w, [ev + subl, jv])
            md = md + mv * lv
            mm = mm + mv * mv
            ll = ll + lv * lv
        r_v[pl.ds(o, 16)] = md * _rsqrt(mm * ll)

    wave_issue(0)

    def step(c, carry):
        @pl.when(c + 1 < WAVES)
        def _():
            wave_issue(c + 1)

        wave_drain_compute(c)
        return carry

    lax.fori_loop(0, WAVES, step, 0)

    pltpu.sync_copy(r_v, out_hbm.at[pl.ds(base, B_PER_W)])


def kernel(movie_batch, link_batch, W_movies, W_links):
    return _sc_embed_dot(
        movie_batch.astype(jnp.int32),
        link_batch.astype(jnp.int32),
        W_movies,
        W_links,
    )

# --- scband reference (transcript-rebuilt; emitter-appended) ---
"""Pipeline reference for scband-embed-model-78237124264617 (READ-ONLY COPY).

The authoritative reference and input builder live on the scoring server;
editing this copy changes nothing except your own understanding.
"""

import jax, jax.numpy as jnp
import numpy as np

E_DIM = 30
NUM_LINKS = 1000000
NUM_MOVIES = 100000
BATCH = 16384


def setup_inputs(seed: int = 0) -> dict:
    key = jax.random.key(seed)
    k1, k2, k3, k4 = jax.random.split(key, 4)
    movie_batch = jax.random.randint(k1, (BATCH,), 0, NUM_MOVIES)
    link_batch = jax.random.randint(k2, (BATCH,), 0, NUM_LINKS)
    # nn.Embedding default init: N(0, 1)
    W_movies = jax.random.normal(k3, (NUM_MOVIES, E_DIM), dtype=jnp.float32)
    W_links = jax.random.normal(k4, (NUM_LINKS, E_DIM), dtype=jnp.float32)
    return {
        "movie_batch": movie_batch,
        "link_batch": link_batch,
        "W_movies": W_movies,
        "W_links": W_links,
    }


def reference(movie_batch, link_batch, W_movies, W_links):
    # embedding lookups (gather)
    m = jnp.take(W_movies, movie_batch, axis=0)  # [B, 30]
    l = jnp.take(W_links, link_batch, axis=0)    # [B, 30]
    # L2-normalize each row (m.div(m.norm(dim=1, keepdim=True)))
    m = m / jnp.linalg.norm(m, axis=1, keepdims=True)
    l = l / jnp.linalg.norm(l, axis=1, keepdims=True)
    # bmm of [B,1,30] x [B,30,1] == rowwise dot product -> [B]
    res = jnp.sum(m * l, axis=1)
    return res

if __name__ == "__main__":
    import jax
    _d = setup_inputs()
    print(jax.jit(kernel)(*tuple(_d.values())))

</pallas_src>

<mosaic_0001>
#map = affine_map<(d0, d1) -> (0)>
#map1 = affine_map<(d0, d1) -> (0, 0)>
module attributes {stable_mosaic.version = 14 : i64} {
  func.func @_sc_embed_dot(%arg0: i32, %arg1: i32, %arg2: memref<16384xi32, #tpu.memory_space<hbm>>, %arg3: memref<16384xi32, #tpu.memory_space<hbm>>, %arg4: memref<100000x30xf32, #tpu.memory_space<hbm>>, %arg5: memref<1000000x30xf32, #tpu.memory_space<hbm>>, %arg6: memref<16384xf32, #tpu.memory_space<hbm>>, %arg7: memref<512xi32, #tpu.memory_space<vmem>>, %arg8: memref<512xi32, #tpu.memory_space<vmem>>, %arg9: memref<256x30xf32, #tpu.memory_space<vmem>>, %arg10: memref<256x30xf32, #tpu.memory_space<vmem>>, %arg11: memref<512xf32, #tpu.memory_space<vmem>>, %arg12: memref<!tpu.dma_semaphore, #tpu.memory_space<semaphore_mem>>) attributes {dimension_semantics = [#tpu.dimension_semantics<core_parallel>, #tpu.dimension_semantics<subcore_parallel>], iteration_bounds = array<i64: 2, 16>, scalar_prefetch = 0 : i64, scratch_operands = 6 : i64, tpu.core_type = #tpu.core_type<sc_vector_subcore>, window_params = [{transform_indices = #map}, {transform_indices = #map}, {transform_indices = #map1}, {transform_indices = #map1}, {transform_indices = #map}]} {
    %mul3A = arith.constant 2 : i32
    %mul3A_0 = arith.muli %arg1, %mul3A : i32
    %add3A = arith.addi %mul3A_0, %arg0 : i32
    %mul3A_1 = arith.constant 512 : i32
    %mul3A_2 = arith.muli %add3A, %mul3A_1 : i32
    "tpu.region"() ({
      %run_scoped3A = tpu.sem_alloc : memref<!tpu.dma_semaphore, #tpu.memory_space<semaphore_mem>>
      %dma_start3A_888 = tpu.memref_slice %arg2[%mul3A_2] : memref<16384xi32, #tpu.memory_space<hbm>> -> memref<512xi32, #tpu.memory_space<hbm>>
      %dma_start3A_889 = tpu.memref_slice %arg2[%mul3A_2] : memref<16384xi32, #tpu.memory_space<hbm>> -> memref<512xi32, #tpu.memory_space<hbm>>
      tpu.enqueue_dma source(%dma_start3A_889 : memref<512xi32, #tpu.memory_space<hbm>>) target(%arg7 : memref<512xi32, #tpu.memory_space<vmem>>) target_semaphore(%run_scoped3A : memref<!tpu.dma_semaphore, #tpu.memory_space<semaphore_mem>>)
      %dma_wait3A = tpu.memref_slice %arg2[%mul3A_2] : memref<16384xi32, #tpu.memory_space<hbm>> -> memref<512xi32, #tpu.memory_space<hbm>>
      %dma_wait3A_890 = tpu.memref_slice %arg2[%mul3A_2] : memref<16384xi32, #tpu.memory_space<hbm>> -> memref<512xi32, #tpu.memory_space<hbm>>
      tpu.wait_dma2 semaphore(%run_scoped3A : memref<!tpu.dma_semaphore, #tpu.memory_space<semaphore_mem>>) src(%dma_wait3A_890 : memref<512xi32, #tpu.memory_space<hbm>>) dst(%arg7 : memref<512xi32, #tpu.memory_space<vmem>>)
      tpu.yield
    }) : () -> ()
    "tpu.region"() ({
      %run_scoped3A = tpu.sem_alloc : memref<!tpu.dma_semaphore, #tpu.memory_space<semaphore_mem>>
      %dma_start3A_888 = tpu.memref_slice %arg3[%mul3A_2] : memref<16384xi32, #tpu.memory_space<hbm>> -> memref<512xi32, #tpu.memory_space<hbm>>
      %dma_start3A_889 = tpu.memref_slice %arg3[%mul3A_2] : memref<16384xi32, #tpu.memory_space<hbm>> -> memref<512xi32, #tpu.memory_space<hbm>>
      tpu.enqueue_dma source(%dma_start3A_889 : memref<512xi32, #tpu.memory_space<hbm>>) target(%arg8 : memref<512xi32, #tpu.memory_space<vmem>>) target_semaphore(%run_scoped3A : memref<!tpu.dma_semaphore, #tpu.memory_space<semaphore_mem>>)
      %dma_wait3A = tpu.memref_slice %arg3[%mul3A_2] : memref<16384xi32, #tpu.memory_space<hbm>> -> memref<512xi32, #tpu.memory_space<hbm>>
      %dma_wait3A_890 = tpu.memref_slice %arg3[%mul3A_2] : memref<16384xi32, #tpu.memory_space<hbm>> -> memref<512xi32, #tpu.memory_space<hbm>>
      tpu.wait_dma2 semaphore(%run_scoped3A : memref<!tpu.dma_semaphore, #tpu.memory_space<semaphore_mem>>) src(%dma_wait3A_890 : memref<512xi32, #tpu.memory_space<hbm>>) dst(%arg8 : memref<512xi32, #tpu.memory_space<vmem>>)
      tpu.yield
    }) : () -> ()
    %iota3A = tpu.iota {dimensions = array<i32: 0>} : vector<16xi32>
    %broadcast_in_dim3A = arith.constant 0.000000e+00 : f32
    %broadcast_in_dim3A_3 = vector.broadcast %broadcast_in_dim3A : f32 to vector<16xf32>
    %broadcast_in_dim3A_4 = arith.constant 0 : i32
    %broadcast_in_dim3A_5 = vector.broadcast %broadcast_in_dim3A_4 : i32 to vector<16xi32>
    %broadcast_in_dim3A_6 = arith.constant 7 : i32
    %broadcast_in_dim3A_7 = vector.broadcast %broadcast_in_dim3A_6 : i32 to vector<16xi32>
    %get3A = arith.constant 0 : index
    %get3A_8 = tpu.vector_load %arg7[%get3A] {strides = array<i32>} : memref<512xi32, #tpu.memory_space<vmem>>, vector<16xi32>,
    %get3A_9 = arith.constant 0 : index
    %get3A_10 = tpu.vector_load %arg8[%get3A_9] {strides = array<i32>} : memref<512xi32, #tpu.memory_space<vmem>>, vector<16xi32>,
    %eq3A = arith.constant 0 : i32
    %eq3A_11 = vector.broadcast %eq3A : i32 to vector<16xi32>
    %eq3A_12 = arith.cmpi eq, %iota3A, %eq3A_11 : vector<16xi32>
    %jit3A = arith.constant 0 : i32
    %broadcast_in_dim3A_13 = vector.broadcast %jit3A : i32 to vector<16xi32>
    %select_n3A = arith.select %eq3A_12, %get3A_8, %broadcast_in_dim3A_13 : vector<16xi1>, vector<16xi32>
    %reduce_max3A = arith.constant true
    %reduce_max3A_14 = vector.broadcast %reduce_max3A : i1 to vector<16xi1>
    %reduce_max3A_15 = arith.constant -2147483648 : i32
    %reduce_max3A_16 = vector.broadcast %reduce_max3A_15 : i32 to vector<16xi32>
    %reduce_max3A_17 = arith.xori %select_n3A, %reduce_max3A_16 : vector<16xi32>
    %reduce_max3A_18 = tpu.scan <max>, %reduce_max3A_17 masked %reduce_max3A_14 : vector<16xi32>, vector<16xi1> -> vector<16xi32>
    %reduce_max3A_19 = arith.xori %reduce_max3A_18, %reduce_max3A_16 : vector<16xi32>
    %reduce_max3A_20 = vector.extract %reduce_max3A_19[15] : i32 from vector<16xi32>
    %jit3A_21 = arith.constant 0 : i32
    %broadcast_in_dim3A_22 = vector.broadcast %jit3A_21 : i32 to vector<16xi32>
    %select_n3A_23 = arith.select %eq3A_12, %get3A_10, %broadcast_in_dim3A_22 : vector<16xi1>, vector<16xi32>
    %reduce_max3A_24 = arith.constant true
    %reduce_max3A_25 = vector.broadcast %reduce_max3A_24 : i1 to vector<16xi1>
    %reduce_max3A_26 = arith.constant -2147483648 : i32
    %reduce_max3A_27 = vector.broadcast %reduce_max3A_26 : i32 to vector<16xi32>
    %reduce_max3A_28 = arith.xori %select_n3A_23, %reduce_max3A_27 : vector<16xi32>
    %reduce_max3A_29 = tpu.scan <max>, %reduce_max3A_28 masked %reduce_max3A_25 : vector<16xi32>, vector<16xi1> -> vector<16xi32>
    %reduce_max3A_30 = arith.xori %reduce_max3A_29, %reduce_max3A_27 : vector<16xi32>
    %reduce_max3A_31 = vector.extract %reduce_max3A_30[15] : i32 from vector<16xi32>
    %shift_right_logical3A = arith.constant 3 : i32
    %shift_right_logical3A_32 = arith.shrui %reduce_max3A_20, %shift_right_logical3A : i32
    %shift_left3A = arith.constant 3 : i32
    %shift_left3A_33 = arith.shli %shift_right_logical3A_32, %shift_left3A : i32
    %multiple_of3A = tpu.assume_multiple %shift_left3A_33, 8 : i32
    %shift_right_logical3A_34 = arith.constant 3 : i32
    %shift_right_logical3A_35 = arith.shrui %reduce_max3A_31, %shift_right_logical3A_34 : i32
    %shift_left3A_36 = arith.constant 3 : i32
    %shift_left3A_37 = arith.shli %shift_right_logical3A_35, %shift_left3A_36 : i32
    %multiple_of3A_38 = tpu.assume_multiple %shift_left3A_37, 8 : i32
    %dma_start3A = arith.constant 0 : i32
    %dma_start3A_39 = arith.constant 0 : i32
    %dma_start3A_40 = tpu.memref_slice %arg9[%dma_start3A, %dma_start3A_39] : memref<256x30xf32, #tpu.memory_space<vmem>> -> memref<8x30xf32, #tpu.memory_space<vmem>>
    %dma_start3A_41 = arith.constant 0 : i32
    %dma_start3A_42 = tpu.memref_slice %arg4[%multiple_of3A, %dma_start3A_41] : memref<100000x30xf32, #tpu.memory_space<hbm>> -> memref<8x30xf32, #tpu.memory_space<hbm>>
    %dma_start3A_43 = arith.constant 0 : i32
    %dma_start3A_44 = arith.constant 0 : i32
    %dma_start3A_45 = tpu.memref_slice %arg9[%dma_start3A_43, %dma_start3A_44] : memref<256x30xf32, #tpu.memory_space<vmem>> -> memref<8x30xf32, #tpu.memory_space<vmem>>
    %dma_start3A_46 = arith.constant 0 : i32
    %dma_start3A_47 = tpu.memref_slice %arg4[%multiple_of3A, %dma_start3A_46] : memref<100000x30xf32, #tpu.memory_space<hbm>> -> memref<8x30xf32, #tpu.memory_space<hbm>>
    tpu.enqueue_dma source(%dma_start3A_47 : memref<8x30xf32, #tpu.memory_space<hbm>>) target(%dma_start3A_45 : memref<8x30xf32, #tpu.memory_space<vmem>>) target_semaphore(%arg12 : memref<!tpu.dma_semaphore, #tpu.memory_space<semaphore_mem>>)
    %dma_start3A_48 = arith.constant 0 : i32
    %dma_start3A_49 = arith.constant 0 : i32
    %dma_start3A_50 = tpu.memref_slice %arg10[%dma_start3A_48, %dma_start3A_49] : memref<256x30xf32, #tpu.memory_space<vmem>> -> memref<8x30xf32, #tpu.memory_space<vmem>>
    %dma_start3A_51 = arith.constant 0 : i32
    %dma_start3A_52 = tpu.memref_slice %arg5[%multiple_of3A_38, %dma_start3A_51] : memref<1000000x30xf32, #tpu.memory_space<hbm>> -> memref<8x30xf32, #tpu.memory_space<hbm>>
    %dma_start3A_53 = arith.constant 0 : i32
    %dma_start3A_54 = arith.constant 0 : i32
    %dma_start3A_55 = tpu.memref_slice %arg10[%dma_start3A_53, %dma_start3A_54] : memref<256x30xf32, #tpu.memory_space<vmem>> -> memref<8x30xf32, #tpu.memory_space<vmem>>
    %dma_start3A_56 = arith.constant 0 : i32
    %dma_start3A_57 = tpu.memref_slice %arg5[%multiple_of3A_38, %dma_start3A_56] : memref<1000000x30xf32, #tpu.memory_space<hbm>> -> memref<8x30xf32, #tpu.memory_space<hbm>>
    tpu.enqueue_dma source(%dma_start3A_57 : memref<8x30xf32, #tpu.memory_space<hbm>>) target(%dma_start3A_55 : memref<8x30xf32, #tpu.memory_space<vmem>>) target_semaphore(%arg12 : memref<!tpu.dma_semaphore, #tpu.memory_space<semaphore_mem>>)
    %eq3A_58 = arith.constant 1 : i32
    %eq3A_59 = vector.broadcast %eq3A_58 : i32 to vector<16xi32>
    %eq3A_60 = arith.cmpi eq, %iota3A, %eq3A_59 : vector<16xi32>
    %jit3A_61 = arith.constant 0 : i32
    %broadcast_in_dim3A_62 = vector.broadcast %jit3A_61 : i32 to vector<16xi32>
    %select_n3A_63 = arith.select %eq3A_60, %get3A_8, %broadcast_in_dim3A_62 : vector<16xi1>, vector<16xi32>
    %reduce_max3A_64 = arith.constant true
    %reduce_max3A_65 = vector.broadcast %reduce_max3A_64 : i1 to vector<16xi1>
    %reduce_max3A_66 = arith.constant -2147483648 : i32
    %reduce_max3A_67 = vector.broadcast %reduce_max3A_66 : i32 to vector<16xi32>
    %reduce_max3A_68 = arith.xori %select_n3A_63, %reduce_max3A_67 : vector<16xi32>
    %reduce_max3A_69 = tpu.scan <max>, %reduce_max3A_68 masked %reduce_max3A_65 : vector<16xi32>, vector<16xi1> -> vector<16xi32>
    %reduce_max3A_70 = arith.xori %reduce_max3A_69, %reduce_max3A_67 : vector<16xi32>
    %reduce_max3A_71 = vector.extract %reduce_max3A_70[15] : i32 from vector<16xi32>
    %jit3A_72 = arith.constant 0 : i32
    %broadcast_in_dim3A_73 = vector.broadcast %jit3A_72 : i32 to vector<16xi32>
    %select_n3A_74 = arith.select %eq3A_60, %get3A_10, %broadcast_in_dim3A_73 : vector<16xi1>, vector<16xi32>
    %reduce_max3A_75 = arith.constant true
    %reduce_max3A_76 = vector.broadcast %reduce_max3A_75 : i1 to vector<16xi1>
    %reduce_max3A_77 = arith.constant -2147483648 : i32
    %reduce_max3A_78 = vector.broadcast %reduce_max3A_77 : i32 to vector<16xi32>
    %reduce_max3A_79 = arith.xori %select_n3A_74, %reduce_max3A_78 : vector<16xi32>
    %reduce_max3A_80 = tpu.scan <max>, %reduce_max3A_79 masked %reduce_max3A_76 : vector<16xi32>, vector<16xi1> -> vector<16xi32>
    %reduce_max3A_81 = arith.xori %reduce_max3A_80, %reduce_max3A_78 : vector<16xi32>
    %reduce_max3A_82 = vector.extract %reduce_max3A_81[15] : i32 from vector<16xi32>
    %shift_right_logical3A_83 = arith.constant 3 : i32
    %shift_right_logical3A_84 = arith.shrui %reduce_max3A_71, %shift_right_logical3A_83 : i32
    %shift_left3A_85 = arith.constant 3 : i32
    %shift_left3A_86 = arith.shli %shift_right_logical3A_84, %shift_left3A_85 : i32
    %multiple_of3A_87 = tpu.assume_multiple %shift_left3A_86, 8 : i32
    %shift_right_logical3A_88 = arith.constant 3 : i32
    %shift_right_logical3A_89 = arith.shrui %reduce_max3A_82, %shift_right_logical3A_88 : i32
    %shift_left3A_90 = arith.constant 3 : i32
    %shift_left3A_91 = arith.shli %shift_right_logical3A_89, %shift_left3A_90 : i32
    %multiple_of3A_92 = tpu.assume_multiple %shift_left3A_91, 8 : i32
    %dma_start3A_93 = arith.constant 8 : i32
    %dma_start3A_94 = arith.constant 0 : i32
    %dma_start3A_95 = tpu.memref_slice %arg9[%dma_start3A_93, %dma_start3A_94] : memref<256x30xf32, #tpu.memory_space<vmem>> -> memref<8x30xf32, #tpu.memory_space<vmem>>
    %dma_start3A_96 = arith.constant 0 : i32
    %dma_start3A_97 = tpu.memref_slice %arg4[%multiple_of3A_87, %dma_start3A_96] : memref<100000x30xf32, #tpu.memory_space<hbm>> -> memref<8x30xf32, #tpu.memory_space<hbm>>
    %dma_start3A_98 = arith.constant 8 : i32
    %dma_start3A_99 = arith.constant 0 : i32
    %dma_start3A_100 = tpu.memref_slice %arg9[%dma_start3A_98, %dma_start3A_99] : memref<256x30xf32, #tpu.memory_space<vmem>> -> memref<8x30xf32, #tpu.memory_space<vmem>>
    %dma_start3A_101 = arith.constant 0 : i32
    %dma_start3A_102 = tpu.memref_slice %arg4[%multiple_of3A_87, %dma_start3A_101] : memref<100000x30xf32, #tpu.memory_space<hbm>> -> memref<8x30xf32, #tpu.memory_space<hbm>>
    tpu.enqueue_dma source(%dma_start3A_102 : memref<8x30xf32, #tpu.memory_space<hbm>>) target(%dma_start3A_100 : memref<8x30xf32, #tpu.memory_space<vmem>>) target_semaphore(%arg12 : memref<!tpu.dma_semaphore, #tpu.memory_space<semaphore_mem>>)
    %dma_start3A_103 = arith.constant 8 : i32
    %dma_start3A_104 = arith.constant 0 : i32
    %dma_start3A_105 = tpu.memref_slice %arg10[%dma_start3A_103, %dma_start3A_104] : memref<256x30xf32, #tpu.memory_space<vmem>> -> memref<8x30xf32, #tpu.memory_space<vmem>>
    %dma_start3A_106 = arith.constant 0 : i32
    %dma_start3A_107 = tpu.memref_slice %arg5[%multiple_of3A_92, %dma_start3A_106] : memref<1000000x30xf32, #tpu.memory_space<hbm>> -> memref<8x30xf32, #tpu.memory_space<hbm>>
    %dma_start3A_108 = arith.constant 8 : i32
    %dma_start3A_109 = arith.constant 0 : i32
    %dma_start3A_110 = tpu.memref_slice %arg10[%dma_start3A_108, %dma_start3A_109] : memref<256x30xf32, #tpu.memory_space<vmem>> -> memref<8x30xf32, #tpu.memory_space<vmem>>
    %dma_start3A_111 = arith.constant 0 : i32
    %dma_start3A_112 = tpu.memref_slice %arg5[%multiple_of3A_92, %dma_start3A_111] : memref<1000000x30xf32, #tpu.memory_space<hbm>> -> memref<8x30xf32, #tpu.memory_space<hbm>>
    tpu.enqueue_dma source(%dma_start3A_112 : memref<8x30xf32, #tpu.memory_space<hbm>>) target(%dma_start3A_110 : memref<8x30xf32, #tpu.memory_space<vmem>>) target_semaphore(%arg12 : memref<!tpu.dma_semaphore, #tpu.memory_space<semaphore_mem>>)
    %eq3A_113 = arith.constant 2 : i32
    %eq3A_114 = vector.broadcast %eq3A_113 : i32 to vector<16xi32>
    %eq3A_115 = arith.cmpi eq, %iota3A, %eq3A_114 : vector<16xi32>
    %jit3A_116 = arith.constant 0 : i32
    %broadcast_in_dim3A_117 = vector.broadcast %jit3A_116 : i32 to vector<16xi32>
    %select_n3A_118 = arith.select %eq3A_115, %get3A_8, %broadcast_in_dim3A_117 : vector<16xi1>, vector<16xi32>
    %reduce_max3A_119 = arith.constant true
    %reduce_max3A_120 = vector.broadcast %reduce_max3A_119 : i1 to vector<16xi1>
    %reduce_max3A_121 = arith.constant -2147483648 : i32
    %reduce_max3A_122 = vector.broadcast %reduce_max3A_121 : i32 to vector<16xi32>
    %reduce_max3A_123 = arith.xori %select_n3A_118, %reduce_max3A_122 : vector<16xi32>
    %reduce_max3A_124 = tpu.scan <max>, %reduce_max3A_123 masked %reduce_max3A_120 : vector<16xi32>, vector<16xi1> -> vector<16xi32>
    %reduce_max3A_125 = arith.xori %reduce_max3A_124, %reduce_max3A_122 : vector<16xi32>
    %reduce_max3A_126 = vector.extract %reduce_max3A_125[15] : i32 from vector<16xi32>
    %jit3A_127 = arith.constant 0 : i32
    %broadcast_in_dim3A_128 = vector.broadcast %jit3A_127 : i32 to vector<16xi32>
    %select_n3A_129 = arith.select %eq3A_115, %get3A_10, %broadcast_in_dim3A_128 : vector<16xi1>, vector<16xi32>
    %reduce_max3A_130 = arith.constant true
    %reduce_max3A_131 = vector.broadcast %reduce_max3A_130 : i1 to vector<16xi1>
    %reduce_max3A_132 = arith.constant -2147483648 : i32
    %reduce_max3A_133 = vector.broadcast %reduce_max3A_132 : i32 to vector<16xi32>
    %reduce_max3A_134 = arith.xori %select_n3A_129, %reduce_max3A_133 : vector<16xi32>
    %reduce_max3A_135 = tpu.scan <max>, %reduce_max3A_134 masked %reduce_max3A_131 : vector<16xi32>, vector<16xi1> -> vector<16xi32>
    %reduce_max3A_136 = arith.xori %reduce_max3A_135, %reduce_max3A_133 : vector<16xi32>
    %reduce_max3A_137 = vector.extract %reduce_max3A_136[15] : i32 from vector<16xi32>
    %shift_right_logical3A_138 = arith.constant 3 : i32
    %shift_right_logical3A_139 = arith.shrui %reduce_max3A_126, %shift_right_logical3A_138 : i32
    %shift_left3A_140 = arith.constant 3 : i32
    %shift_left3A_141 = arith.shli %shift_right_logical3A_139, %shift_left3A_140 : i32
    %multiple_of3A_142 = tpu.assume_multiple %shift_left3A_141, 8 : i32
    %shift_right_logical3A_143 = arith.constant 3 : i32
    %shift_right_logical3A_144 = arith.shrui %reduce_max3A_137, %shift_right_logical3A_143 : i32
    %shift_left3A_145 = arith.constant 3 : i32
    %shift_left3A_146 = arith.shli %shift_right_logical3A_144, %shift_left3A_145 : i32
    %multiple_of3A_147 = tpu.assume_multiple %shift_left3A_146, 8 : i32
    %dma_start3A_148 = arith.constant 16 : i32
    %dma_start3A_149 = arith.constant 0 : i32
    %dma_start3A_150 = tpu.memref_slice %arg9[%dma_start3A_148, %dma_start3A_149] : memref<256x30xf32, #tpu.memory_space<vmem>> -> memref<8x30xf32, #tpu.memory_space<vmem>>
    %dma_start3A_151 = arith.constant 0 : i32
    %dma_start3A_152 = tpu.memref_slice %arg4[%multiple_of3A_142, %dma_start3A_151] : memref<100000x30xf32, #tpu.memory_space<hbm>> -> memref<8x30xf32, #tpu.memory_space<hbm>>
    %dma_start3A_153 = arith.constant 16 : i32
    %dma_start3A_154 = arith.constant 0 : i32
    %dma_start3A_155 = tpu.memref_slice %arg9[%dma_start3A_153, %dma_start3A_154] : memref<256x30xf32, #tpu.memory_space<vmem>> -> memref<8x30xf32, #tpu.memory_space<vmem>>
    %dma_start3A_156 = arith.constant 0 : i32
    %dma_start3A_157 = tpu.memref_slice %arg4[%multiple_of3A_142, %dma_start3A_156] : memref<100000x30xf32, #tpu.memory_space<hbm>> -> memref<8x30xf32, #tpu.memory_space<hbm>>
    tpu.enqueue_dma source(%dma_start3A_157 : memref<8x30xf32, #tpu.memory_space<hbm>>) target(%dma_start3A_155 : memref<8x30xf32, #tpu.memory_space<vmem>>) target_semaphore(%arg12 : memref<!tpu.dma_semaphore, #tpu.memory_space<semaphore_mem>>)
    %dma_start3A_158 = arith.constant 16 : i32
    %dma_start3A_159 = arith.constant 0 : i32
    %dma_start3A_160 = tpu.memref_slice %arg10[%dma_start3A_158, %dma_start3A_159] : memref<256x30xf32, #tpu.memory_space<vmem>> -> memref<8x30xf32, #tpu.memory_space<vmem>>
    %dma_start3A_161 = arith.constant 0 : i32
    %dma_start3A_162 = tpu.memref_slice %arg5[%multiple_of3A_147, %dma_start3A_161] : memref<1000000x30xf32, #tpu.memory_space<hbm>> -> memref<8x30xf32, #tpu.memory_space<hbm>>
    %dma_start3A_163 = arith.constant 16 : i32
    %dma_start3A_164 = arith.constant 0 : i32
    %dma_start3A_165 = tpu.memref_slice %arg10[%dma_start3A_163, %dma_start3A_164] : memref<256x30xf32, #tpu.memory_space<vmem>> -> memref<8x30xf32, #tpu.memory_space<vmem>>
    %dma_start3A_166 = arith.constant 0 : i32
    %dma_start3A_167 = tpu.memref_slice %arg5[%multiple_of3A_147, %dma_start3A_166] : memref<1000000x30xf32, #tpu.memory_space<hbm>> -> memref<8x30xf32, #tpu.memory_space<hbm>>
    tpu.enqueue_dma source(%dma_start3A_167 : memref<8x30xf32, #tpu.memory_space<hbm>>) target(%dma_start3A_165 : memref<8x30xf32, #tpu.memory_space<vmem>>) target_semaphore(%arg12 : memref<!tpu.dma_semaphore, #tpu.memory_space<semaphore_mem>>)
    %eq3A_168 = arith.constant 3 : i32
    %eq3A_169 = vector.broadcast %eq3A_168 : i32 to vector<16xi32>
    %eq3A_170 = arith.cmpi eq, %iota3A, %eq3A_169 : vector<16xi32>
    %jit3A_171 = arith.constant 0 : i32
    %broadcast_in_dim3A_172 = vector.broadcast %jit3A_171 : i32 to vector<16xi32>
    %select_n3A_173 = arith.select %eq3A_170, %get3A_8, %broadcast_in_dim3A_172 : vector<16xi1>, vector<16xi32>
    %reduce_max3A_174 = arith.constant true
    %reduce_max3A_175 = vector.broadcast %reduce_max3A_174 : i1 to vector<16xi1>
    %reduce_max3A_176 = arith.constant -2147483648 : i32
    %reduce_max3A_177 = vector.broadcast %reduce_max3A_176 : i32 to vector<16xi32>
    %reduce_max3A_178 = arith.xori %select_n3A_173, %reduce_max3A_177 : vector<16xi32>
    %reduce_max3A_179 = tpu.scan <max>, %reduce_max3A_178 masked %reduce_max3A_175 : vector<16xi32>, vector<16xi1> -> vector<16xi32>
    %reduce_max3A_180 = arith.xori %reduce_max3A_179, %reduce_max3A_177 : vector<16xi32>
    %reduce_max3A_181 = vector.extract %reduce_max3A_180[15] : i32 from vector<16xi32>
    %jit3A_182 = arith.constant 0 : i32
    %broadcast_in_dim3A_183 = vector.broadcast %jit3A_182 : i32 to vector<16xi32>
    %select_n3A_184 = arith.select %eq3A_170, %get3A_10, %broadcast_in_dim3A_183 : vector<16xi1>, vector<16xi32>
    %reduce_max3A_185 = arith.constant true
    %reduce_max3A_186 = vector.broadcast %reduce_max3A_185 : i1 to vector<16xi1>
    %reduce_max3A_187 = arith.constant -2147483648 : i32
    %reduce_max3A_188 = vector.broadcast %reduce_max3A_187 : i32 to vector<16xi32>
    %reduce_max3A_189 = arith.xori %select_n3A_184, %reduce_max3A_188 : vector<16xi32>
    %reduce_max3A_190 = tpu.scan <max>, %reduce_max3A_189 masked %reduce_max3A_186 : vector<16xi32>, vector<16xi1> -> vector<16xi32>
    %reduce_max3A_191 = arith.xori %reduce_max3A_190, %reduce_max3A_188 : vector<16xi32>
    %reduce_max3A_192 = vector.extract %reduce_max3A_191[15] : i32 from vector<16xi32>
    %shift_right_logical3A_193 = arith.constant 3 : i32
    %shift_right_logical3A_194 = arith.shrui %reduce_max3A_181, %shift_right_logical3A_193 : i32
    %shift_left3A_195 = arith.constant 3 : i32
    %shift_left3A_196 = arith.shli %shift_right_logical3A_194, %shift_left3A_195 : i32
    %multiple_of3A_197 = tpu.assume_multiple %shift_left3A_196, 8 : i32
    %shift_right_logical3A_198 = arith.constant 3 : i32
    %shift_right_logical3A_199 = arith.shrui %reduce_max3A_192, %shift_right_logical3A_198 : i32
    %shift_left3A_200 = arith.constant 3 : i32
    %shift_left3A_201 = arith.shli %shift_right_logical3A_199, %shift_left3A_200 : i32
    %multiple_of3A_202 = tpu.assume_multiple %shift_left3A_201, 8 : i32
    %dma_start3A_203 = arith.constant 24 : i32
    %dma_start3A_204 = arith.constant 0 : i32
    %dma_start3A_205 = tpu.memref_slice %arg9[%dma_start3A_203, %dma_start3A_204] : memref<256x30xf32, #tpu.memory_space<vmem>> -> memref<8x30xf32, #tpu.memory_space<vmem>>
    %dma_start3A_206 = arith.constant 0 : i32
    %dma_start3A_207 = tpu.memref_slice %arg4[%multiple_of3A_197, %dma_start3A_206] : memref<100000x30xf32, #tpu.memory_space<hbm>> -> memref<8x30xf32, #tpu.memory_space<hbm>>
    %dma_start3A_208 = arith.constant 24 : i32
    %dma_start3A_209 = arith.constant 0 : i32
    %dma_start3A_210 = tpu.memref_slice %arg9[%dma_start3A_208, %dma_start3A_209] : memref<256x30xf32, #tpu.memory_space<vmem>> -> memref<8x30xf32, #tpu.memory_space<vmem>>
    %dma_start3A_211 = arith.constant 0 : i32
    %dma_start3A_212 = tpu.memref_slice %arg4[%multiple_of3A_197, %dma_start3A_211] : memref<100000x30xf32, #tpu.memory_space<hbm>> -> memref<8x30xf32, #tpu.memory_space<hbm>>
    tpu.enqueue_dma source(%dma_start3A_212 : memref<8x30xf32, #tpu.memory_space<hbm>>) target(%dma_start3A_210 : memref<8x30xf32, #tpu.memory_space<vmem>>) target_semaphore(%arg12 : memref<!tpu.dma_semaphore, #tpu.memory_space<semaphore_mem>>)
    %dma_start3A_213 = arith.constant 24 : i32
    %dma_start3A_214 = arith.constant 0 : i32
    %dma_start3A_215 = tpu.memref_slice %arg10[%dma_start3A_213, %dma_start3A_214] : memref<256x30xf32, #tpu.memory_space<vmem>> -> memref<8x30xf32, #tpu.memory_space<vmem>>
    %dma_start3A_216 = arith.constant 0 : i32
    %dma_start3A_217 = tpu.memref_slice %arg5[%multiple_of3A_202, %dma_start3A_216] : memref<1000000x30xf32, #tpu.memory_space<hbm>> -> memref<8x30xf32, #tpu.memory_space<hbm>>
    %dma_start3A_218 = arith.constant 24 : i32
    %dma_start3A_219 = arith.constant 0 : i32
    %dma_start3A_220 = tpu.memref_slice %arg10[%dma_start3A_218, %dma_start3A_219] : memref<256x30xf32, #tpu.memory_space<vmem>> -> memref<8x30xf32, #tpu.memory_space<vmem>>
    %dma_start3A_221 = arith.constant 0 : i32
    %dma_start3A_222 = tpu.memref_slice %arg5[%multiple_of3A_202, %dma_start3A_221] : memref<1000000x30xf32, #tpu.memory_space<hbm>> -> memref<8x30xf32, #tpu.memory_space<hbm>>
    tpu.enqueue_dma source(%dma_start3A_222 : memref<8x30xf32, #tpu.memory_space<hbm>>) target(%dma_start3A_220 : memref<8x30xf32, #tpu.memory_space<vmem>>) target_semaphore(%arg12 : memref<!tpu.dma_semaphore, #tpu.memory_space<semaphore_mem>>)
    %eq3A_223 = arith.constant 4 : i32
    %eq3A_224 = vector.broadcast %eq3A_223 : i32 to vector<16xi32>
    %eq3A_225 = arith.cmpi eq, %iota3A, %eq3A_224 : vector<16xi32>
    %jit3A_226 = arith.constant 0 : i32
    %broadcast_in_dim3A_227 = vector.broadcast %jit3A_226 : i32 to vector<16xi32>
    %select_n3A_228 = arith.select %eq3A_225, %get3A_8, %broadcast_in_dim3A_227 : vector<16xi1>, vector<16xi32>
    %reduce_max3A_229 = arith.constant true
    %reduce_max3A_230 = vector.broadcast %reduce_max3A_229 : i1 to vector<16xi1>
    %reduce_max3A_231 = arith.constant -2147483648 : i32
    %reduce_max3A_232 = vector.broadcast %reduce_max3A_231 : i32 to vector<16xi32>
    %reduce_max3A_233 = arith.xori %select_n3A_228, %reduce_max3A_232 : vector<16xi32>
    %reduce_max3A_234 = tpu.scan <max>, %reduce_max3A_233 masked %reduce_max3A_230 : vector<16xi32>, vector<16xi1> -> vector<16xi32>
    %reduce_max3A_235 = arith.xori %reduce_max3A_234, %reduce_max3A_232 : vector<16xi32>
    %reduce_max3A_236 = vector.extract %reduce_max3A_235[15] : i32 from vector<16xi32>
    %jit3A_237 = arith.constant 0 : i32
    %broadcast_in_dim3A_238 = vector.broadcast %jit3A_237 : i32 to vector<16xi32>
    %select_n3A_239 = arith.select %eq3A_225, %get3A_10, %broadcast_in_dim3A_238 : vector<16xi1>, vector<16xi32>
    %reduce_max3A_240 = arith.constant true
    %reduce_max3A_241 = vector.broadcast %reduce_max3A_240 : i1 to vector<16xi1>
    %reduce_max3A_242 = arith.constant -2147483648 : i32
    %reduce_max3A_243 = vector.broadcast %reduce_max3A_242 : i32 to vector<16xi32>
    %reduce_max3A_244 = arith.xori %select_n3A_239, %reduce_max3A_243 : vector<16xi32>
    %reduce_max3A_245 = tpu.scan <max>, %reduce_max3A_244 masked %reduce_max3A_241 : vector<16xi32>, vector<16xi1> -> vector<16xi32>
    %reduce_max3A_246 = arith.xori %reduce_max3A_245, %reduce_max3A_243 : vector<16xi32>
    %reduce_max3A_247 = vector.extract %reduce_max3A_246[15] : i32 from vector<16xi32>
    %shift_right_logical3A_248 = arith.constant 3 : i32
    %shift_right_logical3A_249 = arith.shrui %reduce_max3A_236, %shift_right_logical3A_248 : i32
    %shift_left3A_250 = arith.constant 3 : i32
    %shift_left3A_251 = arith.shli %shift_right_logical3A_249, %shift_left3A_250 : i32
    %multiple_of3A_252 = tpu.assume_multiple %shift_left3A_251, 8 : i32
    %shift_right_logical3A_253 = arith.constant 3 : i32
    %shift_right_logical3A_254 = arith.shrui %reduce_max3A_247, %shift_right_logical3A_253 : i32
    %shift_left3A_255 = arith.constant 3 : i32
    %shift_left3A_256 = arith.shli %shift_right_logical3A_254, %shift_left3A_255 : i32
    %multiple_of3A_257 = tpu.assume_multiple %shift_left3A_256, 8 : i32
    %dma_start3A_258 = arith.constant 32 : i32
    %dma_start3A_259 = arith.constant 0 : i32
    %dma_start3A_260 = tpu.memref_slice %arg9[%dma_start3A_258, %dma_start3A_259] : memref<256x30xf32, #tpu.memory_space<vmem>> -> memref<8x30xf32, #tpu.memory_space<vmem>>
    %dma_start3A_261 = arith.constant 0 : i32
    %dma_start3A_262 = tpu.memref_slice %arg4[%multiple_of3A_252, %dma_start3A_261] : memref<100000x30xf32, #tpu.memory_space<hbm>> -> memref<8x30xf32, #tpu.memory_space<hbm>>
    %dma_start3A_263 = arith.constant 32 : i32
    %dma_start3A_264 = arith.constant 0 : i32
    %dma_start3A_265 = tpu.memref_slice %arg9[%dma_start3A_263, %dma_start3A_264] : memref<256x30xf32, #tpu.memory_space<vmem>> -> memref<8x30xf32, #tpu.memory_space<vmem>>
    %dma_start3A_266 = arith.constant 0 : i32
    %dma_start3A_267 = tpu.memref_slice %arg4[%multiple_of3A_252, %dma_start3A_266] : memref<100000x30xf32, #tpu.memory_space<hbm>> -> memref<8x30xf32, #tpu.memory_space<hbm>>
    tpu.enqueue_dma source(%dma_start3A_267 : memref<8x30xf32, #tpu.memory_space<hbm>>) target(%dma_start3A_265 : memref<8x30xf32, #tpu.memory_space<vmem>>) target_semaphore(%arg12 : memref<!tpu.dma_semaphore, #tpu.memory_space<semaphore_mem>>)
    %dma_start3A_268 = arith.constant 32 : i32
    %dma_start3A_269 = arith.constant 0 : i32
    %dma_start3A_270 = tpu.memref_slice %arg10[%dma_start3A_268, %dma_start3A_269] : memref<256x30xf32, #tpu.memory_space<vmem>> -> memref<8x30xf32, #tpu.memory_space<vmem>>
    %dma_start3A_271 = arith.constant 0 : i32
    %dma_start3A_272 = tpu.memref_slice %arg5[%multiple_of3A_257, %dma_start3A_271] : memref<1000000x30xf32, #tpu.memory_space<hbm>> -> memref<8x30xf32, #tpu.memory_space<hbm>>
    %dma_start3A_273 = arith.constant 32 : i32
    %dma_start3A_274 = arith.constant 0 : i32
    %dma_start3A_275 = tpu.memref_slice %arg10[%dma_start3A_273, %dma_start3A_274] : memref<256x30xf32, #tpu.memory_space<vmem>> -> memref<8x30xf32, #tpu.memory_space<vmem>>
    %dma_start3A_276 = arith.constant 0 : i32
    %dma_start3A_277 = tpu.memref_slice %arg5[%multiple_of3A_257, %dma_start3A_276] : memref<1000000x30xf32, #tpu.memory_space<hbm>> -> memref<8x30xf32, #tpu.memory_space<hbm>>
    tpu.enqueue_dma source(%dma_start3A_277 : memref<8x30xf32, #tpu.memory_space<hbm>>) target(%dma_start3A_275 : memref<8x30xf32, #tpu.memory_space<vmem>>) target_semaphore(%arg12 : memref<!tpu.dma_semaphore, #tpu.memory_space<semaphore_mem>>)
    %eq3A_278 = arith.constant 5 : i32
    %eq3A_279 = vector.broadcast %eq3A_278 : i32 to vector<16xi32>
    %eq3A_280 = arith.cmpi eq, %iota3A, %eq3A_279 : vector<16xi32>
    %jit3A_281 = arith.constant 0 : i32
    %broadcast_in_dim3A_282 = vector.broadcast %jit3A_281 : i32 to vector<16xi32>
    %select_n3A_283 = arith.select %eq3A_280, %get3A_8, %broadcast_in_dim3A_282 : vector<16xi1>, vector<16xi32>
    %reduce_max3A_284 = arith.constant true
    %reduce_max3A_285 = vector.broadcast %reduce_max3A_284 : i1 to vector<16xi1>
    %reduce_max3A_286 = arith.constant -2147483648 : i32
    %reduce_max3A_287 = vector.broadcast %reduce_max3A_286 : i32 to vector<16xi32>
    %reduce_max3A_288 = arith.xori %select_n3A_283, %reduce_max3A_287 : vector<16xi32>
    %reduce_max3A_289 = tpu.scan <max>, %reduce_max3A_288 masked %reduce_max3A_285 : vector<16xi32>, vector<16xi1> -> vector<16xi32>
    %reduce_max3A_290 = arith.xori %reduce_max3A_289, %reduce_max3A_287 : vector<16xi32>
    %reduce_max3A_291 = vector.extract %reduce_max3A_290[15] : i32 from vector<16xi32>
    %jit3A_292 = arith.constant 0 : i32
    %broadcast_in_dim3A_293 = vector.broadcast %jit3A_292 : i32 to vector<16xi32>
    %select_n3A_294 = arith.select %eq3A_280, %get3A_10, %broadcast_in_dim3A_293 : vector<16xi1>, vector<16xi32>
    %reduce_max3A_295 = arith.constant true
    %reduce_max3A_296 = vector.broadcast %reduce_max3A_295 : i1 to vector<16xi1>
    %reduce_max3A_297 = arith.constant -2147483648 : i32
    %reduce_max3A_298 = vector.broadcast %reduce_max3A_297 : i32 to vector<16xi32>
    %reduce_max3A_299 = arith.xori %select_n3A_294, %reduce_max3A_298 : vector<16xi32>
    %reduce_max3A_300 = tpu.scan <max>, %reduce_max3A_299 masked %reduce_max3A_296 : vector<16xi32>, vector<16xi1> -> vector<16xi32>
    %reduce_max3A_301 = arith.xori %reduce_max3A_300, %reduce_max3A_298 : vector<16xi32>
    %reduce_max3A_302 = vector.extract %reduce_max3A_301[15] : i32 from vector<16xi32>
    %shift_right_logical3A_303 = arith.constant 3 : i32
    %shift_right_logical3A_304 = arith.shrui %reduce_max3A_291, %shift_right_logical3A_303 : i32
    %shift_left3A_305 = arith.constant 3 : i32
    %shift_left3A_306 = arith.shli %shift_right_logical3A_304, %shift_left3A_305 : i32
    %multiple_of3A_307 = tpu.assume_multiple %shift_left3A_306, 8 : i32
    %shift_right_logical3A_308 = arith.constant 3 : i32
    %shift_right_logical3A_309 = arith.shrui %reduce_max3A_302, %shift_right_logical3A_308 : i32
    %shift_left3A_310 = arith.constant 3 : i32
    %shift_left3A_311 = arith.shli %shift_right_logical3A_309, %shift_left3A_310 : i32
    %multiple_of3A_312 = tpu.assume_multiple %shift_left3A_311, 8 : i32
    %dma_start3A_313 = arith.constant 40 : i32
    %dma_start3A_314 = arith.constant 0 : i32
    %dma_start3A_315 = tpu.memref_slice %arg9[%dma_start3A_313, %dma_start3A_314] : memref<256x30xf32, #tpu.memory_space<vmem>> -> memref<8x30xf32, #tpu.memory_space<vmem>>
    %dma_start3A_316 = arith.constant 0 : i32
    %dma_start3A_317 = tpu.memref_slice %arg4[%multiple_of3A_307, %dma_start3A_316] : memref<100000x30xf32, #tpu.memory_space<hbm>> -> memref<8x30xf32, #tpu.memory_space<hbm>>
    %dma_start3A_318 = arith.constant 40 : i32
    %dma_start3A_319 = arith.constant 0 : i32
    %dma_start3A_320 = tpu.memref_slice %arg9[%dma_start3A_318, %dma_start3A_319] : memref<256x30xf32, #tpu.memory_space<vmem>> -> memref<8x30xf32, #tpu.memory_space<vmem>>
    %dma_start3A_321 = arith.constant 0 : i32
    %dma_start3A_322 = tpu.memref_slice %arg4[%multiple_of3A_307, %dma_start3A_321] : memref<100000x30xf32, #tpu.memory_space<hbm>> -> memref<8x30xf32, #tpu.memory_space<hbm>>
    tpu.enqueue_dma source(%dma_start3A_322 : memref<8x30xf32, #tpu.memory_space<hbm>>) target(%dma_start3A_320 : memref<8x30xf32, #tpu.memory_space<vmem>>) target_semaphore(%arg12 : memref<!tpu.dma_semaphore, #tpu.memory_space<semaphore_mem>>)
    %dma_start3A_323 = arith.constant 40 : i32
    %dma_start3A_324 = arith.constant 0 : i32
    %dma_start3A_325 = tpu.memref_slice %arg10[%dma_start3A_323, %dma_start3A_324] : memref<256x30xf32, #tpu.memory_space<vmem>> -> memref<8x30xf32, #tpu.memory_space<vmem>>
    %dma_start3A_326 = arith.constant 0 : i32
    %dma_start3A_327 = tpu.memref_slice %arg5[%multiple_of3A_312, %dma_start3A_326] : memref<1000000x30xf32, #tpu.memory_space<hbm>> -> memref<8x30xf32, #tpu.memory_space<hbm>>
    %dma_start3A_328 = arith.constant 40 : i32
    %dma_start3A_329 = arith.constant 0 : i32
    %dma_start3A_330 = tpu.memref_slice %arg10[%dma_start3A_328, %dma_start3A_329] : memref<256x30xf32, #tpu.memory_space<vmem>> -> memref<8x30xf32, #tpu.memory_space<vmem>>
    %dma_start3A_331 = arith.constant 0 : i32
    %dma_start3A_332 = tpu.memref_slice %arg5[%multiple_of3A_312, %dma_start3A_331] : memref<1000000x30xf32, #tpu.memory_space<hbm>> -> memref<8x30xf32, #tpu.memory_space<hbm>>
    tpu.enqueue_dma source(%dma_start3A_332 : memref<8x30xf32, #tpu.memory_space<hbm>>) target(%dma_start3A_330 : memref<8x30xf32, #tpu.memory_space<vmem>>) target_semaphore(%arg12 : memref<!tpu.dma_semaphore, #tpu.memory_space<semaphore_mem>>)
    %eq3A_333 = arith.constant 6 : i32
    %eq3A_334 = vector.broadcast %eq3A_333 : i32 to vector<16xi32>
    %eq3A_335 = arith.cmpi eq, %iota3A, %eq3A_334 : vector<16xi32>
    %jit3A_336 = arith.constant 0 : i32
    %broadcast_in_dim3A_337 = vector.broadcast %jit3A_336 : i32 to vector<16xi32>
    %select_n3A_338 = arith.select %eq3A_335, %get3A_8, %broadcast_in_dim3A_337 : vector<16xi1>, vector<16xi32>
    %reduce_max3A_339 = arith.constant true
    %reduce_max3A_340 = vector.broadcast %reduce_max3A_339 : i1 to vector<16xi1>
    %reduce_max3A_341 = arith.constant -2147483648 : i32
    %reduce_max3A_342 = vector.broadcast %reduce_max3A_341 : i32 to vector<16xi32>
    %reduce_max3A_343 = arith.xori %select_n3A_338, %reduce_max3A_342 : vector<16xi32>
    %reduce_max3A_344 = tpu.scan <max>, %reduce_max3A_343 masked %reduce_max3A_340 : vector<16xi32>, vector<16xi1> -> vector<16xi32>
    %reduce_max3A_345 = arith.xori %reduce_max3A_344, %reduce_max3A_342 : vector<16xi32>
    %reduce_max3A_346 = vector.extract %reduce_max3A_345[15] : i32 from vector<16xi32>
    %jit3A_347 = arith.constant 0 : i32
    %broadcast_in_dim3A_348 = vector.broadcast %jit3A_347 : i32 to vector<16xi32>
    %select_n3A_349 = arith.select %eq3A_335, %get3A_10, %broadcast_in_dim3A_348 : vector<16xi1>, vector<16xi32>
    %reduce_max3A_350 = arith.constant true
    %reduce_max3A_351 = vector.broadcast %reduce_max3A_350 : i1 to vector<16xi1>
    %reduce_max3A_352 = arith.constant -2147483648 : i32
    %reduce_max3A_353 = vector.broadcast %reduce_max3A_352 : i32 to vector<16xi32>
    %reduce_max3A_354 = arith.xori %select_n3A_349, %reduce_max3A_353 : vector<16xi32>
    %reduce_max3A_355 = tpu.scan <max>, %reduce_max3A_354 masked %reduce_max3A_351 : vector<16xi32>, vector<16xi1> -> vector<16xi32>
    %reduce_max3A_356 = arith.xori %reduce_max3A_355, %reduce_max3A_353 : vector<16xi32>
    %reduce_max3A_357 = vector.extract %reduce_max3A_356[15] : i32 from vector<16xi32>
    %shift_right_logical3A_358 = arith.constant 3 : i32
    %shift_right_logical3A_359 = arith.shrui %reduce_max3A_346, %shift_right_logical3A_358 : i32
    %shift_left3A_360 = arith.constant 3 : i32
    %shift_left3A_361 = arith.shli %shift_right_logical3A_359, %shift_left3A_360 : i32
    %multiple_of3A_362 = tpu.assume_multiple %shift_left3A_361, 8 : i32
    %shift_right_logical3A_363 = arith.constant 3 : i32
    %shift_right_logical3A_364 = arith.shrui %reduce_max3A_357, %shift_right_logical3A_363 : i32
    %shift_left3A_365 = arith.constant 3 : i32
    %shift_left3A_366 = arith.shli %shift_right_logical3A_364, %shift_left3A_365 : i32
    %multiple_of3A_367 = tpu.assume_multiple %shift_left3A_366, 8 : i32
    %dma_start3A_368 = arith.constant 48 : i32
    %dma_start3A_369 = arith.constant 0 : i32
    %dma_start3A_370 = tpu.memref_slice %arg9[%dma_start3A_368, %dma_start3A_369] : memref<256x30xf32, #tpu.memory_space<vmem>> -> memref<8x30xf32, #tpu.memory_space<vmem>>
    %dma_start3A_371 = arith.constant 0 : i32
    %dma_start3A_372 = tpu.memref_slice %arg4[%multiple_of3A_362, %dma_start3A_371] : memref<100000x30xf32, #tpu.memory_space<hbm>> -> memref<8x30xf32, #tpu.memory_space<hbm>>
    %dma_start3A_373 = arith.constant 48 : i32
    %dma_start3A_374 = arith.constant 0 : i32
    %dma_start3A_375 = tpu.memref_slice %arg9[%dma_start3A_373, %dma_start3A_374] : memref<256x30xf32, #tpu.memory_space<vmem>> -> memref<8x30xf32, #tpu.memory_space<vmem>>
    %dma_start3A_376 = arith.constant 0 : i32
    %dma_start3A_377 = tpu.memref_slice %arg4[%multiple_of3A_362, %dma_start3A_376] : memref<100000x30xf32, #tpu.memory_space<hbm>> -> memref<8x30xf32, #tpu.memory_space<hbm>>
    tpu.enqueue_dma source(%dma_start3A_377 : memref<8x30xf32, #tpu.memory_space<hbm>>) target(%dma_start3A_375 : memref<8x30xf32, #tpu.memory_space<vmem>>) target_semaphore(%arg12 : memref<!tpu.dma_semaphore, #tpu.memory_space<semaphore_mem>>)
    %dma_start3A_378 = arith.constant 48 : i32
    %dma_start3A_379 = arith.constant 0 : i32
    %dma_start3A_380 = tpu.memref_slice %arg10[%dma_start3A_378, %dma_start3A_379] : memref<256x30xf32, #tpu.memory_space<vmem>> -> memref<8x30xf32, #tpu.memory_space<vmem>>
    %dma_start3A_381 = arith.constant 0 : i32
    %dma_start3A_382 = tpu.memref_slice %arg5[%multiple_of3A_367, %dma_start3A_381] : memref<1000000x30xf32, #tpu.memory_space<hbm>> -> memref<8x30xf32, #tpu.memory_space<hbm>>
    %dma_start3A_383 = arith.constant 48 : i32
    %dma_start3A_384 = arith.constant 0 : i32
    %dma_start3A_385 = tpu.memref_slice %arg10[%dma_start3A_383, %dma_start3A_384] : memref<256x30xf32, #tpu.memory_space<vmem>> -> memref<8x30xf32, #tpu.memory_space<vmem>>
    %dma_start3A_386 = arith.constant 0 : i32
    %dma_start3A_387 = tpu.memref_slice %arg5[%multiple_of3A_367, %dma_start3A_386] : memref<1000000x30xf32, #tpu.memory_space<hbm>> -> memref<8x30xf32, #tpu.memory_space<hbm>>
    tpu.enqueue_dma source(%dma_start3A_387 : memref<8x30xf32, #tpu.memory_space<hbm>>) target(%dma_start3A_385 : memref<8x30xf32, #tpu.memory_space<vmem>>) target_semaphore(%arg12 : memref<!tpu.dma_semaphore, #tpu.memory_space<semaphore_mem>>)
    %eq3A_388 = arith.constant 7 : i32
    %eq3A_389 = vector.broadcast %eq3A_388 : i32 to vector<16xi32>
    %eq3A_390 = arith.cmpi eq, %iota3A, %eq3A_389 : vector<16xi32>
    %jit3A_391 = arith.constant 0 : i32
    %broadcast_in_dim3A_392 = vector.broadcast %jit3A_391 : i32 to vector<16xi32>
    %select_n3A_393 = arith.select %eq3A_390, %get3A_8, %broadcast_in_dim3A_392 : vector<16xi1>, vector<16xi32>
    %reduce_max3A_394 = arith.constant true
    %reduce_max3A_395 = vector.broadcast %reduce_max3A_394 : i1 to vector<16xi1>
    %reduce_max3A_396 = arith.constant -2147483648 : i32
    %reduce_max3A_397 = vector.broadcast %reduce_max3A_396 : i32 to vector<16xi32>
    %reduce_max3A_398 = arith.xori %select_n3A_393, %reduce_max3A_397 : vector<16xi32>
    %reduce_max3A_399 = tpu.scan <max>, %reduce_max3A_398 masked %reduce_max3A_395 : vector<16xi32>, vector<16xi1> -> vector<16xi32>
    %reduce_max3A_400 = arith.xori %reduce_max3A_399, %reduce_max3A_397 : vector<16xi32>
    %reduce_max3A_401 = vector.extract %reduce_max3A_400[15] : i32 from vector<16xi32>
    %jit3A_402 = arith.constant 0 : i32
    %broadcast_in_dim3A_403 = vector.broadcast %jit3A_402 : i32 to vector<16xi32>
    %select_n3A_404 = arith.select %eq3A_390, %get3A_10, %broadcast_in_dim3A_403 : vector<16xi1>, vector<16xi32>
    %reduce_max3A_405 = arith.constant true
    %reduce_max3A_406 = vector.broadcast %reduce_max3A_405 : i1 to vector<16xi1>
    %reduce_max3A_407 = arith.constant -2147483648 : i32
    %reduce_max3A_408 = vector.broadcast %reduce_max3A_407 : i32 to vector<16xi32>
    %reduce_max3A_409 = arith.xori %select_n3A_404, %reduce_max3A_408 : vector<16xi32>
    %reduce_max3A_410 = tpu.scan <max>, %reduce_max3A_409 masked %reduce_max3A_406 : vector<16xi32>, vector<16xi1> -> vector<16xi32>
    %reduce_max3A_411 = arith.xori %reduce_max3A_410, %reduce_max3A_408 : vector<16xi32>
    %reduce_max3A_412 = vector.extract %reduce_max3A_411[15] : i32 from vector<16xi32>
    %shift_right_logical3A_413 = arith.constant 3 : i32
    %shift_right_logical3A_414 = arith.shrui %reduce_max3A_401, %shift_right_logical3A_413 : i32
    %shift_left3A_415 = arith.constant 3 : i32
    %shift_left3A_416 = arith.shli %shift_right_logical3A_414, %shift_left3A_415 : i32
    %multiple_of3A_417 = tpu.assume_multiple %shift_left3A_416, 8 : i32
    %shift_right_logical3A_418 = arith.constant 3 : i32
    %shift_right_logical3A_419 = arith.shrui %reduce_max3A_412, %shift_right_logical3A_418 : i32
    %shift_left3A_420 = arith.constant 3 : i32
    %shift_left3A_421 = arith.shli %shift_right_logical3A_419, %shift_left3A_420 : i32
    %multiple_of3A_422 = tpu.assume_multiple %shift_left3A_421, 8 : i32
    %dma_start3A_423 = arith.constant 56 : i32
    %dma_start3A_424 = arith.constant 0 : i32
    %dma_start3A_425 = tpu.memref_slice %arg9[%dma_start3A_423, %dma_start3A_424] : memref<256x30xf32, #tpu.memory_space<vmem>> -> memref<8x30xf32, #tpu.memory_space<vmem>>
    %dma_start3A_426 = arith.constant 0 : i32
    %dma_start3A_427 = tpu.memref_slice %arg4[%multiple_of3A_417, %dma_start3A_426] : memref<100000x30xf32, #tpu.memory_space<hbm>> -> memref<8x30xf32, #tpu.memory_space<hbm>>
    %dma_start3A_428 = arith.constant 56 : i32
    %dma_start3A_429 = arith.constant 0 : i32
    %dma_start3A_430 = tpu.memref_slice %arg9[%dma_start3A_428, %dma_start3A_429] : memref<256x30xf32, #tpu.memory_space<vmem>> -> memref<8x30xf32, #tpu.memory_space<vmem>>
    %dma_start3A_431 = arith.constant 0 : i32
    %dma_start3A_432 = tpu.memref_slice %arg4[%multiple_of3A_417, %dma_start3A_431] : memref<100000x30xf32, #tpu.memory_space<hbm>> -> memref<8x30xf32, #tpu.memory_space<hbm>>
    tpu.enqueue_dma source(%dma_start3A_432 : memref<8x30xf32, #tpu.memory_space<hbm>>) target(%dma_start3A_430 : memref<8x30xf32, #tpu.memory_space<vmem>>) target_semaphore(%arg12 : memref<!tpu.dma_semaphore, #tpu.memory_space<semaphore_mem>>)
    %dma_start3A_433 = arith.constant 56 : i32
    %dma_start3A_434 = arith.constant 0 : i32
    %dma_start3A_435 = tpu.memref_slice %arg10[%dma_start3A_433, %dma_start3A_434] : memref<256x30xf32, #tpu.memory_space<vmem>> -> memref<8x30xf32, #tpu.memory_space<vmem>>
    %dma_start3A_436 = arith.constant 0 : i32
    %dma_start3A_437 = tpu.memref_slice %arg5[%multiple_of3A_422, %dma_start3A_436] : memref<1000000x30xf32, #tpu.memory_space<hbm>> -> memref<8x30xf32, #tpu.memory_space<hbm>>
    %dma_start3A_438 = arith.constant 56 : i32
    %dma_start3A_439 = arith.constant 0 : i32
    %dma_start3A_440 = tpu.memref_slice %arg10[%dma_start3A_438, %dma_start3A_439] : memref<256x30xf32, #tpu.memory_space<vmem>> -> memref<8x30xf32, #tpu.memory_space<vmem>>
    %dma_start3A_441 = arith.constant 0 : i32
    %dma_start3A_442 = tpu.memref_slice %arg5[%multiple_of3A_422, %dma_start3A_441] : memref<1000000x30xf32, #tpu.memory_space<hbm>> -> memref<8x30xf32, #tpu.memory_space<hbm>>
    tpu.enqueue_dma source(%dma_start3A_442 : memref<8x30xf32, #tpu.memory_space<hbm>>) target(%dma_start3A_440 : memref<8x30xf32, #tpu.memory_space<vmem>>) target_semaphore(%arg12 : memref<!tpu.dma_semaphore, #tpu.memory_space<semaphore_mem>>)
    %eq3A_443 = arith.constant 8 : i32
    %eq3A_444 = vector.broadcast %eq3A_443 : i32 to vector<16xi32>
    %eq3A_445 = arith.cmpi eq, %iota3A, %eq3A_444 : vector<16xi32>
    %jit3A_446 = arith.constant 0 : i32
    %broadcast_in_dim3A_447 = vector.broadcast %jit3A_446 : i32 to vector<16xi32>
    %select_n3A_448 = arith.select %eq3A_445, %get3A_8, %broadcast_in_dim3A_447 : vector<16xi1>, vector<16xi32>
    %reduce_max3A_449 = arith.constant true
    %reduce_max3A_450 = vector.broadcast %reduce_max3A_449 : i1 to vector<16xi1>
    %reduce_max3A_451 = arith.constant -2147483648 : i32
    %reduce_max3A_452 = vector.broadcast %reduce_max3A_451 : i32 to vector<16xi32>
    %reduce_max3A_453 = arith.xori %select_n3A_448, %reduce_max3A_452 : vector<16xi32>
    %reduce_max3A_454 = tpu.scan <max>, %reduce_max3A_453 masked %reduce_max3A_450 : vector<16xi32>, vector<16xi1> -> vector<16xi32>
    %reduce_max3A_455 = arith.xori %reduce_max3A_454, %reduce_max3A_452 : vector<16xi32>
    %reduce_max3A_456 = vector.extract %reduce_max3A_455[15] : i32 from vector<16xi32>
    %jit3A_457 = arith.constant 0 : i32
    %broadcast_in_dim3A_458 = vector.broadcast %jit3A_457 : i32 to vector<16xi32>
    %select_n3A_459 = arith.select %eq3A_445, %get3A_10, %broadcast_in_dim3A_458 : vector<16xi1>, vector<16xi32>
    %reduce_max3A_460 = arith.constant true
    %reduce_max3A_461 = vector.broadcast %reduce_max3A_460 : i1 to vector<16xi1>
    %reduce_max3A_462 = arith.constant -2147483648 : i32
    %reduce_max3A_463 = vector.broadcast %reduce_max3A_462 : i32 to vector<16xi32>
    %reduce_max3A_464 = arith.xori %select_n3A_459, %reduce_max3A_463 : vector<16xi32>
    %reduce_max3A_465 = tpu.scan <max>, %reduce_max3A_464 masked %reduce_max3A_461 : vector<16xi32>, vector<16xi1> -> vector<16xi32>
    %reduce_max3A_466 = arith.xori %reduce_max3A_465, %reduce_max3A_463 : vector<16xi32>
    %reduce_max3A_467 = vector.extract %reduce_max3A_466[15] : i32 from vector<16xi32>
    %shift_right_logical3A_468 = arith.constant 3 : i32
    %shift_right_logical3A_469 = arith.shrui %reduce_max3A_456, %shift_right_logical3A_468 : i32
    %shift_left3A_470 = arith.constant 3 : i32
    %shift_left3A_471 = arith.shli %shift_right_logical3A_469, %shift_left3A_470 : i32
    %multiple_of3A_472 = tpu.assume_multiple %shift_left3A_471, 8 : i32
    %shift_right_logical3A_473 = arith.constant 3 : i32
    %shift_right_logical3A_474 = arith.shrui %reduce_max3A_467, %shift_right_logical3A_473 : i32
    %shift_left3A_475 = arith.constant 3 : i32
    %shift_left3A_476 = arith.shli %shift_right_logical3A_474, %shift_left3A_475 : i32
    %multiple_of3A_477 = tpu.assume_multiple %shift_left3A_476, 8 : i32
    %dma_start3A_478 = arith.constant 64 : i32
    %dma_start3A_479 = arith.constant 0 : i32
    %dma_start3A_480 = tpu.memref_slice %arg9[%dma_start3A_478, %dma_start3A_479] : memref<256x30xf32, #tpu.memory_space<vmem>> -> memref<8x30xf32, #tpu.memory_space<vmem>>
    %dma_start3A_481 = arith.constant 0 : i32
    %dma_start3A_482 = tpu.memref_slice %arg4[%multiple_of3A_472, %dma_start3A_481] : memref<100000x30xf32, #tpu.memory_space<hbm>> -> memref<8x30xf32, #tpu.memory_space<hbm>>
    %dma_start3A_483 = arith.constant 64 : i32
    %dma_start3A_484 = arith.constant 0 : i32
    %dma_start3A_485 = tpu.memref_slice %arg9[%dma_start3A_483, %dma_start3A_484] : memref<256x30xf32, #tpu.memory_space<vmem>> -> memref<8x30xf32, #tpu.memory_space<vmem>>
    %dma_start3A_486 = arith.constant 0 : i32
    %dma_start3A_487 = tpu.memref_slice %arg4[%multiple_of3A_472, %dma_start3A_486] : memref<100000x30xf32, #tpu.memory_space<hbm>> -> memref<8x30xf32, #tpu.memory_space<hbm>>
    tpu.enqueue_dma source(%dma_start3A_487 : memref<8x30xf32, #tpu.memory_space<hbm>>) target(%dma_start3A_485 : memref<8x30xf32, #tpu.memory_space<vmem>>) target_semaphore(%arg12 : memref<!tpu.dma_semaphore, #tpu.memory_space<semaphore_mem>>)
    %dma_start3A_488 = arith.constant 64 : i32
    %dma_start3A_489 = arith.constant 0 : i32
    %dma_start3A_490 = tpu.memref_slice %arg10[%dma_start3A_488, %dma_start3A_489] : memref<256x30xf32, #tpu.memory_space<vmem>> -> memref<8x30xf32, #tpu.memory_space<vmem>>
    %dma_start3A_491 = arith.constant 0 : i32
    %dma_start3A_492 = tpu.memref_slice %arg5[%multiple_of3A_477, %dma_start3A_491] : memref<1000000x30xf32, #tpu.memory_space<hbm>> -> memref<8x30xf32, #tpu.memory_space<hbm>>
    %dma_start3A_493 = arith.constant 64 : i32
    %dma_start3A_494 = arith.constant 0 : i32
    %dma_start3A_495 = tpu.memref_slice %arg10[%dma_start3A_493, %dma_start3A_494] : memref<256x30xf32, #tpu.memory_space<vmem>> -> memref<8x30xf32, #tpu.memory_space<vmem>>
    %dma_start3A_496 = arith.constant 0 : i32
    %dma_start3A_497 = tpu.memref_slice %arg5[%multiple_of3A_477, %dma_start3A_496] : memref<1000000x30xf32, #tpu.memory_space<hbm>> -> memref<8x30xf32, #tpu.memory_space<hbm>>
    tpu.enqueue_dma source(%dma_start3A_497 : memref<8x30xf32, #tpu.memory_space<hbm>>) target(%dma_start3A_495 : memref<8x30xf32, #tpu.memory_space<vmem>>) target_semaphore(%arg12 : memref<!tpu.dma_semaphore, #tpu.memory_space<semaphore_mem>>)
    %eq3A_498 = arith.constant 9 : i32
    %eq3A_499 = vector.broadcast %eq3A_498 : i32 to vector<16xi32>
    %eq3A_500 = arith.cmpi eq, %iota3A, %eq3A_499 : vector<16xi32>
    %jit3A_501 = arith.constant 0 : i32
    %broadcast_in_dim3A_502 = vector.broadcast %jit3A_501 : i32 to vector<16xi32>
    %select_n3A_503 = arith.select %eq3A_500, %get3A_8, %broadcast_in_dim3A_502 : vector<16xi1>, vector<16xi32>
    %reduce_max3A_504 = arith.constant true
    %reduce_max3A_505 = vector.broadcast %reduce_max3A_504 : i1 to vector<16xi1>
    %reduce_max3A_506 = arith.constant -2147483648 : i32
    %reduce_max3A_507 = vector.broadcast %reduce_max3A_506 : i32 to vector<16xi32>
    %reduce_max3A_508 = arith.xori %select_n3A_503, %reduce_max3A_507 : vector<16xi32>
    %reduce_max3A_509 = tpu.scan <max>, %reduce_max3A_508 masked %reduce_max3A_505 : vector<16xi32>, vector<16xi1> -> vector<16xi32>
    %reduce_max3A_510 = arith.xori %reduce_max3A_509, %reduce_max3A_507 : vector<16xi32>
    %reduce_max3A_511 = vector.extract %reduce_max3A_510[15] : i32 from vector<16xi32>
    %jit3A_512 = arith.constant 0 : i32
    %broadcast_in_dim3A_513 = vector.broadcast %jit3A_512 : i32 to vector<16xi32>
    %select_n3A_514 = arith.select %eq3A_500, %get3A_10, %broadcast_in_dim3A_513 : vector<16xi1>, vector<16xi32>
    %reduce_max3A_515 = arith.constant true
    %reduce_max3A_516 = vector.broadcast %reduce_max3A_515 : i1 to vector<16xi1>
    %reduce_max3A_517 = arith.constant -2147483648 : i32
    %reduce_max3A_518 = vector.broadcast %reduce_max3A_517 : i32 to vector<16xi32>
    %reduce_max3A_519 = arith.xori %select_n3A_514, %reduce_max3A_518 : vector<16xi32>
    %reduce_max3A_520 = tpu.scan <max>, %reduce_max3A_519 masked %reduce_max3A_516 : vector<16xi32>, vector<16xi1> -> vector<16xi32>
    %reduce_max3A_521 = arith.xori %reduce_max3A_520, %reduce_max3A_518 : vector<16xi32>
    %reduce_max3A_522 = vector.extract %reduce_max3A_521[15] : i32 from vector<16xi32>
    %shift_right_logical3A_523 = arith.constant 3 : i32
    %shift_right_logical3A_524 = arith.shrui %reduce_max3A_511, %shift_right_logical3A_523 : i32
    %shift_left3A_525 = arith.constant 3 : i32
    %shift_left3A_526 = arith.shli %shift_right_logical3A_524, %shift_left3A_525 : i32
    %multiple_of3A_527 = tpu.assume_multiple %shift_left3A_526, 8 : i32
    %shift_right_logical3A_528 = arith.constant 3 : i32
    %shift_right_logical3A_529 = arith.shrui %reduce_max3A_522, %shift_right_logical3A_528 : i32
    %shift_left3A_530 = arith.constant 3 : i32
    %shift_left3A_531 = arith.shli %shift_right_logical3A_529, %shift_left3A_530 : i32
    %multiple_of3A_532 = tpu.assume_multiple %shift_left3A_531, 8 : i32
    %dma_start3A_533 = arith.constant 72 : i32
    %dma_start3A_534 = arith.constant 0 : i32
    %dma_start3A_535 = tpu.memref_slice %arg9[%dma_start3A_533, %dma_start3A_534] : memref<256x30xf32, #tpu.memory_space<vmem>> -> memref<8x30xf32, #tpu.memory_space<vmem>>
    %dma_start3A_536 = arith.constant 0 : i32
    %dma_start3A_537 = tpu.memref_slice %arg4[%multiple_of3A_527, %dma_start3A_536] : memref<100000x30xf32, #tpu.memory_space<hbm>> -> memref<8x30xf32, #tpu.memory_space<hbm>>
    %dma_start3A_538 = arith.constant 72 : i32
    %dma_start3A_539 = arith.constant 0 : i32
    %dma_start3A_540 = tpu.memref_slice %arg9[%dma_start3A_538, %dma_start3A_539] : memref<256x30xf32, #tpu.memory_space<vmem>> -> memref<8x30xf32, #tpu.memory_space<vmem>>
    %dma_start3A_541 = arith.constant 0 : i32
    %dma_start3A_542 = tpu.memref_slice %arg4[%multiple_of3A_527, %dma_start3A_541] : memref<100000x30xf32, #tpu.memory_space<hbm>> -> memref<8x30xf32, #tpu.memory_space<hbm>>
    tpu.enqueue_dma source(%dma_start3A_542 : memref<8x30xf32, #tpu.memory_space<hbm>>) target(%dma_start3A_540 : memref<8x30xf32, #tpu.memory_space<vmem>>) target_semaphore(%arg12 : memref<!tpu.dma_semaphore, #tpu.memory_space<semaphore_mem>>)
    %dma_start3A_543 = arith.constant 72 : i32
    %dma_start3A_544 = arith.constant 0 : i32
    %dma_start3A_545 = tpu.memref_slice %arg10[%dma_start3A_543, %dma_start3A_544] : memref<256x30xf32, #tpu.memory_space<vmem>> -> memref<8x30xf32, #tpu.memory_space<vmem>>
    %dma_start3A_546 = arith.constant 0 : i32
    %dma_start3A_547 = tpu.memref_slice %arg5[%multiple_of3A_532, %dma_start3A_546] : memref<1000000x30xf32, #tpu.memory_space<hbm>> -> memref<8x30xf32, #tpu.memory_space<hbm>>
    %dma_start3A_548 = arith.constant 72 : i32
    %dma_start3A_549 = arith.constant 0 : i32
    %dma_start3A_550 = tpu.memref_slice %arg10[%dma_start3A_548, %dma_start3A_549] : memref<256x30xf32, #tpu.memory_space<vmem>> -> memref<8x30xf32, #tpu.memory_space<vmem>>
    %dma_start3A_551 = arith.constant 0 : i32
    %dma_start3A_552 = tpu.memref_slice %arg5[%multiple_of3A_532, %dma_start3A_551] : memref<1000000x30xf32, #tpu.memory_space<hbm>> -> memref<8x30xf32, #tpu.memory_space<hbm>>
    tpu.enqueue_dma source(%dma_start3A_552 : memref<8x30xf32, #tpu.memory_space<hbm>>) target(%dma_start3A_550 : memref<8x30xf32, #tpu.memory_space<vmem>>) target_semaphore(%arg12 : memref<!tpu.dma_semaphore, #tpu.memory_space<semaphore_mem>>)
    %eq3A_553 = arith.constant 10 : i32
    %eq3A_554 = vector.broadcast %eq3A_553 : i32 to vector<16xi32>
    %eq3A_555 = arith.cmpi eq, %iota3A, %eq3A_554 : vector<16xi32>
    %jit3A_556 = arith.constant 0 : i32
    %broadcast_in_dim3A_557 = vector.broadcast %jit3A_556 : i32 to vector<16xi32>
    %select_n3A_558 = arith.select %eq3A_555, %get3A_8, %broadcast_in_dim3A_557 : vector<16xi1>, vector<16xi32>
    %reduce_max3A_559 = arith.constant true
    %reduce_max3A_560 = vector.broadcast %reduce_max3A_559 : i1 to vector<16xi1>
    %reduce_max3A_561 = arith.constant -2147483648 : i32
    %reduce_max3A_562 = vector.broadcast %reduce_max3A_561 : i32 to vector<16xi32>
    %reduce_max3A_563 = arith.xori %select_n3A_558, %reduce_max3A_562 : vector<16xi32>
    %reduce_max3A_564 = tpu.scan <max>, %reduce_max3A_563 masked %reduce_max3A_560 : vector<16xi32>, vector<16xi1> -> vector<16xi32>
    %reduce_max3A_565 = arith.xori %reduce_max3A_564, %reduce_max3A_562 : vector<16xi32>
    %reduce_max3A_566 = vector.extract %reduce_max3A_565[15] : i32 from vector<16xi32>
    %jit3A_567 = arith.constant 0 : i32
    %broadcast_in_dim3A_568 = vector.broadcast %jit3A_567 : i32 to vector<16xi32>
    %select_n3A_569 = arith.select %eq3A_555, %get3A_10, %broadcast_in_dim3A_568 : vector<16xi1>, vector<16xi32>
    %reduce_max3A_570 = arith.constant true
    %reduce_max3A_571 = vector.broadcast %reduce_max3A_570 : i1 to vector<16xi1>
    %reduce_max3A_572 = arith.constant -2147483648 : i32
    %reduce_max3A_573 = vector.broadcast %reduce_max3A_572 : i32 to vector<16xi32>
    %reduce_max3A_574 = arith.xori %select_n3A_569, %reduce_max3A_573 : vector<16xi32>
    %reduce_max3A_575 = tpu.scan <max>, %reduce_max3A_574 masked %reduce_max3A_571 : vector<16xi32>, vector<16xi1> -> vector<16xi32>
    %reduce_max3A_576 = arith.xori %reduce_max3A_575, %reduce_max3A_573 : vector<16xi32>
    %reduce_max3A_577 = vector.extract %reduce_max3A_576[15] : i32 from vector<16xi32>
    %shift_right_logical3A_578 = arith.constant 3 : i32
    %shift_right_logical3A_579 = arith.shrui %reduce_max3A_566, %shift_right_logical3A_578 : i32
    %shift_left3A_580 = arith.constant 3 : i32
    %shift_left3A_581 = arith.shli %shift_right_logical3A_579, %shift_left3A_580 : i32
    %multiple_of3A_582 = tpu.assume_multiple %shift_left3A_581, 8 : i32
    %shift_right_logical3A_583 = arith.constant 3 : i32
    %shift_right_logical3A_584 = arith.shrui %reduce_max3A_577, %shift_right_logical3A_583 : i32
    %shift_left3A_585 = arith.constant 3 : i32
    %shift_left3A_586 = arith.shli %shift_right_logical3A_584, %shift_left3A_585 : i32
    %multiple_of3A_587 = tpu.assume_multiple %shift_left3A_586, 8 : i32
    %dma_start3A_588 = arith.constant 80 : i32
    %dma_start3A_589 = arith.constant 0 : i32
    %dma_start3A_590 = tpu.memref_slice %arg9[%dma_start3A_588, %dma_start3A_589] : memref<256x30xf32, #tpu.memory_space<vmem>> -> memref<8x30xf32, #tpu.memory_space<vmem>>
    %dma_start3A_591 = arith.constant 0 : i32
    %dma_start3A_592 = tpu.memref_slice %arg4[%multiple_of3A_582, %dma_start3A_591] : memref<100000x30xf32, #tpu.memory_space<hbm>> -> memref<8x30xf32, #tpu.memory_space<hbm>>
    %dma_start3A_593 = arith.constant 80 : i32
    %dma_start3A_594 = arith.constant 0 : i32
    %dma_start3A_595 = tpu.memref_slice %arg9[%dma_start3A_593, %dma_start3A_594] : memref<256x30xf32, #tpu.memory_space<vmem>> -> memref<8x30xf32, #tpu.memory_space<vmem>>
    %dma_start3A_596 = arith.constant 0 : i32
    %dma_start3A_597 = tpu.memref_slice %arg4[%multiple_of3A_582, %dma_start3A_596] : memref<100000x30xf32, #tpu.memory_space<hbm>> -> memref<8x30xf32, #tpu.memory_space<hbm>>
    tpu.enqueue_dma source(%dma_start3A_597 : memref<8x30xf32, #tpu.memory_space<hbm>>) target(%dma_start3A_595 : memref<8x30xf32, #tpu.memory_space<vmem>>) target_semaphore(%arg12 : memref<!tpu.dma_semaphore, #tpu.memory_space<semaphore_mem>>)
    %dma_start3A_598 = arith.constant 80 : i32
    %dma_start3A_599 = arith.constant 0 : i32
    %dma_start3A_600 = tpu.memref_slice %arg10[%dma_start3A_598, %dma_start3A_599] : memref<256x30xf32, #tpu.memory_space<vmem>> -> memref<8x30xf32, #tpu.memory_space<vmem>>
    %dma_start3A_601 = arith.constant 0 : i32
    %dma_start3A_602 = tpu.memref_slice %arg5[%multiple_of3A_587, %dma_start3A_601] : memref<1000000x30xf32, #tpu.memory_space<hbm>> -> memref<8x30xf32, #tpu.memory_space<hbm>>
    %dma_start3A_603 = arith.constant 80 : i32
    %dma_start3A_604 = arith.constant 0 : i32
    %dma_start3A_605 = tpu.memref_slice %arg10[%dma_start3A_603, %dma_start3A_604] : memref<256x30xf32, #tpu.memory_space<vmem>> -> memref<8x30xf32, #tpu.memory_space<vmem>>
    %dma_start3A_606 = arith.constant 0 : i32
    %dma_start3A_607 = tpu.memref_slice %arg5[%multiple_of3A_587, %dma_start3A_606] : memref<1000000x30xf32, #tpu.memory_space<hbm>> -> memref<8x30xf32, #tpu.memory_space<hbm>>
    tpu.enqueue_dma source(%dma_start3A_607 : memref<8x30xf32, #tpu.memory_space<hbm>>) target(%dma_start3A_605 : memref<8x30xf32, #tpu.memory_space<vmem>>) target_semaphore(%arg12 : memref<!tpu.dma_semaphore, #tpu.memory_space<semaphore_mem>>)
    %eq3A_608 = arith.constant 11 : i32
    %eq3A_609 = vector.broadcast %eq3A_608 : i32 to vector<16xi32>
    %eq3A_610 = arith.cmpi eq, %iota3A, %eq3A_609 : vector<16xi32>
    %jit3A_611 = arith.constant 0 : i32
    %broadcast_in_dim3A_612 = vector.broadcast %jit3A_611 : i32 to vector<16xi32>
    %select_n3A_613 = arith.select %eq3A_610, %get3A_8, %broadcast_in_dim3A_612 : vector<16xi1>, vector<16xi32>
    %reduce_max3A_614 = arith.constant true
    %reduce_max3A_615 = vector.broadcast %reduce_max3A_614 : i1 to vector<16xi1>
    %reduce_max3A_616 = arith.constant -2147483648 : i32
    %reduce_max3A_617 = vector.broadcast %reduce_max3A_616 : i32 to vector<16xi32>
    %reduce_max3A_618 = arith.xori %select_n3A_613, %reduce_max3A_617 : vector<16xi32>
    %reduce_max3A_619 = tpu.scan <max>, %reduce_max3A_618 masked %reduce_max3A_615 : vector<16xi32>, vector<16xi1> -> vector<16xi32>
    %reduce_max3A_620 = arith.xori %reduce_max3A_619, %reduce_max3A_617 : vector<16xi32>
    %reduce_max3A_621 = vector.extract %reduce_max3A_620[15] : i32 from vector<16xi32>
    %jit3A_622 = arith.constant 0 : i32
    %broadcast_in_dim3A_623 = vector.broadcast %jit3A_622 : i32 to vector<16xi32>
    %select_n3A_624 = arith.select %eq3A_610, %get3A_10, %broadcast_in_dim3A_623 : vector<16xi1>, vector<16xi32>
    %reduce_max3A_625 = arith.constant true
    %reduce_max3A_626 = vector.broadcast %reduce_max3A_625 : i1 to vector<16xi1>
    %reduce_max3A_627 = arith.constant -2147483648 : i32
    %reduce_max3A_628 = vector.broadcast %reduce_max3A_627 : i32 to vector<16xi32>
    %reduce_max3A_629 = arith.xori %select_n3A_624, %reduce_max3A_628 : vector<16xi32>
    %reduce_max3A_630 = tpu.scan <max>, %reduce_max3A_629 masked %reduce_max3A_626 : vector<16xi32>, vector<16xi1> -> vector<16xi32>
    %reduce_max3A_631 = arith.xori %reduce_max3A_630, %reduce_max3A_628 : vector<16xi32>
    %reduce_max3A_632 = vector.extract %reduce_max3A_631[15] : i32 from vector<16xi32>
    %shift_right_logical3A_633 = arith.constant 3 : i32
    %shift_right_logical3A_634 = arith.shrui %reduce_max3A_621, %shift_right_logical3A_633 : i32
    %shift_left3A_635 = arith.constant 3 : i32
    %shift_left3A_636 = arith.shli %shift_right_logical3A_634, %shift_left3A_635 : i32
    %multiple_of3A_637 = tpu.assume_multiple %shift_left3A_636, 8 : i32
    %shift_right_logical3A_638 = arith.constant 3 : i32
    %shift_right_logical3A_639 = arith.shrui %reduce_max3A_632, %shift_right_logical3A_638 : i32
    %shift_left3A_640 = arith.constant 3 : i32
    %shift_left3A_641 = arith.shli %shift_right_logical3A_639, %shift_left3A_640 : i32
    %multiple_of3A_642 = tpu.assume_multiple %shift_left3A_641, 8 : i32
    %dma_start3A_643 = arith.constant 88 : i32
    %dma_start3A_644 = arith.constant 0 : i32
    %dma_start3A_645 = tpu.memref_slice %arg9[%dma_start3A_643, %dma_start3A_644] : memref<256x30xf32, #tpu.memory_space<vmem>> -> memref<8x30xf32, #tpu.memory_space<vmem>>
    %dma_start3A_646 = arith.constant 0 : i32
    %dma_start3A_647 = tpu.memref_slice %arg4[%multiple_of3A_637, %dma_start3A_646] : memref<100000x30xf32, #tpu.memory_space<hbm>> -> memref<8x30xf32, #tpu.memory_space<hbm>>
    %dma_start3A_648 = arith.constant 88 : i32
    %dma_start3A_649 = arith.constant 0 : i32
    %dma_start3A_650 = tpu.memref_slice %arg9[%dma_start3A_648, %dma_start3A_649] : memref<256x30xf32, #tpu.memory_space<vmem>> -> memref<8x30xf32, #tpu.memory_space<vmem>>
    %dma_start3A_651 = arith.constant 0 : i32
    %dma_start3A_652 = tpu.memref_slice %arg4[%multiple_of3A_637, %dma_start3A_651] : memref<100000x30xf32, #tpu.memory_space<hbm>> -> memref<8x30xf32, #tpu.memory_space<hbm>>
    tpu.enqueue_dma source(%dma_start3A_652 : memref<8x30xf32, #tpu.memory_space<hbm>>) target(%dma_start3A_650 : memref<8x30xf32, #tpu.memory_space<vmem>>) target_semaphore(%arg12 : memref<!tpu.dma_semaphore, #tpu.memory_space<semaphore_mem>>)
    %dma_start3A_653 = arith.constant 88 : i32
    %dma_start3A_654 = arith.constant 0 : i32
    %dma_start3A_655 = tpu.memref_slice %arg10[%dma_start3A_653, %dma_start3A_654] : memref<256x30xf32, #tpu.memory_space<vmem>> -> memref<8x30xf32, #tpu.memory_space<vmem>>
    %dma_start3A_656 = arith.constant 0 : i32
    %dma_start3A_657 = tpu.memref_slice %arg5[%multiple_of3A_642, %dma_start3A_656] : memref<1000000x30xf32, #tpu.memory_space<hbm>> -> memref<8x30xf32, #tpu.memory_space<hbm>>
    %dma_start3A_658 = arith.constant 88 : i32
    %dma_start3A_659 = arith.constant 0 : i32
    %dma_start3A_660 = tpu.memref_slice %arg10[%dma_start3A_658, %dma_start3A_659] : memref<256x30xf32, #tpu.memory_space<vmem>> -> memref<8x30xf32, #tpu.memory_space<vmem>>
    %dma_start3A_661 = arith.constant 0 : i32
    %dma_start3A_662 = tpu.memref_slice %arg5[%multiple_of3A_642, %dma_start3A_661] : memref<1000000x30xf32, #tpu.memory_space<hbm>> -> memref<8x30xf32, #tpu.memory_space<hbm>>
    tpu.enqueue_dma source(%dma_start3A_662 : memref<8x30xf32, #tpu.memory_space<hbm>>) target(%dma_start3A_660 : memref<8x30xf32, #tpu.memory_space<vmem>>) target_semaphore(%arg12 : memref<!tpu.dma_semaphore, #tpu.memory_space<semaphore_mem>>)
    %eq3A_663 = arith.constant 12 : i32
    %eq3A_664 = vector.broadcast %eq3A_663 : i32 to vector<16xi32>
    %eq3A_665 = arith.cmpi eq, %iota3A, %eq3A_664 : vector<16xi32>
    %jit3A_666 = arith.constant 0 : i32
    %broadcast_in_dim3A_667 = vector.broadcast %jit3A_666 : i32 to vector<16xi32>
    %select_n3A_668 = arith.select %eq3A_665, %get3A_8, %broadcast_in_dim3A_667 : vector<16xi1>, vector<16xi32>
    %reduce_max3A_669 = arith.constant true
    %reduce_max3A_670 = vector.broadcast %reduce_max3A_669 : i1 to vector<16xi1>
    %reduce_max3A_671 = arith.constant -2147483648 : i32
    %reduce_max3A_672 = vector.broadcast %reduce_max3A_671 : i32 to vector<16xi32>
    %reduce_max3A_673 = arith.xori %select_n3A_668, %reduce_max3A_672 : vector<16xi32>
    %reduce_max3A_674 = tpu.scan <max>, %reduce_max3A_673 masked %reduce_max3A_670 : vector<16xi32>, vector<16xi1> -> vector<16xi32>
    %reduce_max3A_675 = arith.xori %reduce_max3A_674, %reduce_max3A_672 : vector<16xi32>
    %reduce_max3A_676 = vector.extract %reduce_max3A_675[15] : i32 from vector<16xi32>
    %jit3A_677 = arith.constant 0 : i32
    %broadcast_in_dim3A_678 = vector.broadcast %jit3A_677 : i32 to vector<16xi32>
    %select_n3A_679 = arith.select %eq3A_665, %get3A_10, %broadcast_in_dim3A_678 : vector<16xi1>, vector<16xi32>
    %reduce_max3A_680 = arith.constant true
    %reduce_max3A_681 = vector.broadcast %reduce_max3A_680 : i1 to vector<16xi1>
    %reduce_max3A_682 = arith.constant -2147483648 : i32
    %reduce_max3A_683 = vector.broadcast %reduce_max3A_682 : i32 to vector<16xi32>
    %reduce_max3A_684 = arith.xori %select_n3A_679, %reduce_max3A_683 : vector<16xi32>
    %reduce_max3A_685 = tpu.scan <max>, %reduce_max3A_684 masked %reduce_max3A_681 : vector<16xi32>, vector<16xi1> -> vector<16xi32>
    %reduce_max3A_686 = arith.xori %reduce_max3A_685, %reduce_max3A_683 : vector<16xi32>
    %reduce_max3A_687 = vector.extract %reduce_max3A_686[15] : i32 from vector<16xi32>
    %shift_right_logical3A_688 = arith.constant 3 : i32
    %shift_right_logical3A_689 = arith.shrui %reduce_max3A_676, %shift_right_logical3A_688 : i32
    %shift_left3A_690 = arith.constant 3 : i32
    %shift_left3A_691 = arith.shli %shift_right_logical3A_689, %shift_left3A_690 : i32
    %multiple_of3A_692 = tpu.assume_multiple %shift_left3A_691, 8 : i32
    %shift_right_logical3A_693 = arith.constant 3 : i32
    %shift_right_logical3A_694 = arith.shrui %reduce_max3A_687, %shift_right_logical3A_693 : i32
    %shift_left3A_695 = arith.constant 3 : i32
    %shift_left3A_696 = arith.shli %shift_right_logical3A_694, %shift_left3A_695 : i32
    %multiple_of3A_697 = tpu.assume_multiple %shift_left3A_696, 8 : i32
    %dma_start3A_698 = arith.constant 96 : i32
    %dma_start3A_699 = arith.constant 0 : i32
    %dma_start3A_700 = tpu.memref_slice %arg9[%dma_start3A_698, %dma_start3A_699] : memref<256x30xf32, #tpu.memory_space<vmem>> -> memref<8x30xf32, #tpu.memory_space<vmem>>
    %dma_start3A_701 = arith.constant 0 : i32
    %dma_start3A_702 = tpu.memref_slice %arg4[%multiple_of3A_692, %dma_start3A_701] : memref<100000x30xf32, #tpu.memory_space<hbm>> -> memref<8x30xf32, #tpu.memory_space<hbm>>
    %dma_start3A_703 = arith.constant 96 : i32
    %dma_start3A_704 = arith.constant 0 : i32
    %dma_start3A_705 = tpu.memref_slice %arg9[%dma_start3A_703, %dma_start3A_704] : memref<256x30xf32, #tpu.memory_space<vmem>> -> memref<8x30xf32, #tpu.memory_space<vmem>>
    %dma_start3A_706 = arith.constant 0 : i32
    %dma_start3A_707 = tpu.memref_slice %arg4[%multiple_of3A_692, %dma_start3A_706] : memref<100000x30xf32, #tpu.memory_space<hbm>> -> memref<8x30xf32, #tpu.memory_space<hbm>>
    tpu.enqueue_dma source(%dma_start3A_707 : memref<8x30xf32, #tpu.memory_space<hbm>>) target(%dma_start3A_705 : memref<8x30xf32, #tpu.memory_space<vmem>>) target_semaphore(%arg12 : memref<!tpu.dma_semaphore, #tpu.memory_space<semaphore_mem>>)
    %dma_start3A_708 = arith.constant 96 : i32
    %dma_start3A_709 = arith.constant 0 : i32
    %dma_start3A_710 = tpu.memref_slice %arg10[%dma_start3A_708, %dma_start3A_709] : memref<256x30xf32, #tpu.memory_space<vmem>> -> memref<8x30xf32, #tpu.memory_space<vmem>>
    %dma_start3A_711 = arith.constant 0 : i32
    %dma_start3A_712 = tpu.memref_slice %arg5[%multiple_of3A_697, %dma_start3A_711] : memref<1000000x30xf32, #tpu.memory_space<hbm>> -> memref<8x30xf32, #tpu.memory_space<hbm>>
    %dma_start3A_713 = arith.constant 96 : i32
    %dma_start3A_714 = arith.constant 0 : i32
    %dma_start3A_715 = tpu.memref_slice %arg10[%dma_start3A_713, %dma_start3A_714] : memref<256x30xf32, #tpu.memory_space<vmem>> -> memref<8x30xf32, #tpu.memory_space<vmem>>
    %dma_start3A_716 = arith.constant 0 : i32
    %dma_start3A_717 = tpu.memref_slice %arg5[%multiple_of3A_697, %dma_start3A_716] : memref<1000000x30xf32, #tpu.memory_space<hbm>> -> memref<8x30xf32, #tpu.memory_space<hbm>>
    tpu.enqueue_dma source(%dma_start3A_717 : memref<8x30xf32, #tpu.memory_space<hbm>>) target(%dma_start3A_715 : memref<8x30xf32, #tpu.memory_space<vmem>>) target_semaphore(%arg12 : memref<!tpu.dma_semaphore, #tpu.memory_space<semaphore_mem>>)
    %eq3A_718 = arith.constant 13 : i32
    %eq3A_719 = vector.broadcast %eq3A_718 : i32 to vector<16xi32>
    %eq3A_720 = arith.cmpi eq, %iota3A, %eq3A_719 : vector<16xi32>
    %jit3A_721 = arith.constant 0 : i32
    %broadcast_in_dim3A_722 = vector.broadcast %jit3A_721 : i32 to vector<16xi32>
    %select_n3A_723 = arith.select %eq3A_720, %get3A_8, %broadcast_in_dim3A_722 : vector<16xi1>, vector<16xi32>
    %reduce_max3A_724 = arith.constant true
    %reduce_max3A_725 = vector.broadcast %reduce_max3A_724 : i1 to vector<16xi1>
    %reduce_max3A_726 = arith.constant -2147483648 : i32
    %reduce_max3A_727 = vector.broadcast %reduce_max3A_726 : i32 to vector<16xi32>
    %reduce_max3A_728 = arith.xori %select_n3A_723, %reduce_max3A_727 : vector<16xi32>
    %reduce_max3A_729 = tpu.scan <max>, %reduce_max3A_728 masked %reduce_max3A_725 : vector<16xi32>, vector<16xi1> -> vector<16xi32>
    %reduce_max3A_730 = arith.xori %reduce_max3A_729, %reduce_max3A_727 : vector<16xi32>
    %reduce_max3A_731 = vector.extract %reduce_max3A_730[15] : i32 from vector<16xi32>
    %jit3A_732 = arith.constant 0 : i32
    %broadcast_in_dim3A_733 = vector.broadcast %jit3A_732 : i32 to vector<16xi32>
    %select_n3A_734 = arith.select %eq3A_720, %get3A_10, %broadcast_in_dim3A_733 : vector<16xi1>, vector<16xi32>
    %reduce_max3A_735 = arith.constant true
    %reduce_max3A_736 = vector.broadcast %reduce_max3A_735 : i1 to vector<16xi1>
    %reduce_max3A_737 = arith.constant -2147483648 : i32
    %reduce_max3A_738 = vector.broadcast %reduce_max3A_737 : i32 to vector<16xi32>
    %reduce_max3A_739 = arith.xori %select_n3A_734, %reduce_max3A_738 : vector<16xi32>
    %reduce_max3A_740 = tpu.scan <max>, %reduce_max3A_739 masked %reduce_max3A_736 : vector<16xi32>, vector<16xi1> -> vector<16xi32>
    %reduce_max3A_741 = arith.xori %reduce_max3A_740, %reduce_max3A_738 : vector<16xi32>
    %reduce_max3A_742 = vector.extract %reduce_max3A_741[15] : i32 from vector<16xi32>
    %shift_right_logical3A_743 = arith.constant 3 : i32
    %shift_right_logical3A_744 = arith.shrui %reduce_max3A_731, %shift_right_logical3A_743 : i32
    %shift_left3A_745 = arith.constant 3 : i32
    %shift_left3A_746 = arith.shli %shift_right_logical3A_744, %shift_left3A_745 : i32
    %multiple_of3A_747 = tpu.assume_multiple %shift_left3A_746, 8 : i32
    %shift_right_logical3A_748 = arith.constant 3 : i32
    %shift_right_logical3A_749 = arith.shrui %reduce_max3A_742, %shift_right_logical3A_748 : i32
    %shift_left3A_750 = arith.constant 3 : i32
    %shift_left3A_751 = arith.shli %shift_right_logical3A_749, %shift_left3A_750 : i32
    %multiple_of3A_752 = tpu.assume_multiple %shift_left3A_751, 8 : i32
    %dma_start3A_753 = arith.constant 104 : i32
    %dma_start3A_754 = arith.constant 0 : i32
    %dma_start3A_755 = tpu.memref_slice %arg9[%dma_start3A_753, %dma_start3A_754] : memref<256x30xf32, #tpu.memory_space<vmem>> -> memref<8x30xf32, #tpu.memory_space<vmem>>
    %dma_start3A_756 = arith.constant 0 : i32
    %dma_start3A_757 = tpu.memref_slice %arg4[%multiple_of3A_747, %dma_start3A_756] : memref<100000x30xf32, #tpu.memory_space<hbm>> -> memref<8x30xf32, #tpu.memory_space<hbm>>
    %dma_start3A_758 = arith.constant 104 : i32
    %dma_start3A_759 = arith.constant 0 : i32
    %dma_start3A_760 = tpu.memref_slice %arg9[%dma_start3A_758, %dma_start3A_759] : memref<256x30xf32, #tpu.memory_space<vmem>> -> memref<8x30xf32, #tpu.memory_space<vmem>>
    %dma_start3A_761 = arith.constant 0 : i32
    %dma_start3A_762 = tpu.memref_slice %arg4[%multiple_of3A_747, %dma_start3A_761] : memref<100000x30xf32, #tpu.memory_space<hbm>> -> memref<8x30xf32, #tpu.memory_space<hbm>>
    tpu.enqueue_dma source(%dma_start3A_762 : memref<8x30xf32, #tpu.memory_space<hbm>>) target(%dma_start3A_760 : memref<8x30xf32, #tpu.memory_space<vmem>>) target_semaphore(%arg12 : memref<!tpu.dma_semaphore, #tpu.memory_space<semaphore_mem>>)
    %dma_start3A_763 = arith.constant 104 : i32
    %dma_start3A_764 = arith.constant 0 : i32
    %dma_start3A_765 = tpu.memref_slice %arg10[%dma_start3A_763, %dma_start3A_764] : memref<256x30xf32, #tpu.memory_space<vmem>> -> memref<8x30xf32, #tpu.memory_space<vmem>>
    %dma_start3A_766 = arith.constant 0 : i32
    %dma_start3A_767 = tpu.memref_slice %arg5[%multiple_of3A_752, %dma_start3A_766] : memref<1000000x30xf32, #tpu.memory_space<hbm>> -> memref<8x30xf32, #tpu.memory_space<hbm>>
    %dma_start3A_768 = arith.constant 104 : i32
    %dma_start3A_769 = arith.constant 0 : i32
    %dma_start3A_770 = tpu.memref_slice %arg10[%dma_start3A_768, %dma_start3A_769] : memref<256x30xf32, #tpu.memory_space<vmem>> -> memref<8x30xf32, #tpu.memory_space<vmem>>
    %dma_start3A_771 = arith.constant 0 : i32
    %dma_start3A_772 = tpu.memref_slice %arg5[%multiple_of3A_752, %dma_start3A_771] : memref<1000000x30xf32, #tpu.memory_space<hbm>> -> memref<8x30xf32, #tpu.memory_space<hbm>>
    tpu.enqueue_dma source(%dma_start3A_772 : memref<8x30xf32, #tpu.memory_space<hbm>>) target(%dma_start3A_770 : memref<8x30xf32, #tpu.memory_space<vmem>>) target_semaphore(%arg12 : memref<!tpu.dma_semaphore, #tpu.memory_space<semaphore_mem>>)
    %eq3A_773 = arith.constant 14 : i32
    %eq3A_774 = vector.broadcast %eq3A_773 : i32 to vector<16xi32>
    %eq3A_775 = arith.cmpi eq, %iota3A, %eq3A_774 : vector<16xi32>
    %jit3A_776 = arith.constant 0 : i32
    %broadcast_in_dim3A_777 = vector.broadcast %jit3A_776 : i32 to vector<16xi32>
    %select_n3A_778 = arith.select %eq3A_775, %get3A_8, %broadcast_in_dim3A_777 : vector<16xi1>, vector<16xi32>
    %reduce_max3A_779 = arith.constant true
    %reduce_max3A_780 = vector.broadcast %reduce_max3A_779 : i1 to vector<16xi1>
    %reduce_max3A_781 = arith.constant -2147483648 : i32
    %reduce_max3A_782 = vector.broadcast %reduce_max3A_781 : i32 to vector<16xi32>
    %reduce_max3A_783 = arith.xori %select_n3A_778, %reduce_max3A_782 : vector<16xi32>
    %reduce_max3A_784 = tpu.scan <max>, %reduce_max3A_783 masked %reduce_max3A_780 : vector<16xi32>, vector<16xi1> -> vector<16xi32>
    %reduce_max3A_785 = arith.xori %reduce_max3A_784, %reduce_max3A_782 : vector<16xi32>
    %reduce_max3A_786 = vector.extract %reduce_max3A_785[15] : i32 from vector<16xi32>
    %jit3A_787 = arith.constant 0 : i32
    %broadcast_in_dim3A_788 = vector.broadcast %jit3A_787 : i32 to vector<16xi32>
    %select_n3A_789 = arith.select %eq3A_775, %get3A_10, %broadcast_in_dim3A_788 : vector<16xi1>, vector<16xi32>
    %reduce_max3A_790 = arith.constant true
    %reduce_max3A_791 = vector.broadcast %reduce_max3A_790 : i1 to vector<16xi1>
    %reduce_max3A_792 = arith.constant -2147483648 : i32
    %reduce_max3A_793 = vector.broadcast %reduce_max3A_792 : i32 to vector<16xi32>
    %reduce_max3A_794 = arith.xori %select_n3A_789, %reduce_max3A_793 : vector<16xi32>
    %reduce_max3A_795 = tpu.scan <max>, %reduce_max3A_794 masked %reduce_max3A_791 : vector<16xi32>, vector<16xi1> -> vector<16xi32>
    %reduce_max3A_796 = arith.xori %reduce_max3A_795, %reduce_max3A_793 : vector<16xi32>
    %reduce_max3A_797 = vector.extract %reduce_max3A_796[15] : i32 from vector<16xi32>
    %shift_right_logical3A_798 = arith.constant 3 : i32
    %shift_right_logical3A_799 = arith.shrui %reduce_max3A_786, %shift_right_logical3A_798 : i32
    %shift_left3A_800 = arith.constant 3 : i32
    %shift_left3A_801 = arith.shli %shift_right_logical3A_799, %shift_left3A_800 : i32
    %multiple_of3A_802 = tpu.assume_multiple %shift_left3A_801, 8 : i32
    %shift_right_logical3A_803 = arith.constant 3 : i32
    %shift_right_logical3A_804 = arith.shrui %reduce_max3A_797, %shift_right_logical3A_803 : i32
    %shift_left3A_805 = arith.constant 3 : i32
    %shift_left3A_806 = arith.shli %shift_right_logical3A_804, %shift_left3A_805 : i32
    %multiple_of3A_807 = tpu.assume_multiple %shift_left3A_806, 8 : i32
    %dma_start3A_808 = arith.constant 112 : i32
    %dma_start3A_809 = arith.constant 0 : i32
    %dma_start3A_810 = tpu.memref_slice %arg9[%dma_start3A_808, %dma_start3A_809] : memref<256x30xf32, #tpu.memory_space<vmem>> -> memref<8x30xf32, #tpu.memory_space<vmem>>
    %dma_start3A_811 = arith.constant 0 : i32
    %dma_start3A_812 = tpu.memref_slice %arg4[%multiple_of3A_802, %dma_start3A_811] : memref<100000x30xf32, #tpu.memory_space<hbm>> -> memref<8x30xf32, #tpu.memory_space<hbm>>
    %dma_start3A_813 = arith.constant 112 : i32
    %dma_start3A_814 = arith.constant 0 : i32
    %dma_start3A_815 = tpu.memref_slice %arg9[%dma_start3A_813, %dma_start3A_814] : memref<256x30xf32, #tpu.memory_space<vmem>> -> memref<8x30xf32, #tpu.memory_space<vmem>>
    %dma_start3A_816 = arith.constant 0 : i32
    %dma_start3A_817 = tpu.memref_slice %arg4[%multiple_of3A_802, %dma_start3A_816] : memref<100000x30xf32, #tpu.memory_space<hbm>> -> memref<8x30xf32, #tpu.memory_space<hbm>>
    tpu.enqueue_dma source(%dma_start3A_817 : memref<8x30xf32, #tpu.memory_space<hbm>>) target(%dma_start3A_815 : memref<8x30xf32, #tpu.memory_space<vmem>>) target_semaphore(%arg12 : memref<!tpu.dma_semaphore, #tpu.memory_space<semaphore_mem>>)
    %dma_start3A_818 = arith.constant 112 : i32
    %dma_start3A_819 = arith.constant 0 : i32
    %dma_start3A_820 = tpu.memref_slice %arg10[%dma_start3A_818, %dma_start3A_819] : memref<256x30xf32, #tpu.memory_space<vmem>> -> memref<8x30xf32, #tpu.memory_space<vmem>>
    %dma_start3A_821 = arith.constant 0 : i32
    %dma_start3A_822 = tpu.memref_slice %arg5[%multiple_of3A_807, %dma_start3A_821] : memref<1000000x30xf32, #tpu.memory_space<hbm>> -> memref<8x30xf32, #tpu.memory_space<hbm>>
    %dma_start3A_823 = arith.constant 112 : i32
    %dma_start3A_824 = arith.constant 0 : i32
    %dma_start3A_825 = tpu.memref_slice %arg10[%dma_start3A_823, %dma_start3A_824] : memref<256x30xf32, #tpu.memory_space<vmem>> -> memref<8x30xf32, #tpu.memory_space<vmem>>
    %dma_start3A_826 = arith.constant 0 : i32
    %dma_start3A_827 = tpu.memref_slice %arg5[%multiple_of3A_807, %dma_start3A_826] : memref<1000000x30xf32, #tpu.memory_space<hbm>> -> memref<8x30xf32, #tpu.memory_space<hbm>>
    tpu.enqueue_dma source(%dma_start3A_827 : memref<8x30xf32, #tpu.memory_space<hbm>>) target(%dma_start3A_825 : memref<8x30xf32, #tpu.memory_space<vmem>>) target_semaphore(%arg12 : memref<!tpu.dma_semaphore, #tpu.memory_space<semaphore_mem>>)
    %eq3A_828 = arith.constant 15 : i32
    %eq3A_829 = vector.broadcast %eq3A_828 : i32 to vector<16xi32>
    %eq3A_830 = arith.cmpi eq, %iota3A, %eq3A_829 : vector<16xi32>
    %jit3A_831 = arith.constant 0 : i32
    %broadcast_in_dim3A_832 = vector.broadcast %jit3A_831 : i32 to vector<16xi32>
    %select_n3A_833 = arith.select %eq3A_830, %get3A_8, %broadcast_in_dim3A_832 : vector<16xi1>, vector<16xi32>
    %reduce_max3A_834 = arith.constant true
    %reduce_max3A_835 = vector.broadcast %reduce_max3A_834 : i1 to vector<16xi1>
    %reduce_max3A_836 = arith.constant -2147483648 : i32
    %reduce_max3A_837 = vector.broadcast %reduce_max3A_836 : i32 to vector<16xi32>
    %reduce_max3A_838 = arith.xori %select_n3A_833, %reduce_max3A_837 : vector<16xi32>
    %reduce_max3A_839 = tpu.scan <max>, %reduce_max3A_838 masked %reduce_max3A_835 : vector<16xi32>, vector<16xi1> -> vector<16xi32>
    %reduce_max3A_840 = arith.xori %reduce_max3A_839, %reduce_max3A_837 : vector<16xi32>
    %reduce_max3A_841 = vector.extract %reduce_max3A_840[15] : i32 from vector<16xi32>
    %jit3A_842 = arith.constant 0 : i32
    %broadcast_in_dim3A_843 = vector.broadcast %jit3A_842 : i32 to vector<16xi32>
    %select_n3A_844 = arith.select %eq3A_830, %get3A_10, %broadcast_in_dim3A_843 : vector<16xi1>, vector<16xi32>
    %reduce_max3A_845 = arith.constant true
    %reduce_max3A_846 = vector.broadcast %reduce_max3A_845 : i1 to vector<16xi1>
    %reduce_max3A_847 = arith.constant -2147483648 : i32
    %reduce_max3A_848 = vector.broadcast %reduce_max3A_847 : i32 to vector<16xi32>
    %reduce_max3A_849 = arith.xori %select_n3A_844, %reduce_max3A_848 : vector<16xi32>
    %reduce_max3A_850 = tpu.scan <max>, %reduce_max3A_849 masked %reduce_max3A_846 : vector<16xi32>, vector<16xi1> -> vector<16xi32>
    %reduce_max3A_851 = arith.xori %reduce_max3A_850, %reduce_max3A_848 : vector<16xi32>
    %reduce_max3A_852 = vector.extract %reduce_max3A_851[15] : i32 from vector<16xi32>
    %shift_right_logical3A_853 = arith.constant 3 : i32
    %shift_right_logical3A_854 = arith.shrui %reduce_max3A_841, %shift_right_logical3A_853 : i32
    %shift_left3A_855 = arith.constant 3 : i32
    %shift_left3A_856 = arith.shli %shift_right_logical3A_854, %shift_left3A_855 : i32
    %multiple_of3A_857 = tpu.assume_multiple %shift_left3A_856, 8 : i32
    %shift_right_logical3A_858 = arith.constant 3 : i32
    %shift_right_logical3A_859 = arith.shrui %reduce_max3A_852, %shift_right_logical3A_858 : i32
    %shift_left3A_860 = arith.constant 3 : i32
    %shift_left3A_861 = arith.shli %shift_right_logical3A_859, %shift_left3A_860 : i32
    %multiple_of3A_862 = tpu.assume_multiple %shift_left3A_861, 8 : i32
    %dma_start3A_863 = arith.constant 120 : i32
    %dma_start3A_864 = arith.constant 0 : i32
    %dma_start3A_865 = tpu.memref_slice %arg9[%dma_start3A_863, %dma_start3A_864] : memref<256x30xf32, #tpu.memory_space<vmem>> -> memref<8x30xf32, #tpu.memory_space<vmem>>
    %dma_start3A_866 = arith.constant 0 : i32
    %dma_start3A_867 = tpu.memref_slice %arg4[%multiple_of3A_857, %dma_start3A_866] : memref<100000x30xf32, #tpu.memory_space<hbm>> -> memref<8x30xf32, #tpu.memory_space<hbm>>
    %dma_start3A_868 = arith.constant 120 : i32
    %dma_start3A_869 = arith.constant 0 : i32
    %dma_start3A_870 = tpu.memref_slice %arg9[%dma_start3A_868, %dma_start3A_869] : memref<256x30xf32, #tpu.memory_space<vmem>> -> memref<8x30xf32, #tpu.memory_space<vmem>>
    %dma_start3A_871 = arith.constant 0 : i32
    %dma_start3A_872 = tpu.memref_slice %arg4[%multiple_of3A_857, %dma_start3A_871] : memref<100000x30xf32, #tpu.memory_space<hbm>> -> memref<8x30xf32, #tpu.memory_space<hbm>>
    tpu.enqueue_dma source(%dma_start3A_872 : memref<8x30xf32, #tpu.memory_space<hbm>>) target(%dma_start3A_870 : memref<8x30xf32, #tpu.memory_space<vmem>>) target_semaphore(%arg12 : memref<!tpu.dma_semaphore, #tpu.memory_space<semaphore_mem>>)
    %dma_start3A_873 = arith.constant 120 : i32
    %dma_start3A_874 = arith.constant 0 : i32
    %dma_start3A_875 = tpu.memref_slice %arg10[%dma_start3A_873, %dma_start3A_874] : memref<256x30xf32, #tpu.memory_space<vmem>> -> memref<8x30xf32, #tpu.memory_space<vmem>>
    %dma_start3A_876 = arith.constant 0 : i32
    %dma_start3A_877 = tpu.memref_slice %arg5[%multiple_of3A_862, %dma_start3A_876] : memref<1000000x30xf32, #tpu.memory_space<hbm>> -> memref<8x30xf32, #tpu.memory_space<hbm>>
    %dma_start3A_878 = arith.constant 120 : i32
    %dma_start3A_879 = arith.constant 0 : i32
    %dma_start3A_880 = tpu.memref_slice %arg10[%dma_start3A_878, %dma_start3A_879] : memref<256x30xf32, #tpu.memory_space<vmem>> -> memref<8x30xf32, #tpu.memory_space<vmem>>
    %dma_start3A_881 = arith.constant 0 : i32
    %dma_start3A_882 = tpu.memref_slice %arg5[%multiple_of3A_862, %dma_start3A_881] : memref<1000000x30xf32, #tpu.memory_space<hbm>> -> memref<8x30xf32, #tpu.memory_space<hbm>>
    tpu.enqueue_dma source(%dma_start3A_882 : memref<8x30xf32, #tpu.memory_space<hbm>>) target(%dma_start3A_880 : memref<8x30xf32, #tpu.memory_space<vmem>>) target_semaphore(%arg12 : memref<!tpu.dma_semaphore, #tpu.memory_space<semaphore_mem>>)
    %scan3A = arith.constant 0 : i32
    %scan3A_883 = arith.constant 0 : i32
    %scan3A_884 = arith.constant 32 : i32
    %scan3A_885 = arith.addi %scan3A_883, %scan3A_884 : i32
    %scan3A_886 = arith.constant 1 : i32
    scf.for %scan3A_888 = %scan3A_883 to %scan3A_885 step %scan3A_886  : i32 {
      %add3A_889 = arith.constant 1 : i32
      %add3A_890 = arith.addi %scan3A_888, %add3A_889 : i32
      %lt3A = arith.constant 32 : i32
      %lt3A_891 = arith.cmpi slt, %add3A_890, %lt3A : i32
      %convert_element_type3A = arith.extui %lt3A_891 : i1 to i32
      %cond3A = arith.constant 0 : i32
      %cond3A_892 = arith.cmpi ne, %convert_element_type3A, %cond3A : i32
      scf.if %cond3A_892 {
        %add3A_1327 = arith.constant 1 : i32
        %add3A_1328 = arith.addi %scan3A_888, %add3A_1327 : i32
        %and3A_1329 = arith.constant 1 : i32
        %and3A_1330 = arith.andi %add3A_1328, %and3A_1329 : i32
        %mul3A_1331 = arith.constant 16 : i32
        %mul3A_1332 = arith.muli %add3A_1328, %mul3A_1331 : i32
        %get3A_1333 = arith.index_cast %mul3A_1332 : i32 to index
        %get3A_1334 = tpu.vector_load %arg7[%get3A_1333] {strides = array<i32>} : memref<512xi32, #tpu.memory_space<vmem>>, vector<16xi32>,
        %get3A_1335 = arith.index_cast %mul3A_1332 : i32 to index
        %get3A_1336 = tpu.vector_load %arg8[%get3A_1335] {strides = array<i32>} : memref<512xi32, #tpu.memory_space<vmem>>, vector<16xi32>,
        %eq3A_1337 = arith.constant 0 : i32
        %eq3A_1338 = vector.broadcast %eq3A_1337 : i32 to vector<16xi32>
        %eq3A_1339 = arith.cmpi eq, %iota3A, %eq3A_1338 : vector<16xi32>
        %jit3A_1340 = arith.constant 0 : i32
        %broadcast_in_dim3A_1341 = vector.broadcast %jit3A_1340 : i32 to vector<16xi32>
        %select_n3A_1342 = arith.select %eq3A_1339, %get3A_1334, %broadcast_in_dim3A_1341 : vector<16xi1>, vector<16xi32>
        %reduce_max3A_1343 = arith.constant true
        %reduce_max3A_1344 = vector.broadcast %reduce_max3A_1343 : i1 to vector<16xi1>
        %reduce_max3A_1345 = arith.constant -2147483648 : i32
        %reduce_max3A_1346 = vector.broadcast %reduce_max3A_1345 : i32 to vector<16xi32>
        %reduce_max3A_1347 = arith.xori %select_n3A_1342, %reduce_max3A_1346 : vector<16xi32>
        %reduce_max3A_1348 = tpu.scan <max>, %reduce_max3A_1347 masked %reduce_max3A_1344 : vector<16xi32>, vector<16xi1> -> vector<16xi32>
        %reduce_max3A_1349 = arith.xori %reduce_max3A_1348, %reduce_max3A_1346 : vector<16xi32>
        %reduce_max3A_1350 = vector.extract %reduce_max3A_1349[15] : i32 from vector<16xi32>
        %jit3A_1351 = arith.constant 0 : i32
        %broadcast_in_dim3A_1352 = vector.broadcast %jit3A_1351 : i32 to vector<16xi32>
        %select_n3A_1353 = arith.select %eq3A_1339, %get3A_1336, %broadcast_in_dim3A_1352 : vector<16xi1>, vector<16xi32>
        %reduce_max3A_1354 = arith.constant true
        %reduce_max3A_1355 = vector.broadcast %reduce_max3A_1354 : i1 to vector<16xi1>
        %reduce_max3A_1356 = arith.constant -2147483648 : i32
        %reduce_max3A_1357 = vector.broadcast %reduce_max3A_1356 : i32 to vector<16xi32>
        %reduce_max3A_1358 = arith.xori %select_n3A_1353, %reduce_max3A_1357 : vector<16xi32>
        %reduce_max3A_1359 = tpu.scan <max>, %reduce_max3A_1358 masked %reduce_max3A_1355 : vector<16xi32>, vector<16xi1> -> vector<16xi32>
        %reduce_max3A_1360 = arith.xori %reduce_max3A_1359, %reduce_max3A_1357 : vector<16xi32>
        %reduce_max3A_1361 = vector.extract %reduce_max3A_1360[15] : i32 from vector<16xi32>
        %shift_right_logical3A_1362 = arith.constant 3 : i32
        %shift_right_logical3A_1363 = arith.shrui %reduce_max3A_1350, %shift_right_logical3A_1362 : i32
        %shift_left3A_1364 = arith.constant 3 : i32
        %shift_left3A_1365 = arith.shli %shift_right_logical3A_1363, %shift_left3A_1364 : i32
        %multiple_of3A_1366 = tpu.assume_multiple %shift_left3A_1365, 8 : i32
        %shift_right_logical3A_1367 = arith.constant 3 : i32
        %shift_right_logical3A_1368 = arith.shrui %reduce_max3A_1361, %shift_right_logical3A_1367 : i32
        %shift_left3A_1369 = arith.constant 3 : i32
        %shift_left3A_1370 = arith.shli %shift_right_logical3A_1368, %shift_left3A_1369 : i32
        %multiple_of3A_1371 = tpu.assume_multiple %shift_left3A_1370, 8 : i32
        %mul3A_1372 = arith.constant 128 : i32
        %mul3A_1373 = arith.muli %mul3A_1372, %and3A_1330 : i32
        %add3A_1374 = arith.constant 0 : i32
        %add3A_1375 = arith.addi %mul3A_1373, %add3A_1374 : i32
        %dma_start3A_1376 = arith.constant 0 : i32
        %dma_start3A_1377 = tpu.memref_slice %arg9[%add3A_1375, %dma_start3A_1376] : memref<256x30xf32, #tpu.memory_space<vmem>> -> memref<8x30xf32, #tpu.memory_space<vmem>>
        %dma_start3A_1378 = arith.constant 0 : i32
        %dma_start3A_1379 = tpu.memref_slice %arg4[%multiple_of3A_1366, %dma_start3A_1378] : memref<100000x30xf32, #tpu.memory_space<hbm>> -> memref<8x30xf32, #tpu.memory_space<hbm>>
        %dma_start3A_1380 = arith.constant 0 : i32
        %dma_start3A_1381 = tpu.memref_slice %arg9[%add3A_1375, %dma_start3A_1380] : memref<256x30xf32, #tpu.memory_space<vmem>> -> memref<8x30xf32, #tpu.memory_space<vmem>>
        %dma_start3A_1382 = arith.constant 0 : i32
        %dma_start3A_1383 = tpu.memref_slice %arg4[%multiple_of3A_1366, %dma_start3A_1382] : memref<100000x30xf32, #tpu.memory_space<hbm>> -> memref<8x30xf32, #tpu.memory_space<hbm>>
        tpu.enqueue_dma source(%dma_start3A_1383 : memref<8x30xf32, #tpu.memory_space<hbm>>) target(%dma_start3A_1381 : memref<8x30xf32, #tpu.memory_space<vmem>>) target_semaphore(%arg12 : memref<!tpu.dma_semaphore, #tpu.memory_space<semaphore_mem>>)
        %mul3A_1384 = arith.constant 128 : i32
        %mul3A_1385 = arith.muli %mul3A_1384, %and3A_1330 : i32
        %add3A_1386 = arith.constant 0 : i32
        %add3A_1387 = arith.addi %mul3A_1385, %add3A_1386 : i32
        %dma_start3A_1388 = arith.constant 0 : i32
        %dma_start3A_1389 = tpu.memref_slice %arg10[%add3A_1387, %dma_start3A_1388] : memref<256x30xf32, #tpu.memory_space<vmem>> -> memref<8x30xf32, #tpu.memory_space<vmem>>
        %dma_start3A_1390 = arith.constant 0 : i32
        %dma_start3A_1391 = tpu.memref_slice %arg5[%multiple_of3A_1371, %dma_start3A_1390] : memref<1000000x30xf32, #tpu.memory_space<hbm>> -> memref<8x30xf32, #tpu.memory_space<hbm>>
        %dma_start3A_1392 = arith.constant 0 : i32
        %dma_start3A_1393 = tpu.memref_slice %arg10[%add3A_1387, %dma_start3A_1392] : memref<256x30xf32, #tpu.memory_space<vmem>> -> memref<8x30xf32, #tpu.memory_space<vmem>>
        %dma_start3A_1394 = arith.constant 0 : i32
        %dma_start3A_1395 = tpu.memref_slice %arg5[%multiple_of3A_1371, %dma_start3A_1394] : memref<1000000x30xf32, #tpu.memory_space<hbm>> -> memref<8x30xf32, #tpu.memory_space<hbm>>
        tpu.enqueue_dma source(%dma_start3A_1395 : memref<8x30xf32, #tpu.memory_space<hbm>>) target(%dma_start3A_1393 : memref<8x30xf32, #tpu.memory_space<vmem>>) target_semaphore(%arg12 : memref<!tpu.dma_semaphore, #tpu.memory_space<semaphore_mem>>)
        %eq3A_1396 = arith.constant 1 : i32
        %eq3A_1397 = vector.broadcast %eq3A_1396 : i32 to vector<16xi32>
        %eq3A_1398 = arith.cmpi eq, %iota3A, %eq3A_1397 : vector<16xi32>
        %jit3A_1399 = arith.constant 0 : i32
        %broadcast_in_dim3A_1400 = vector.broadcast %jit3A_1399 : i32 to vector<16xi32>
        %select_n3A_1401 = arith.select %eq3A_1398, %get3A_1334, %broadcast_in_dim3A_1400 : vector<16xi1>, vector<16xi32>
        %reduce_max3A_1402 = arith.constant true
        %reduce_max3A_1403 = vector.broadcast %reduce_max3A_1402 : i1 to vector<16xi1>
        %reduce_max3A_1404 = arith.constant -2147483648 : i32
        %reduce_max3A_1405 = vector.broadcast %reduce_max3A_1404 : i32 to vector<16xi32>
        %reduce_max3A_1406 = arith.xori %select_n3A_1401, %reduce_max3A_1405 : vector<16xi32>
        %reduce_max3A_1407 = tpu.scan <max>, %reduce_max3A_1406 masked %reduce_max3A_1403 : vector<16xi32>, vector<16xi1> -> vector<16xi32>
        %reduce_max3A_1408 = arith.xori %reduce_max3A_1407, %reduce_max3A_1405 : vector<16xi32>
        %reduce_max3A_1409 = vector.extract %reduce_max3A_1408[15] : i32 from vector<16xi32>
        %jit3A_1410 = arith.constant 0 : i32
        %broadcast_in_dim3A_1411 = vector.broadcast %jit3A_1410 : i32 to vector<16xi32>
        %select_n3A_1412 = arith.select %eq3A_1398, %get3A_1336, %broadcast_in_dim3A_1411 : vector<16xi1>, vector<16xi32>
        %reduce_max3A_1413 = arith.constant true
        %reduce_max3A_1414 = vector.broadcast %reduce_max3A_1413 : i1 to vector<16xi1>
        %reduce_max3A_1415 = arith.constant -2147483648 : i32
        %reduce_max3A_1416 = vector.broadcast %reduce_max3A_1415 : i32 to vector<16xi32>
        %reduce_max3A_1417 = arith.xori %select_n3A_1412, %reduce_max3A_1416 : vector<16xi32>
        %reduce_max3A_1418 = tpu.scan <max>, %reduce_max3A_1417 masked %reduce_max3A_1414 : vector<16xi32>, vector<16xi1> -> vector<16xi32>
        %reduce_max3A_1419 = arith.xori %reduce_max3A_1418, %reduce_max3A_1416 : vector<16xi32>
        %reduce_max3A_1420 = vector.extract %reduce_max3A_1419[15] : i32 from vector<16xi32>
        %shift_right_logical3A_1421 = arith.constant 3 : i32
        %shift_right_logical3A_1422 = arith.shrui %reduce_max3A_1409, %shift_right_logical3A_1421 : i32
        %shift_left3A_1423 = arith.constant 3 : i32
        %shift_left3A_1424 = arith.shli %shift_right_logical3A_1422, %shift_left3A_1423 : i32
        %multiple_of3A_1425 = tpu.assume_multiple %shift_left3A_1424, 8 : i32
        %shift_right_logical3A_1426 = arith.constant 3 : i32
        %shift_right_logical3A_1427 = arith.shrui %reduce_max3A_1420, %shift_right_logical3A_1426 : i32
        %shift_left3A_1428 = arith.constant 3 : i32
        %shift_left3A_1429 = arith.shli %shift_right_logical3A_1427, %shift_left3A_1428 : i32
        %multiple_of3A_1430 = tpu.assume_multiple %shift_left3A_1429, 8 : i32
        %mul3A_1431 = arith.constant 128 : i32
        %mul3A_1432 = arith.muli %mul3A_1431, %and3A_1330 : i32
        %add3A_1433 = arith.constant 8 : i32
        %add3A_1434 = arith.addi %mul3A_1432, %add3A_1433 : i32
        %dma_start3A_1435 = arith.constant 0 : i32
        %dma_start3A_1436 = tpu.memref_slice %arg9[%add3A_1434, %dma_start3A_1435] : memref<256x30xf32, #tpu.memory_space<vmem>> -> memref<8x30xf32, #tpu.memory_space<vmem>>
        %dma_start3A_1437 = arith.constant 0 : i32
        %dma_start3A_1438 = tpu.memref_slice %arg4[%multiple_of3A_1425, %dma_start3A_1437] : memref<100000x30xf32, #tpu.memory_space<hbm>> -> memref<8x30xf32, #tpu.memory_space<hbm>>
        %dma_start3A_1439 = arith.constant 0 : i32
        %dma_start3A_1440 = tpu.memref_slice %arg9[%add3A_1434, %dma_start3A_1439] : memref<256x30xf32, #tpu.memory_space<vmem>> -> memref<8x30xf32, #tpu.memory_space<vmem>>
        %dma_start3A_1441 = arith.constant 0 : i32
        %dma_start3A_1442 = tpu.memref_slice %arg4[%multiple_of3A_1425, %dma_start3A_1441] : memref<100000x30xf32, #tpu.memory_space<hbm>> -> memref<8x30xf32, #tpu.memory_space<hbm>>
        tpu.enqueue_dma source(%dma_start3A_1442 : memref<8x30xf32, #tpu.memory_space<hbm>>) target(%dma_start3A_1440 : memref<8x30xf32, #tpu.memory_space<vmem>>) target_semaphore(%arg12 : memref<!tpu.dma_semaphore, #tpu.memory_space<semaphore_mem>>)
        %mul3A_1443 = arith.constant 128 : i32
        %mul3A_1444 = arith.muli %mul3A_1443, %and3A_1330 : i32
        %add3A_1445 = arith.constant 8 : i32
        %add3A_1446 = arith.addi %mul3A_1444, %add3A_1445 : i32
        %dma_start3A_1447 = arith.constant 0 : i32
        %dma_start3A_1448 = tpu.memref_slice %arg10[%add3A_1446, %dma_start3A_1447] : memref<256x30xf32, #tpu.memory_space<vmem>> -> memref<8x30xf32, #tpu.memory_space<vmem>>
        %dma_start3A_1449 = arith.constant 0 : i32
        %dma_start3A_1450 = tpu.memref_slice %arg5[%multiple_of3A_1430, %dma_start3A_1449] : memref<1000000x30xf32, #tpu.memory_space<hbm>> -> memref<8x30xf32, #tpu.memory_space<hbm>>
        %dma_start3A_1451 = arith.constant 0 : i32
        %dma_start3A_1452 = tpu.memref_slice %arg10[%add3A_1446, %dma_start3A_1451] : memref<256x30xf32, #tpu.memory_space<vmem>> -> memref<8x30xf32, #tpu.memory_space<vmem>>
        %dma_start3A_1453 = arith.constant 0 : i32
        %dma_start3A_1454 = tpu.memref_slice %arg5[%multiple_of3A_1430, %dma_start3A_1453] : memref<1000000x30xf32, #tpu.memory_space<hbm>> -> memref<8x30xf32, #tpu.memory_space<hbm>>
        tpu.enqueue_dma source(%dma_start3A_1454 : memref<8x30xf32, #tpu.memory_space<hbm>>) target(%dma_start3A_1452 : memref<8x30xf32, #tpu.memory_space<vmem>>) target_semaphore(%arg12 : memref<!tpu.dma_semaphore, #tpu.memory_space<semaphore_mem>>)
        %eq3A_1455 = arith.constant 2 : i32
        %eq3A_1456 = vector.broadcast %eq3A_1455 : i32 to vector<16xi32>
        %eq3A_1457 = arith.cmpi eq, %iota3A, %eq3A_1456 : vector<16xi32>
        %jit3A_1458 = arith.constant 0 : i32
        %broadcast_in_dim3A_1459 = vector.broadcast %jit3A_1458 : i32 to vector<16xi32>
        %select_n3A_1460 = arith.select %eq3A_1457, %get3A_1334, %broadcast_in_dim3A_1459 : vector<16xi1>, vector<16xi32>
        %reduce_max3A_1461 = arith.constant true
        %reduce_max3A_1462 = vector.broadcast %reduce_max3A_1461 : i1 to vector<16xi1>
        %reduce_max3A_1463 = arith.constant -2147483648 : i32
        %reduce_max3A_1464 = vector.broadcast %reduce_max3A_1463 : i32 to vector<16xi32>
        %reduce_max3A_1465 = arith.xori %select_n3A_1460, %reduce_max3A_1464 : vector<16xi32>
        %reduce_max3A_1466 = tpu.scan <max>, %reduce_max3A_1465 masked %reduce_max3A_1462 : vector<16xi32>, vector<16xi1> -> vector<16xi32>
        %reduce_max3A_1467 = arith.xori %reduce_max3A_1466, %reduce_max3A_1464 : vector<16xi32>
        %reduce_max3A_1468 = vector.extract %reduce_max3A_1467[15] : i32 from vector<16xi32>
        %jit3A_1469 = arith.constant 0 : i32
        %broadcast_in_dim3A_1470 = vector.broadcast %jit3A_1469 : i32 to vector<16xi32>
        %select_n3A_1471 = arith.select %eq3A_1457, %get3A_1336, %broadcast_in_dim3A_1470 : vector<16xi1>, vector<16xi32>
        %reduce_max3A_1472 = arith.constant true
        %reduce_max3A_1473 = vector.broadcast %reduce_max3A_1472 : i1 to vector<16xi1>
        %reduce_max3A_1474 = arith.constant -2147483648 : i32
        %reduce_max3A_1475 = vector.broadcast %reduce_max3A_1474 : i32 to vector<16xi32>
        %reduce_max3A_1476 = arith.xori %select_n3A_1471, %reduce_max3A_1475 : vector<16xi32>
        %reduce_max3A_1477 = tpu.scan <max>, %reduce_max3A_1476 masked %reduce_max3A_1473 : vector<16xi32>, vector<16xi1> -> vector<16xi32>
        %reduce_max3A_1478 = arith.xori %reduce_max3A_1477, %reduce_max3A_1475 : vector<16xi32>
        %reduce_max3A_1479 = vector.extract %reduce_max3A_1478[15] : i32 from vector<16xi32>
        %shift_right_logical3A_1480 = arith.constant 3 : i32
        %shift_right_logical3A_1481 = arith.shrui %reduce_max3A_1468, %shift_right_logical3A_1480 : i32
        %shift_left3A_1482 = arith.constant 3 : i32
        %shift_left3A_1483 = arith.shli %shift_right_logical3A_1481, %shift_left3A_1482 : i32
        %multiple_of3A_1484 = tpu.assume_multiple %shift_left3A_1483, 8 : i32
        %shift_right_logical3A_1485 = arith.constant 3 : i32
        %shift_right_logical3A_1486 = arith.shrui %reduce_max3A_1479, %shift_right_logical3A_1485 : i32
        %shift_left3A_1487 = arith.constant 3 : i32
        %shift_left3A_1488 = arith.shli %shift_right_logical3A_1486, %shift_left3A_1487 : i32
        %multiple_of3A_1489 = tpu.assume_multiple %shift_left3A_1488, 8 : i32
        %mul3A_1490 = arith.constant 128 : i32
        %mul3A_1491 = arith.muli %mul3A_1490, %and3A_1330 : i32
        %add3A_1492 = arith.constant 16 : i32
        %add3A_1493 = arith.addi %mul3A_1491, %add3A_1492 : i32
        %dma_start3A_1494 = arith.constant 0 : i32
        %dma_start3A_1495 = tpu.memref_slice %arg9[%add3A_1493, %dma_start3A_1494] : memref<256x30xf32, #tpu.memory_space<vmem>> -> memref<8x30xf32, #tpu.memory_space<vmem>>
        %dma_start3A_1496 = arith.constant 0 : i32
        %dma_start3A_1497 = tpu.memref_slice %arg4[%multiple_of3A_1484, %dma_start3A_1496] : memref<100000x30xf32, #tpu.memory_space<hbm>> -> memref<8x30xf32, #tpu.memory_space<hbm>>
        %dma_start3A_1498 = arith.constant 0 : i32
        %dma_start3A_1499 = tpu.memref_slice %arg9[%add3A_1493, %dma_start3A_1498] : memref<256x30xf32, #tpu.memory_space<vmem>> -> memref<8x30xf32, #tpu.memory_space<vmem>>
        %dma_start3A_1500 = arith.constant 0 : i32
        %dma_start3A_1501 = tpu.memref_slice %arg4[%multiple_of3A_1484, %dma_start3A_1500] : memref<100000x30xf32, #tpu.memory_space<hbm>> -> memref<8x30xf32, #tpu.memory_space<hbm>>
        tpu.enqueue_dma source(%dma_start3A_1501 : memref<8x30xf32, #tpu.memory_space<hbm>>) target(%dma_start3A_1499 : memref<8x30xf32, #tpu.memory_space<vmem>>) target_semaphore(%arg12 : memref<!tpu.dma_semaphore, #tpu.memory_space<semaphore_mem>>)
        %mul3A_1502 = arith.constant 128 : i32
        %mul3A_1503 = arith.muli %mul3A_1502, %and3A_1330 : i32
        %add3A_1504 = arith.constant 16 : i32
        %add3A_1505 = arith.addi %mul3A_1503, %add3A_1504 : i32
        %dma_start3A_1506 = arith.constant 0 : i32
        %dma_start3A_1507 = tpu.memref_slice %arg10[%add3A_1505, %dma_start3A_1506] : memref<256x30xf32, #tpu.memory_space<vmem>> -> memref<8x30xf32, #tpu.memory_space<vmem>>
        %dma_start3A_1508 = arith.constant 0 : i32
        %dma_start3A_1509 = tpu.memref_slice %arg5[%multiple_of3A_1489, %dma_start3A_1508] : memref<1000000x30xf32, #tpu.memory_space<hbm>> -> memref<8x30xf32, #tpu.memory_space<hbm>>
        %dma_start3A_1510 = arith.constant 0 : i32
        %dma_start3A_1511 = tpu.memref_slice %arg10[%add3A_1505, %dma_start3A_1510] : memref<256x30xf32, #tpu.memory_space<vmem>> -> memref<8x30xf32, #tpu.memory_space<vmem>>
        %dma_start3A_1512 = arith.constant 0 : i32
        %dma_start3A_1513 = tpu.memref_slice %arg5[%multiple_of3A_1489, %dma_start3A_1512] : memref<1000000x30xf32, #tpu.memory_space<hbm>> -> memref<8x30xf32, #tpu.memory_space<hbm>>
        tpu.enqueue_dma source(%dma_start3A_1513 : memref<8x30xf32, #tpu.memory_space<hbm>>) target(%dma_start3A_1511 : memref<8x30xf32, #tpu.memory_space<vmem>>) target_semaphore(%arg12 : memref<!tpu.dma_semaphore, #tpu.memory_space<semaphore_mem>>)
        %eq3A_1514 = arith.constant 3 : i32
        %eq3A_1515 = vector.broadcast %eq3A_1514 : i32 to vector<16xi32>
        %eq3A_1516 = arith.cmpi eq, %iota3A, %eq3A_1515 : vector<16xi32>
        %jit3A_1517 = arith.constant 0 : i32
        %broadcast_in_dim3A_1518 = vector.broadcast %jit3A_1517 : i32 to vector<16xi32>
        %select_n3A_1519 = arith.select %eq3A_1516, %get3A_1334, %broadcast_in_dim3A_1518 : vector<16xi1>, vector<16xi32>
        %reduce_max3A_1520 = arith.constant true
        %reduce_max3A_1521 = vector.broadcast %reduce_max3A_1520 : i1 to vector<16xi1>
        %reduce_max3A_1522 = arith.constant -2147483648 : i32
        %reduce_max3A_1523 = vector.broadcast %reduce_max3A_1522 : i32 to vector<16xi32>
        %reduce_max3A_1524 = arith.xori %select_n3A_1519, %reduce_max3A_1523 : vector<16xi32>
        %reduce_max3A_1525 = tpu.scan <max>, %reduce_max3A_1524 masked %reduce_max3A_1521 : vector<16xi32>, vector<16xi1> -> vector<16xi32>
        %reduce_max3A_1526 = arith.xori %reduce_max3A_1525, %reduce_max3A_1523 : vector<16xi32>
        %reduce_max3A_1527 = vector.extract %reduce_max3A_1526[15] : i32 from vector<16xi32>
        %jit3A_1528 = arith.constant 0 : i32
        %broadcast_in_dim3A_1529 = vector.broadcast %jit3A_1528 : i32 to vector<16xi32>
        %select_n3A_1530 = arith.select %eq3A_1516, %get3A_1336, %broadcast_in_dim3A_1529 : vector<16xi1>, vector<16xi32>
        %reduce_max3A_1531 = arith.constant true
        %reduce_max3A_1532 = vector.broadcast %reduce_max3A_1531 : i1 to vector<16xi1>
        %reduce_max3A_1533 = arith.constant -2147483648 : i32
        %reduce_max3A_1534 = vector.broadcast %reduce_max3A_1533 : i32 to vector<16xi32>
        %reduce_max3A_1535 = arith.xori %select_n3A_1530, %reduce_max3A_1534 : vector<16xi32>
        %reduce_max3A_1536 = tpu.scan <max>, %reduce_max3A_1535 masked %reduce_max3A_1532 : vector<16xi32>, vector<16xi1> -> vector<16xi32>
        %reduce_max3A_1537 = arith.xori %reduce_max3A_1536, %reduce_max3A_1534 : vector<16xi32>
        %reduce_max3A_1538 = vector.extract %reduce_max3A_1537[15] : i32 from vector<16xi32>
        %shift_right_logical3A_1539 = arith.constant 3 : i32
        %shift_right_logical3A_1540 = arith.shrui %reduce_max3A_1527, %shift_right_logical3A_1539 : i32
        %shift_left3A_1541 = arith.constant 3 : i32
        %shift_left3A_1542 = arith.shli %shift_right_logical3A_1540, %shift_left3A_1541 : i32
        %multiple_of3A_1543 = tpu.assume_multiple %shift_left3A_1542, 8 : i32
        %shift_right_logical3A_1544 = arith.constant 3 : i32
        %shift_right_logical3A_1545 = arith.shrui %reduce_max3A_1538, %shift_right_logical3A_1544 : i32
        %shift_left3A_1546 = arith.constant 3 : i32
        %shift_left3A_1547 = arith.shli %shift_right_logical3A_1545, %shift_left3A_1546 : i32
        %multiple_of3A_1548 = tpu.assume_multiple %shift_left3A_1547, 8 : i32
        %mul3A_1549 = arith.constant 128 : i32
        %mul3A_1550 = arith.muli %mul3A_1549, %and3A_1330 : i32
        %add3A_1551 = arith.constant 24 : i32
        %add3A_1552 = arith.addi %mul3A_1550, %add3A_1551 : i32
        %dma_start3A_1553 = arith.constant 0 : i32
        %dma_start3A_1554 = tpu.memref_slice %arg9[%add3A_1552, %dma_start3A_1553] : memref<256x30xf32, #tpu.memory_space<vmem>> -> memref<8x30xf32, #tpu.memory_space<vmem>>
        %dma_start3A_1555 = arith.constant 0 : i32
        %dma_start3A_1556 = tpu.memref_slice %arg4[%multiple_of3A_1543, %dma_start3A_1555] : memref<100000x30xf32, #tpu.memory_space<hbm>> -> memref<8x30xf32, #tpu.memory_space<hbm>>
        %dma_start3A_1557 = arith.constant 0 : i32
        %dma_start3A_1558 = tpu.memref_slice %arg9[%add3A_1552, %dma_start3A_1557] : memref<256x30xf32, #tpu.memory_space<vmem>> -> memref<8x30xf32, #tpu.memory_space<vmem>>
        %dma_start3A_1559 = arith.constant 0 : i32
        %dma_start3A_1560 = tpu.memref_slice %arg4[%multiple_of3A_1543, %dma_start3A_1559] : memref<100000x30xf32, #tpu.memory_space<hbm>> -> memref<8x30xf32, #tpu.memory_space<hbm>>
        tpu.enqueue_dma source(%dma_start3A_1560 : memref<8x30xf32, #tpu.memory_space<hbm>>) target(%dma_start3A_1558 : memref<8x30xf32, #tpu.memory_space<vmem>>) target_semaphore(%arg12 : memref<!tpu.dma_semaphore, #tpu.memory_space<semaphore_mem>>)
        %mul3A_1561 = arith.constant 128 : i32
        %mul3A_1562 = arith.muli %mul3A_1561, %and3A_1330 : i32
        %add3A_1563 = arith.constant 24 : i32
        %add3A_1564 = arith.addi %mul3A_1562, %add3A_1563 : i32
        %dma_start3A_1565 = arith.constant 0 : i32
        %dma_start3A_1566 = tpu.memref_slice %arg10[%add3A_1564, %dma_start3A_1565] : memref<256x30xf32, #tpu.memory_space<vmem>> -> memref<8x30xf32, #tpu.memory_space<vmem>>
        %dma_start3A_1567 = arith.constant 0 : i32
        %dma_start3A_1568 = tpu.memref_slice %arg5[%multiple_of3A_1548, %dma_start3A_1567] : memref<1000000x30xf32, #tpu.memory_space<hbm>> -> memref<8x30xf32, #tpu.memory_space<hbm>>
        %dma_start3A_1569 = arith.constant 0 : i32
        %dma_start3A_1570 = tpu.memref_slice %arg10[%add3A_1564, %dma_start3A_1569] : memref<256x30xf32, #tpu.memory_space<vmem>> -> memref<8x30xf32, #tpu.memory_space<vmem>>
        %dma_start3A_1571 = arith.constant 0 : i32
        %dma_start3A_1572 = tpu.memref_slice %arg5[%multiple_of3A_1548, %dma_start3A_1571] : memref<1000000x30xf32, #tpu.memory_space<hbm>> -> memref<8x30xf32, #tpu.memory_space<hbm>>
        tpu.enqueue_dma source(%dma_start3A_1572 : memref<8x30xf32, #tpu.memory_space<hbm>>) target(%dma_start3A_1570 : memref<8x30xf32, #tpu.memory_space<vmem>>) target_semaphore(%arg12 : memref<!tpu.dma_semaphore, #tpu.memory_space<semaphore_mem>>)
        %eq3A_1573 = arith.constant 4 : i32
        %eq3A_1574 = vector.broadcast %eq3A_1573 : i32 to vector<16xi32>
        %eq3A_1575 = arith.cmpi eq, %iota3A, %eq3A_1574 : vector<16xi32>
        %jit3A_1576 = arith.constant 0 : i32
        %broadcast_in_dim3A_1577 = vector.broadcast %jit3A_1576 : i32 to vector<16xi32>
        %select_n3A_1578 = arith.select %eq3A_1575, %get3A_1334, %broadcast_in_dim3A_1577 : vector<16xi1>, vector<16xi32>
        %reduce_max3A_1579 = arith.constant true
        %reduce_max3A_1580 = vector.broadcast %reduce_max3A_1579 : i1 to vector<16xi1>
        %reduce_max3A_1581 = arith.constant -2147483648 : i32
        %reduce_max3A_1582 = vector.broadcast %reduce_max3A_1581 : i32 to vector<16xi32>
        %reduce_max3A_1583 = arith.xori %select_n3A_1578, %reduce_max3A_1582 : vector<16xi32>
        %reduce_max3A_1584 = tpu.scan <max>, %reduce_max3A_1583 masked %reduce_max3A_1580 : vector<16xi32>, vector<16xi1> -> vector<16xi32>
        %reduce_max3A_1585 = arith.xori %reduce_max3A_1584, %reduce_max3A_1582 : vector<16xi32>
        %reduce_max3A_1586 = vector.extract %reduce_max3A_1585[15] : i32 from vector<16xi32>
        %jit3A_1587 = arith.constant 0 : i32
        %broadcast_in_dim3A_1588 = vector.broadcast %jit3A_1587 : i32 to vector<16xi32>
        %select_n3A_1589 = arith.select %eq3A_1575, %get3A_1336, %broadcast_in_dim3A_1588 : vector<16xi1>, vector<16xi32>
        %reduce_max3A_1590 = arith.constant true
        %reduce_max3A_1591 = vector.broadcast %reduce_max3A_1590 : i1 to vector<16xi1>
        %reduce_max3A_1592 = arith.constant -2147483648 : i32
        %reduce_max3A_1593 = vector.broadcast %reduce_max3A_1592 : i32 to vector<16xi32>
        %reduce_max3A_1594 = arith.xori %select_n3A_1589, %reduce_max3A_1593 : vector<16xi32>
        %reduce_max3A_1595 = tpu.scan <max>, %reduce_max3A_1594 masked %reduce_max3A_1591 : vector<16xi32>, vector<16xi1> -> vector<16xi32>
        %reduce_max3A_1596 = arith.xori %reduce_max3A_1595, %reduce_max3A_1593 : vector<16xi32>
        %reduce_max3A_1597 = vector.extract %reduce_max3A_1596[15] : i32 from vector<16xi32>
        %shift_right_logical3A_1598 = arith.constant 3 : i32
        %shift_right_logical3A_1599 = arith.shrui %reduce_max3A_1586, %shift_right_logical3A_1598 : i32
        %shift_left3A_1600 = arith.constant 3 : i32
        %shift_left3A_1601 = arith.shli %shift_right_logical3A_1599, %shift_left3A_1600 : i32
        %multiple_of3A_1602 = tpu.assume_multiple %shift_left3A_1601, 8 : i32
        %shift_right_logical3A_1603 = arith.constant 3 : i32
        %shift_right_logical3A_1604 = arith.shrui %reduce_max3A_1597, %shift_right_logical3A_1603 : i32
        %shift_left3A_1605 = arith.constant 3 : i32
        %shift_left3A_1606 = arith.shli %shift_right_logical3A_1604, %shift_left3A_1605 : i32
        %multiple_of3A_1607 = tpu.assume_multiple %shift_left3A_1606, 8 : i32
        %mul3A_1608 = arith.constant 128 : i32
        %mul3A_1609 = arith.muli %mul3A_1608, %and3A_1330 : i32
        %add3A_1610 = arith.constant 32 : i32
        %add3A_1611 = arith.addi %mul3A_1609, %add3A_1610 : i32
        %dma_start3A_1612 = arith.constant 0 : i32
        %dma_start3A_1613 = tpu.memref_slice %arg9[%add3A_1611, %dma_start3A_1612] : memref<256x30xf32, #tpu.memory_space<vmem>> -> memref<8x30xf32, #tpu.memory_space<vmem>>
        %dma_start3A_1614 = arith.constant 0 : i32
        %dma_start3A_1615 = tpu.memref_slice %arg4[%multiple_of3A_1602, %dma_start3A_1614] : memref<100000x30xf32, #tpu.memory_space<hbm>> -> memref<8x30xf32, #tpu.memory_space<hbm>>
        %dma_start3A_1616 = arith.constant 0 : i32
        %dma_start3A_1617 = tpu.memref_slice %arg9[%add3A_1611, %dma_start3A_1616] : memref<256x30xf32, #tpu.memory_space<vmem>> -> memref<8x30xf32, #tpu.memory_space<vmem>>
        %dma_start3A_1618 = arith.constant 0 : i32
        %dma_start3A_1619 = tpu.memref_slice %arg4[%multiple_of3A_1602, %dma_start3A_1618] : memref<100000x30xf32, #tpu.memory_space<hbm>> -> memref<8x30xf32, #tpu.memory_space<hbm>>
        tpu.enqueue_dma source(%dma_start3A_1619 : memref<8x30xf32, #tpu.memory_space<hbm>>) target(%dma_start3A_1617 : memref<8x30xf32, #tpu.memory_space<vmem>>) target_semaphore(%arg12 : memref<!tpu.dma_semaphore, #tpu.memory_space<semaphore_mem>>)
        %mul3A_1620 = arith.constant 128 : i32
        %mul3A_1621 = arith.muli %mul3A_1620, %and3A_1330 : i32
        %add3A_1622 = arith.constant 32 : i32
        %add3A_1623 = arith.addi %mul3A_1621, %add3A_1622 : i32
        %dma_start3A_1624 = arith.constant 0 : i32
        %dma_start3A_1625 = tpu.memref_slice %arg10[%add3A_1623, %dma_start3A_1624] : memref<256x30xf32, #tpu.memory_space<vmem>> -> memref<8x30xf32, #tpu.memory_space<vmem>>
        %dma_start3A_1626 = arith.constant 0 : i32
        %dma_start3A_1627 = tpu.memref_slice %arg5[%multiple_of3A_1607, %dma_start3A_1626] : memref<1000000x30xf32, #tpu.memory_space<hbm>> -> memref<8x30xf32, #tpu.memory_space<hbm>>
        %dma_start3A_1628 = arith.constant 0 : i32
        %dma_start3A_1629 = tpu.memref_slice %arg10[%add3A_1623, %dma_start3A_1628] : memref<256x30xf32, #tpu.memory_space<vmem>> -> memref<8x30xf32, #tpu.memory_space<vmem>>
        %dma_start3A_1630 = arith.constant 0 : i32
        %dma_start3A_1631 = tpu.memref_slice %arg5[%multiple_of3A_1607, %dma_start3A_1630] : memref<1000000x30xf32, #tpu.memory_space<hbm>> -> memref<8x30xf32, #tpu.memory_space<hbm>>
        tpu.enqueue_dma source(%dma_start3A_1631 : memref<8x30xf32, #tpu.memory_space<hbm>>) target(%dma_start3A_1629 : memref<8x30xf32, #tpu.memory_space<vmem>>) target_semaphore(%arg12 : memref<!tpu.dma_semaphore, #tpu.memory_space<semaphore_mem>>)
        %eq3A_1632 = arith.constant 5 : i32
        %eq3A_1633 = vector.broadcast %eq3A_1632 : i32 to vector<16xi32>
        %eq3A_1634 = arith.cmpi eq, %iota3A, %eq3A_1633 : vector<16xi32>
        %jit3A_1635 = arith.constant 0 : i32
        %broadcast_in_dim3A_1636 = vector.broadcast %jit3A_1635 : i32 to vector<16xi32>
        %select_n3A_1637 = arith.select %eq3A_1634, %get3A_1334, %broadcast_in_dim3A_1636 : vector<16xi1>, vector<16xi32>
        %reduce_max3A_1638 = arith.constant true
        %reduce_max3A_1639 = vector.broadcast %reduce_max3A_1638 : i1 to vector<16xi1>
        %reduce_max3A_1640 = arith.constant -2147483648 : i32
        %reduce_max3A_1641 = vector.broadcast %reduce_max3A_1640 : i32 to vector<16xi32>
        %reduce_max3A_1642 = arith.xori %select_n3A_1637, %reduce_max3A_1641 : vector<16xi32>
        %reduce_max3A_1643 = tpu.scan <max>, %reduce_max3A_1642 masked %reduce_max3A_1639 : vector<16xi32>, vector<16xi1> -> vector<16xi32>
        %reduce_max3A_1644 = arith.xori %reduce_max3A_1643, %reduce_max3A_1641 : vector<16xi32>
        %reduce_max3A_1645 = vector.extract %reduce_max3A_1644[15] : i32 from vector<16xi32>
        %jit3A_1646 = arith.constant 0 : i32
        %broadcast_in_dim3A_1647 = vector.broadcast %jit3A_1646 : i32 to vector<16xi32>
        %select_n3A_1648 = arith.select %eq3A_1634, %get3A_1336, %broadcast_in_dim3A_1647 : vector<16xi1>, vector<16xi32>
        %reduce_max3A_1649 = arith.constant true
        %reduce_max3A_1650 = vector.broadcast %reduce_max3A_1649 : i1 to vector<16xi1>
        %reduce_max3A_1651 = arith.constant -2147483648 : i32
        %reduce_max3A_1652 = vector.broadcast %reduce_max3A_1651 : i32 to vector<16xi32>
        %reduce_max3A_1653 = arith.xori %select_n3A_1648, %reduce_max3A_1652 : vector<16xi32>
        %reduce_max3A_1654 = tpu.scan <max>, %reduce_max3A_1653 masked %reduce_max3A_1650 : vector<16xi32>, vector<16xi1> -> vector<16xi32>
        %reduce_max3A_1655 = arith.xori %reduce_max3A_1654, %reduce_max3A_1652 : vector<16xi32>
        %reduce_max3A_1656 = vector.extract %reduce_max3A_1655[15] : i32 from vector<16xi32>
        %shift_right_logical3A_1657 = arith.constant 3 : i32
        %shift_right_logical3A_1658 = arith.shrui %reduce_max3A_1645, %shift_right_logical3A_1657 : i32
        %shift_left3A_1659 = arith.constant 3 : i32
        %shift_left3A_1660 = arith.shli %shift_right_logical3A_1658, %shift_left3A_1659 : i32
        %multiple_of3A_1661 = tpu.assume_multiple %shift_left3A_1660, 8 : i32
        %shift_right_logical3A_1662 = arith.constant 3 : i32
        %shift_right_logical3A_1663 = arith.shrui %reduce_max3A_1656, %shift_right_logical3A_1662 : i32
        %shift_left3A_1664 = arith.constant 3 : i32
        %shift_left3A_1665 = arith.shli %shift_right_logical3A_1663, %shift_left3A_1664 : i32
        %multiple_of3A_1666 = tpu.assume_multiple %shift_left3A_1665, 8 : i32
        %mul3A_1667 = arith.constant 128 : i32
        %mul3A_1668 = arith.muli %mul3A_1667, %and3A_1330 : i32
        %add3A_1669 = arith.constant 40 : i32
        %add3A_1670 = arith.addi %mul3A_1668, %add3A_1669 : i32
        %dma_start3A_1671 = arith.constant 0 : i32
        %dma_start3A_1672 = tpu.memref_slice %arg9[%add3A_1670, %dma_start3A_1671] : memref<256x30xf32, #tpu.memory_space<vmem>> -> memref<8x30xf32, #tpu.memory_space<vmem>>
        %dma_start3A_1673 = arith.constant 0 : i32
        %dma_start3A_1674 = tpu.memref_slice %arg4[%multiple_of3A_1661, %dma_start3A_1673] : memref<100000x30xf32, #tpu.memory_space<hbm>> -> memref<8x30xf32, #tpu.memory_space<hbm>>
        %dma_start3A_1675 = arith.constant 0 : i32
        %dma_start3A_1676 = tpu.memref_slice %arg9[%add3A_1670, %dma_start3A_1675] : memref<256x30xf32, #tpu.memory_space<vmem>> -> memref<8x30xf32, #tpu.memory_space<vmem>>
        %dma_start3A_1677 = arith.constant 0 : i32
        %dma_start3A_1678 = tpu.memref_slice %arg4[%multiple_of3A_1661, %dma_start3A_1677] : memref<100000x30xf32, #tpu.memory_space<hbm>> -> memref<8x30xf32, #tpu.memory_space<hbm>>
        tpu.enqueue_dma source(%dma_start3A_1678 : memref<8x30xf32, #tpu.memory_space<hbm>>) target(%dma_start3A_1676 : memref<8x30xf32, #tpu.memory_space<vmem>>) target_semaphore(%arg12 : memref<!tpu.dma_semaphore, #tpu.memory_space<semaphore_mem>>)
        %mul3A_1679 = arith.constant 128 : i32
        %mul3A_1680 = arith.muli %mul3A_1679, %and3A_1330 : i32
        %add3A_1681 = arith.constant 40 : i32
        %add3A_1682 = arith.addi %mul3A_1680, %add3A_1681 : i32
        %dma_start3A_1683 = arith.constant 0 : i32
        %dma_start3A_1684 = tpu.memref_slice %arg10[%add3A_1682, %dma_start3A_1683] : memref<256x30xf32, #tpu.memory_space<vmem>> -> memref<8x30xf32, #tpu.memory_space<vmem>>
        %dma_start3A_1685 = arith.constant 0 : i32
        %dma_start3A_1686 = tpu.memref_slice %arg5[%multiple_of3A_1666, %dma_start3A_1685] : memref<1000000x30xf32, #tpu.memory_space<hbm>> -> memref<8x30xf32, #tpu.memory_space<hbm>>
        %dma_start3A_1687 = arith.constant 0 : i32
        %dma_start3A_1688 = tpu.memref_slice %arg10[%add3A_1682, %dma_start3A_1687] : memref<256x30xf32, #tpu.memory_space<vmem>> -> memref<8x30xf32, #tpu.memory_space<vmem>>
        %dma_start3A_1689 = arith.constant 0 : i32
        %dma_start3A_1690 = tpu.memref_slice %arg5[%multiple_of3A_1666, %dma_start3A_1689] : memref<1000000x30xf32, #tpu.memory_space<hbm>> -> memref<8x30xf32, #tpu.memory_space<hbm>>
        tpu.enqueue_dma source(%dma_start3A_1690 : memref<8x30xf32, #tpu.memory_space<hbm>>) target(%dma_start3A_1688 : memref<8x30xf32, #tpu.memory_space<vmem>>) target_semaphore(%arg12 : memref<!tpu.dma_semaphore, #tpu.memory_space<semaphore_mem>>)
        %eq3A_1691 = arith.constant 6 : i32
        %eq3A_1692 = vector.broadcast %eq3A_1691 : i32 to vector<16xi32>
        %eq3A_1693 = arith.cmpi eq, %iota3A, %eq3A_1692 : vector<16xi32>
        %jit3A_1694 = arith.constant 0 : i32
        %broadcast_in_dim3A_1695 = vector.broadcast %jit3A_1694 : i32 to vector<16xi32>
        %select_n3A_1696 = arith.select %eq3A_1693, %get3A_1334, %broadcast_in_dim3A_1695 : vector<16xi1>, vector<16xi32>
        %reduce_max3A_1697 = arith.constant true
        %reduce_max3A_1698 = vector.broadcast %reduce_max3A_1697 : i1 to vector<16xi1>
        %reduce_max3A_1699 = arith.constant -2147483648 : i32
        %reduce_max3A_1700 = vector.broadcast %reduce_max3A_1699 : i32 to vector<16xi32>
        %reduce_max3A_1701 = arith.xori %select_n3A_1696, %reduce_max3A_1700 : vector<16xi32>
        %reduce_max3A_1702 = tpu.scan <max>, %reduce_max3A_1701 masked %reduce_max3A_1698 : vector<16xi32>, vector<16xi1> -> vector<16xi32>
        %reduce_max3A_1703 = arith.xori %reduce_max3A_1702, %reduce_max3A_1700 : vector<16xi32>
        %reduce_max3A_1704 = vector.extract %reduce_max3A_1703[15] : i32 from vector<16xi32>
        %jit3A_1705 = arith.constant 0 : i32
        %broadcast_in_dim3A_1706 = vector.broadcast %jit3A_1705 : i32 to vector<16xi32>
        %select_n3A_1707 = arith.select %eq3A_1693, %get3A_1336, %broadcast_in_dim3A_1706 : vector<16xi1>, vector<16xi32>
        %reduce_max3A_1708 = arith.constant true
        %reduce_max3A_1709 = vector.broadcast %reduce_max3A_1708 : i1 to vector<16xi1>
        %reduce_max3A_1710 = arith.constant -2147483648 : i32
        %reduce_max3A_1711 = vector.broadcast %reduce_max3A_1710 : i32 to vector<16xi32>
        %reduce_max3A_1712 = arith.xori %select_n3A_1707, %reduce_max3A_1711 : vector<16xi32>
        %reduce_max3A_1713 = tpu.scan <max>, %reduce_max3A_1712 masked %reduce_max3A_1709 : vector<16xi32>, vector<16xi1> -> vector<16xi32>
        %reduce_max3A_1714 = arith.xori %reduce_max3A_1713, %reduce_max3A_1711 : vector<16xi32>
        %reduce_max3A_1715 = vector.extract %reduce_max3A_1714[15] : i32 from vector<16xi32>
        %shift_right_logical3A_1716 = arith.constant 3 : i32
        %shift_right_logical3A_1717 = arith.shrui %reduce_max3A_1704, %shift_right_logical3A_1716 : i32
        %shift_left3A_1718 = arith.constant 3 : i32
        %shift_left3A_1719 = arith.shli %shift_right_logical3A_1717, %shift_left3A_1718 : i32
        %multiple_of3A_1720 = tpu.assume_multiple %shift_left3A_1719, 8 : i32
        %shift_right_logical3A_1721 = arith.constant 3 : i32
        %shift_right_logical3A_1722 = arith.shrui %reduce_max3A_1715, %shift_right_logical3A_1721 : i32
        %shift_left3A_1723 = arith.constant 3 : i32
        %shift_left3A_1724 = arith.shli %shift_right_logical3A_1722, %shift_left3A_1723 : i32
        %multiple_of3A_1725 = tpu.assume_multiple %shift_left3A_1724, 8 : i32
        %mul3A_1726 = arith.constant 128 : i32
        %mul3A_1727 = arith.muli %mul3A_1726, %and3A_1330 : i32
        %add3A_1728 = arith.constant 48 : i32
        %add3A_1729 = arith.addi %mul3A_1727, %add3A_1728 : i32
        %dma_start3A_1730 = arith.constant 0 : i32
        %dma_start3A_1731 = tpu.memref_slice %arg9[%add3A_1729, %dma_start3A_1730] : memref<256x30xf32, #tpu.memory_space<vmem>> -> memref<8x30xf32, #tpu.memory_space<vmem>>
        %dma_start3A_1732 = arith.constant 0 : i32
        %dma_start3A_1733 = tpu.memref_slice %arg4[%multiple_of3A_1720, %dma_start3A_1732] : memref<100000x30xf32, #tpu.memory_space<hbm>> -> memref<8x30xf32, #tpu.memory_space<hbm>>
        %dma_start3A_1734 = arith.constant 0 : i32
        %dma_start3A_1735 = tpu.memref_slice %arg9[%add3A_1729, %dma_start3A_1734] : memref<256x30xf32, #tpu.memory_space<vmem>> -> memref<8x30xf32, #tpu.memory_space<vmem>>
        %dma_start3A_1736 = arith.constant 0 : i32
        %dma_start3A_1737 = tpu.memref_slice %arg4[%multiple_of3A_1720, %dma_start3A_1736] : memref<100000x30xf32, #tpu.memory_space<hbm>> -> memref<8x30xf32, #tpu.memory_space<hbm>>
        tpu.enqueue_dma source(%dma_start3A_1737 : memref<8x30xf32, #tpu.memory_space<hbm>>) target(%dma_start3A_1735 : memref<8x30xf32, #tpu.memory_space<vmem>>) target_semaphore(%arg12 : memref<!tpu.dma_semaphore, #tpu.memory_space<semaphore_mem>>)
        %mul3A_1738 = arith.constant 128 : i32
        %mul3A_1739 = arith.muli %mul3A_1738, %and3A_1330 : i32
        %add3A_1740 = arith.constant 48 : i32
        %add3A_1741 = arith.addi %mul3A_1739, %add3A_1740 : i32
        %dma_start3A_1742 = arith.constant 0 : i32
        %dma_start3A_1743 = tpu.memref_slice %arg10[%add3A_1741, %dma_start3A_1742] : memref<256x30xf32, #tpu.memory_space<vmem>> -> memref<8x30xf32, #tpu.memory_space<vmem>>
        %dma_start3A_1744 = arith.constant 0 : i32
        %dma_start3A_1745 = tpu.memref_slice %arg5[%multiple_of3A_1725, %dma_start3A_1744] : memref<1000000x30xf32, #tpu.memory_space<hbm>> -> memref<8x30xf32, #tpu.memory_space<hbm>>
        %dma_start3A_1746 = arith.constant 0 : i32
        %dma_start3A_1747 = tpu.memref_slice %arg10[%add3A_1741, %dma_start3A_1746] : memref<256x30xf32, #tpu.memory_space<vmem>> -> memref<8x30xf32, #tpu.memory_space<vmem>>
        %dma_start3A_1748 = arith.constant 0 : i32
        %dma_start3A_1749 = tpu.memref_slice %arg5[%multiple_of3A_1725, %dma_start3A_1748] : memref<1000000x30xf32, #tpu.memory_space<hbm>> -> memref<8x30xf32, #tpu.memory_space<hbm>>
        tpu.enqueue_dma source(%dma_start3A_1749 : memref<8x30xf32, #tpu.memory_space<hbm>>) target(%dma_start3A_1747 : memref<8x30xf32, #tpu.memory_space<vmem>>) target_semaphore(%arg12 : memref<!tpu.dma_semaphore, #tpu.memory_space<semaphore_mem>>)
        %eq3A_1750 = arith.constant 7 : i32
        %eq3A_1751 = vector.broadcast %eq3A_1750 : i32 to vector<16xi32>
        %eq3A_1752 = arith.cmpi eq, %iota3A, %eq3A_1751 : vector<16xi32>
        %jit3A_1753 = arith.constant 0 : i32
        %broadcast_in_dim3A_1754 = vector.broadcast %jit3A_1753 : i32 to vector<16xi32>
        %select_n3A_1755 = arith.select %eq3A_1752, %get3A_1334, %broadcast_in_dim3A_1754 : vector<16xi1>, vector<16xi32>
        %reduce_max3A_1756 = arith.constant true
        %reduce_max3A_1757 = vector.broadcast %reduce_max3A_1756 : i1 to vector<16xi1>
        %reduce_max3A_1758 = arith.constant -2147483648 : i32
        %reduce_max3A_1759 = vector.broadcast %reduce_max3A_1758 : i32 to vector<16xi32>
        %reduce_max3A_1760 = arith.xori %select_n3A_1755, %reduce_max3A_1759 : vector<16xi32>
        %reduce_max3A_1761 = tpu.scan <max>, %reduce_max3A_1760 masked %reduce_max3A_1757 : vector<16xi32>, vector<16xi1> -> vector<16xi32>
        %reduce_max3A_1762 = arith.xori %reduce_max3A_1761, %reduce_max3A_1759 : vector<16xi32>
        %reduce_max3A_1763 = vector.extract %reduce_max3A_1762[15] : i32 from vector<16xi32>
        %jit3A_1764 = arith.constant 0 : i32
        %broadcast_in_dim3A_1765 = vector.broadcast %jit3A_1764 : i32 to vector<16xi32>
        %select_n3A_1766 = arith.select %eq3A_1752, %get3A_1336, %broadcast_in_dim3A_1765 : vector<16xi1>, vector<16xi32>
        %reduce_max3A_1767 = arith.constant true
        %reduce_max3A_1768 = vector.broadcast %reduce_max3A_1767 : i1 to vector<16xi1>
        %reduce_max3A_1769 = arith.constant -2147483648 : i32
        %reduce_max3A_1770 = vector.broadcast %reduce_max3A_1769 : i32 to vector<16xi32>
        %reduce_max3A_1771 = arith.xori %select_n3A_1766, %reduce_max3A_1770 : vector<16xi32>
        %reduce_max3A_1772 = tpu.scan <max>, %reduce_max3A_1771 masked %reduce_max3A_1768 : vector<16xi32>, vector<16xi1> -> vector<16xi32>
        %reduce_max3A_1773 = arith.xori %reduce_max3A_1772, %reduce_max3A_1770 : vector<16xi32>
        %reduce_max3A_1774 = vector.extract %reduce_max3A_1773[15] : i32 from vector<16xi32>
        %shift_right_logical3A_1775 = arith.constant 3 : i32
        %shift_right_logical3A_1776 = arith.shrui %reduce_max3A_1763, %shift_right_logical3A_1775 : i32
        %shift_left3A_1777 = arith.constant 3 : i32
        %shift_left3A_1778 = arith.shli %shift_right_logical3A_1776, %shift_left3A_1777 : i32
        %multiple_of3A_1779 = tpu.assume_multiple %shift_left3A_1778, 8 : i32
        %shift_right_logical3A_1780 = arith.constant 3 : i32
        %shift_right_logical3A_1781 = arith.shrui %reduce_max3A_1774, %shift_right_logical3A_1780 : i32
        %shift_left3A_1782 = arith.constant 3 : i32
        %shift_left3A_1783 = arith.shli %shift_right_logical3A_1781, %shift_left3A_1782 : i32
        %multiple_of3A_1784 = tpu.assume_multiple %shift_left3A_1783, 8 : i32
        %mul3A_1785 = arith.constant 128 : i32
        %mul3A_1786 = arith.muli %mul3A_1785, %and3A_1330 : i32
        %add3A_1787 = arith.constant 56 : i32
        %add3A_1788 = arith.addi %mul3A_1786, %add3A_1787 : i32
        %dma_start3A_1789 = arith.constant 0 : i32
        %dma_start3A_1790 = tpu.memref_slice %arg9[%add3A_1788, %dma_start3A_1789] : memref<256x30xf32, #tpu.memory_space<vmem>> -> memref<8x30xf32, #tpu.memory_space<vmem>>
        %dma_start3A_1791 = arith.constant 0 : i32
        %dma_start3A_1792 = tpu.memref_slice %arg4[%multiple_of3A_1779, %dma_start3A_1791] : memref<100000x30xf32, #tpu.memory_space<hbm>> -> memref<8x30xf32, #tpu.memory_space<hbm>>
        %dma_start3A_1793 = arith.constant 0 : i32
        %dma_start3A_1794 = tpu.memref_slice %arg9[%add3A_1788, %dma_start3A_1793] : memref<256x30xf32, #tpu.memory_space<vmem>> -> memref<8x30xf32, #tpu.memory_space<vmem>>
        %dma_start3A_1795 = arith.constant 0 : i32
        %dma_start3A_1796 = tpu.memref_slice %arg4[%multiple_of3A_1779, %dma_start3A_1795] : memref<100000x30xf32, #tpu.memory_space<hbm>> -> memref<8x30xf32, #tpu.memory_space<hbm>>
        tpu.enqueue_dma source(%dma_start3A_1796 : memref<8x30xf32, #tpu.memory_space<hbm>>) target(%dma_start3A_1794 : memref<8x30xf32, #tpu.memory_space<vmem>>) target_semaphore(%arg12 : memref<!tpu.dma_semaphore, #tpu.memory_space<semaphore_mem>>)
        %mul3A_1797 = arith.constant 128 : i32
        %mul3A_1798 = arith.muli %mul3A_1797, %and3A_1330 : i32
        %add3A_1799 = arith.constant 56 : i32
        %add3A_1800 = arith.addi %mul3A_1798, %add3A_1799 : i32
        %dma_start3A_1801 = arith.constant 0 : i32
        %dma_start3A_1802 = tpu.memref_slice %arg10[%add3A_1800, %dma_start3A_1801] : memref<256x30xf32, #tpu.memory_space<vmem>> -> memref<8x30xf32, #tpu.memory_space<vmem>>
        %dma_start3A_1803 = arith.constant 0 : i32
        %dma_start3A_1804 = tpu.memref_slice %arg5[%multiple_of3A_1784, %dma_start3A_1803] : memref<1000000x30xf32, #tpu.memory_space<hbm>> -> memref<8x30xf32, #tpu.memory_space<hbm>>
        %dma_start3A_1805 = arith.constant 0 : i32
        %dma_start3A_1806 = tpu.memref_slice %arg10[%add3A_1800, %dma_start3A_1805] : memref<256x30xf32, #tpu.memory_space<vmem>> -> memref<8x30xf32, #tpu.memory_space<vmem>>
        %dma_start3A_1807 = arith.constant 0 : i32
        %dma_start3A_1808 = tpu.memref_slice %arg5[%multiple_of3A_1784, %dma_start3A_1807] : memref<1000000x30xf32, #tpu.memory_space<hbm>> -> memref<8x30xf32, #tpu.memory_space<hbm>>
        tpu.enqueue_dma source(%dma_start3A_1808 : memref<8x30xf32, #tpu.memory_space<hbm>>) target(%dma_start3A_1806 : memref<8x30xf32, #tpu.memory_space<vmem>>) target_semaphore(%arg12 : memref<!tpu.dma_semaphore, #tpu.memory_space<semaphore_mem>>)
        %eq3A_1809 = arith.constant 8 : i32
        %eq3A_1810 = vector.broadcast %eq3A_1809 : i32 to vector<16xi32>
        %eq3A_1811 = arith.cmpi eq, %iota3A, %eq3A_1810 : vector<16xi32>
        %jit3A_1812 = arith.constant 0 : i32
        %broadcast_in_dim3A_1813 = vector.broadcast %jit3A_1812 : i32 to vector<16xi32>
        %select_n3A_1814 = arith.select %eq3A_1811, %get3A_1334, %broadcast_in_dim3A_1813 : vector<16xi1>, vector<16xi32>
        %reduce_max3A_1815 = arith.constant true
        %reduce_max3A_1816 = vector.broadcast %reduce_max3A_1815 : i1 to vector<16xi1>
        %reduce_max3A_1817 = arith.constant -2147483648 : i32
        %reduce_max3A_1818 = vector.broadcast %reduce_max3A_1817 : i32 to vector<16xi32>
        %reduce_max3A_1819 = arith.xori %select_n3A_1814, %reduce_max3A_1818 : vector<16xi32>
        %reduce_max3A_1820 = tpu.scan <max>, %reduce_max3A_1819 masked %reduce_max3A_1816 : vector<16xi32>, vector<16xi1> -> vector<16xi32>
        %reduce_max3A_1821 = arith.xori %reduce_max3A_1820, %reduce_max3A_1818 : vector<16xi32>
        %reduce_max3A_1822 = vector.extract %reduce_max3A_1821[15] : i32 from vector<16xi32>
        %jit3A_1823 = arith.constant 0 : i32
        %broadcast_in_dim3A_1824 = vector.broadcast %jit3A_1823 : i32 to vector<16xi32>
        %select_n3A_1825 = arith.select %eq3A_1811, %get3A_1336, %broadcast_in_dim3A_1824 : vector<16xi1>, vector<16xi32>
        %reduce_max3A_1826 = arith.constant true
        %reduce_max3A_1827 = vector.broadcast %reduce_max3A_1826 : i1 to vector<16xi1>
        %reduce_max3A_1828 = arith.constant -2147483648 : i32
        %reduce_max3A_1829 = vector.broadcast %reduce_max3A_1828 : i32 to vector<16xi32>
        %reduce_max3A_1830 = arith.xori %select_n3A_1825, %reduce_max3A_1829 : vector<16xi32>
        %reduce_max3A_1831 = tpu.scan <max>, %reduce_max3A_1830 masked %reduce_max3A_1827 : vector<16xi32>, vector<16xi1> -> vector<16xi32>
        %reduce_max3A_1832 = arith.xori %reduce_max3A_1831, %reduce_max3A_1829 : vector<16xi32>
        %reduce_max3A_1833 = vector.extract %reduce_max3A_1832[15] : i32 from vector<16xi32>
        %shift_right_logical3A_1834 = arith.constant 3 : i32
        %shift_right_logical3A_1835 = arith.shrui %reduce_max3A_1822, %shift_right_logical3A_1834 : i32
        %shift_left3A_1836 = arith.constant 3 : i32
        %shift_left3A_1837 = arith.shli %shift_right_logical3A_1835, %shift_left3A_1836 : i32
        %multiple_of3A_1838 = tpu.assume_multiple %shift_left3A_1837, 8 : i32
        %shift_right_logical3A_1839 = arith.constant 3 : i32
        %shift_right_logical3A_1840 = arith.shrui %reduce_max3A_1833, %shift_right_logical3A_1839 : i32
        %shift_left3A_1841 = arith.constant 3 : i32
        %shift_left3A_1842 = arith.shli %shift_right_logical3A_1840, %shift_left3A_1841 : i32
        %multiple_of3A_1843 = tpu.assume_multiple %shift_left3A_1842, 8 : i32
        %mul3A_1844 = arith.constant 128 : i32
        %mul3A_1845 = arith.muli %mul3A_1844, %and3A_1330 : i32
        %add3A_1846 = arith.constant 64 : i32
        %add3A_1847 = arith.addi %mul3A_1845, %add3A_1846 : i32
        %dma_start3A_1848 = arith.constant 0 : i32
        %dma_start3A_1849 = tpu.memref_slice %arg9[%add3A_1847, %dma_start3A_1848] : memref<256x30xf32, #tpu.memory_space<vmem>> -> memref<8x30xf32, #tpu.memory_space<vmem>>
        %dma_start3A_1850 = arith.constant 0 : i32
        %dma_start3A_1851 = tpu.memref_slice %arg4[%multiple_of3A_1838, %dma_start3A_1850] : memref<100000x30xf32, #tpu.memory_space<hbm>> -> memref<8x30xf32, #tpu.memory_space<hbm>>
        %dma_start3A_1852 = arith.constant 0 : i32
        %dma_start3A_1853 = tpu.memref_slice %arg9[%add3A_1847, %dma_start3A_1852] : memref<256x30xf32, #tpu.memory_space<vmem>> -> memref<8x30xf32, #tpu.memory_space<vmem>>
        %dma_start3A_1854 = arith.constant 0 : i32
        %dma_start3A_1855 = tpu.memref_slice %arg4[%multiple_of3A_1838, %dma_start3A_1854] : memref<100000x30xf32, #tpu.memory_space<hbm>> -> memref<8x30xf32, #tpu.memory_space<hbm>>
        tpu.enqueue_dma source(%dma_start3A_1855 : memref<8x30xf32, #tpu.memory_space<hbm>>) target(%dma_start3A_1853 : memref<8x30xf32, #tpu.memory_space<vmem>>) target_semaphore(%arg12 : memref<!tpu.dma_semaphore, #tpu.memory_space<semaphore_mem>>)
        %mul3A_1856 = arith.constant 128 : i32
        %mul3A_1857 = arith.muli %mul3A_1856, %and3A_1330 : i32
        %add3A_1858 = arith.constant 64 : i32
        %add3A_1859 = arith.addi %mul3A_1857, %add3A_1858 : i32
        %dma_start3A_1860 = arith.constant 0 : i32
        %dma_start3A_1861 = tpu.memref_slice %arg10[%add3A_1859, %dma_start3A_1860] : memref<256x30xf32, #tpu.memory_space<vmem>> -> memref<8x30xf32, #tpu.memory_space<vmem>>
        %dma_start3A_1862 = arith.constant 0 : i32
        %dma_start3A_1863 = tpu.memref_slice %arg5[%multiple_of3A_1843, %dma_start3A_1862] : memref<1000000x30xf32, #tpu.memory_space<hbm>> -> memref<8x30xf32, #tpu.memory_space<hbm>>
        %dma_start3A_1864 = arith.constant 0 : i32
        %dma_start3A_1865 = tpu.memref_slice %arg10[%add3A_1859, %dma_start3A_1864] : memref<256x30xf32, #tpu.memory_space<vmem>> -> memref<8x30xf32, #tpu.memory_space<vmem>>
        %dma_start3A_1866 = arith.constant 0 : i32
        %dma_start3A_1867 = tpu.memref_slice %arg5[%multiple_of3A_1843, %dma_start3A_1866] : memref<1000000x30xf32, #tpu.memory_space<hbm>> -> memref<8x30xf32, #tpu.memory_space<hbm>>
        tpu.enqueue_dma source(%dma_start3A_1867 : memref<8x30xf32, #tpu.memory_space<hbm>>) target(%dma_start3A_1865 : memref<8x30xf32, #tpu.memory_space<vmem>>) target_semaphore(%arg12 : memref<!tpu.dma_semaphore, #tpu.memory_space<semaphore_mem>>)
        %eq3A_1868 = arith.constant 9 : i32
        %eq3A_1869 = vector.broadcast %eq3A_1868 : i32 to vector<16xi32>
        %eq3A_1870 = arith.cmpi eq, %iota3A, %eq3A_1869 : vector<16xi32>
        %jit3A_1871 = arith.constant 0 : i32
        %broadcast_in_dim3A_1872 = vector.broadcast %jit3A_1871 : i32 to vector<16xi32>
        %select_n3A_1873 = arith.select %eq3A_1870, %get3A_1334, %broadcast_in_dim3A_1872 : vector<16xi1>, vector<16xi32>
        %reduce_max3A_1874 = arith.constant true
        %reduce_max3A_1875 = vector.broadcast %reduce_max3A_1874 : i1 to vector<16xi1>
        %reduce_max3A_1876 = arith.constant -2147483648 : i32
        %reduce_max3A_1877 = vector.broadcast %reduce_max3A_1876 : i32 to vector<16xi32>
        %reduce_max3A_1878 = arith.xori %select_n3A_1873, %reduce_max3A_1877 : vector<16xi32>
        %reduce_max3A_1879 = tpu.scan <max>, %reduce_max3A_1878 masked %reduce_max3A_1875 : vector<16xi32>, vector<16xi1> -> vector<16xi32>
        %reduce_max3A_1880 = arith.xori %reduce_max3A_1879, %reduce_max3A_1877 : vector<16xi32>
        %reduce_max3A_1881 = vector.extract %reduce_max3A_1880[15] : i32 from vector<16xi32>
        %jit3A_1882 = arith.constant 0 : i32
        %broadcast_in_dim3A_1883 = vector.broadcast %jit3A_1882 : i32 to vector<16xi32>
        %select_n3A_1884 = arith.select %eq3A_1870, %get3A_1336, %broadcast_in_dim3A_1883 : vector<16xi1>, vector<16xi32>
        %reduce_max3A_1885 = arith.constant true
        %reduce_max3A_1886 = vector.broadcast %reduce_max3A_1885 : i1 to vector<16xi1>
        %reduce_max3A_1887 = arith.constant -2147483648 : i32
        %reduce_max3A_1888 = vector.broadcast %reduce_max3A_1887 : i32 to vector<16xi32>
        %reduce_max3A_1889 = arith.xori %select_n3A_1884, %reduce_max3A_1888 : vector<16xi32>
        %reduce_max3A_1890 = tpu.scan <max>, %reduce_max3A_1889 masked %reduce_max3A_1886 : vector<16xi32>, vector<16xi1> -> vector<16xi32>
        %reduce_max3A_1891 = arith.xori %reduce_max3A_1890, %reduce_max3A_1888 : vector<16xi32>
        %reduce_max3A_1892 = vector.extract %reduce_max3A_1891[15] : i32 from vector<16xi32>
        %shift_right_logical3A_1893 = arith.constant 3 : i32
        %shift_right_logical3A_1894 = arith.shrui %reduce_max3A_1881, %shift_right_logical3A_1893 : i32
        %shift_left3A_1895 = arith.constant 3 : i32
        %shift_left3A_1896 = arith.shli %shift_right_logical3A_1894, %shift_left3A_1895 : i32
        %multiple_of3A_1897 = tpu.assume_multiple %shift_left3A_1896, 8 : i32
        %shift_right_logical3A_1898 = arith.constant 3 : i32
        %shift_right_logical3A_1899 = arith.shrui %reduce_max3A_1892, %shift_right_logical3A_1898 : i32
        %shift_left3A_1900 = arith.constant 3 : i32
        %shift_left3A_1901 = arith.shli %shift_right_logical3A_1899, %shift_left3A_1900 : i32
        %multiple_of3A_1902 = tpu.assume_multiple %shift_left3A_1901, 8 : i32
        %mul3A_1903 = arith.constant 128 : i32
        %mul3A_1904 = arith.muli %mul3A_1903, %and3A_1330 : i32
        %add3A_1905 = arith.constant 72 : i32
        %add3A_1906 = arith.addi %mul3A_1904, %add3A_1905 : i32
        %dma_start3A_1907 = arith.constant 0 : i32
        %dma_start3A_1908 = tpu.memref_slice %arg9[%add3A_1906, %dma_start3A_1907] : memref<256x30xf32, #tpu.memory_space<vmem>> -> memref<8x30xf32, #tpu.memory_space<vmem>>
        %dma_start3A_1909 = arith.constant 0 : i32
        %dma_start3A_1910 = tpu.memref_slice %arg4[%multiple_of3A_1897, %dma_start3A_1909] : memref<100000x30xf32, #tpu.memory_space<hbm>> -> memref<8x30xf32, #tpu.memory_space<hbm>>
        %dma_start3A_1911 = arith.constant 0 : i32
        %dma_start3A_1912 = tpu.memref_slice %arg9[%add3A_1906, %dma_start3A_1911] : memref<256x30xf32, #tpu.memory_space<vmem>> -> memref<8x30xf32, #tpu.memory_space<vmem>>
        %dma_start3A_1913 = arith.constant 0 : i32
        %dma_start3A_1914 = tpu.memref_slice %arg4[%multiple_of3A_1897, %dma_start3A_1913] : memref<100000x30xf32, #tpu.memory_space<hbm>> -> memref<8x30xf32, #tpu.memory_space<hbm>>
        tpu.enqueue_dma source(%dma_start3A_1914 : memref<8x30xf32, #tpu.memory_space<hbm>>) target(%dma_start3A_1912 : memref<8x30xf32, #tpu.memory_space<vmem>>) target_semaphore(%arg12 : memref<!tpu.dma_semaphore, #tpu.memory_space<semaphore_mem>>)
        %mul3A_1915 = arith.constant 128 : i32
        %mul3A_1916 = arith.muli %mul3A_1915, %and3A_1330 : i32
        %add3A_1917 = arith.constant 72 : i32
        %add3A_1918 = arith.addi %mul3A_1916, %add3A_1917 : i32
        %dma_start3A_1919 = arith.constant 0 : i32
        %dma_start3A_1920 = tpu.memref_slice %arg10[%add3A_1918, %dma_start3A_1919] : memref<256x30xf32, #tpu.memory_space<vmem>> -> memref<8x30xf32, #tpu.memory_space<vmem>>
        %dma_start3A_1921 = arith.constant 0 : i32
        %dma_start3A_1922 = tpu.memref_slice %arg5[%multiple_of3A_1902, %dma_start3A_1921] : memref<1000000x30xf32, #tpu.memory_space<hbm>> -> memref<8x30xf32, #tpu.memory_space<hbm>>
        %dma_start3A_1923 = arith.constant 0 : i32
        %dma_start3A_1924 = tpu.memref_slice %arg10[%add3A_1918, %dma_start3A_1923] : memref<256x30xf32, #tpu.memory_space<vmem>> -> memref<8x30xf32, #tpu.memory_space<vmem>>
        %dma_start3A_1925 = arith.constant 0 : i32
        %dma_start3A_1926 = tpu.memref_slice %arg5[%multiple_of3A_1902, %dma_start3A_1925] : memref<1000000x30xf32, #tpu.memory_space<hbm>> -> memref<8x30xf32, #tpu.memory_space<hbm>>
        tpu.enqueue_dma source(%dma_start3A_1926 : memref<8x30xf32, #tpu.memory_space<hbm>>) target(%dma_start3A_1924 : memref<8x30xf32, #tpu.memory_space<vmem>>) target_semaphore(%arg12 : memref<!tpu.dma_semaphore, #tpu.memory_space<semaphore_mem>>)
        %eq3A_1927 = arith.constant 10 : i32
        %eq3A_1928 = vector.broadcast %eq3A_1927 : i32 to vector<16xi32>
        %eq3A_1929 = arith.cmpi eq, %iota3A, %eq3A_1928 : vector<16xi32>
        %jit3A_1930 = arith.constant 0 : i32
        %broadcast_in_dim3A_1931 = vector.broadcast %jit3A_1930 : i32 to vector<16xi32>
        %select_n3A_1932 = arith.select %eq3A_1929, %get3A_1334, %broadcast_in_dim3A_1931 : vector<16xi1>, vector<16xi32>
        %reduce_max3A_1933 = arith.constant true
        %reduce_max3A_1934 = vector.broadcast %reduce_max3A_1933 : i1 to vector<16xi1>
        %reduce_max3A_1935 = arith.constant -2147483648 : i32
        %reduce_max3A_1936 = vector.broadcast %reduce_max3A_1935 : i32 to vector<16xi32>
        %reduce_max3A_1937 = arith.xori %select_n3A_1932, %reduce_max3A_1936 : vector<16xi32>
        %reduce_max3A_1938 = tpu.scan <max>, %reduce_max3A_1937 masked %reduce_max3A_1934 : vector<16xi32>, vector<16xi1> -> vector<16xi32>
        %reduce_max3A_1939 = arith.xori %reduce_max3A_1938, %reduce_max3A_1936 : vector<16xi32>
        %reduce_max3A_1940 = vector.extract %reduce_max3A_1939[15] : i32 from vector<16xi32>
        %jit3A_1941 = arith.constant 0 : i32
        %broadcast_in_dim3A_1942 = vector.broadcast %jit3A_1941 : i32 to vector<16xi32>
        %select_n3A_1943 = arith.select %eq3A_1929, %get3A_1336, %broadcast_in_dim3A_1942 : vector<16xi1>, vector<16xi32>
        %reduce_max3A_1944 = arith.constant true
        %reduce_max3A_1945 = vector.broadcast %reduce_max3A_1944 : i1 to vector<16xi1>
        %reduce_max3A_1946 = arith.constant -2147483648 : i32
        %reduce_max3A_1947 = vector.broadcast %reduce_max3A_1946 : i32 to vector<16xi32>
        %reduce_max3A_1948 = arith.xori %select_n3A_1943, %reduce_max3A_1947 : vector<16xi32>
        %reduce_max3A_1949 = tpu.scan <max>, %reduce_max3A_1948 masked %reduce_max3A_1945 : vector<16xi32>, vector<16xi1> -> vector<16xi32>
        %reduce_max3A_1950 = arith.xori %reduce_max3A_1949, %reduce_max3A_1947 : vector<16xi32>
        %reduce_max3A_1951 = vector.extract %reduce_max3A_1950[15] : i32 from vector<16xi32>
        %shift_right_logical3A_1952 = arith.constant 3 : i32
        %shift_right_logical3A_1953 = arith.shrui %reduce_max3A_1940, %shift_right_logical3A_1952 : i32
        %shift_left3A_1954 = arith.constant 3 : i32
        %shift_left3A_1955 = arith.shli %shift_right_logical3A_1953, %shift_left3A_1954 : i32
        %multiple_of3A_1956 = tpu.assume_multiple %shift_left3A_1955, 8 : i32
        %shift_right_logical3A_1957 = arith.constant 3 : i32
        %shift_right_logical3A_1958 = arith.shrui %reduce_max3A_1951, %shift_right_logical3A_1957 : i32
        %shift_left3A_1959 = arith.constant 3 : i32
        %shift_left3A_1960 = arith.shli %shift_right_logical3A_1958, %shift_left3A_1959 : i32
        %multiple_of3A_1961 = tpu.assume_multiple %shift_left3A_1960, 8 : i32
        %mul3A_1962 = arith.constant 128 : i32
        %mul3A_1963 = arith.muli %mul3A_1962, %and3A_1330 : i32
        %add3A_1964 = arith.constant 80 : i32
        %add3A_1965 = arith.addi %mul3A_1963, %add3A_1964 : i32
        %dma_start3A_1966 = arith.constant 0 : i32
        %dma_start3A_1967 = tpu.memref_slice %arg9[%add3A_1965, %dma_start3A_1966] : memref<256x30xf32, #tpu.memory_space<vmem>> -> memref<8x30xf32, #tpu.memory_space<vmem>>
        %dma_start3A_1968 = arith.constant 0 : i32
        %dma_start3A_1969 = tpu.memref_slice %arg4[%multiple_of3A_1956, %dma_start3A_1968] : memref<100000x30xf32, #tpu.memory_space<hbm>> -> memref<8x30xf32, #tpu.memory_space<hbm>>
        %dma_start3A_1970 = arith.constant 0 : i32
        %dma_start3A_1971 = tpu.memref_slice %arg9[%add3A_1965, %dma_start3A_1970] : memref<256x30xf32, #tpu.memory_space<vmem>> -> memref<8x30xf32, #tpu.memory_space<vmem>>
        %dma_start3A_1972 = arith.constant 0 : i32
        %dma_start3A_1973 = tpu.memref_slice %arg4[%multiple_of3A_1956, %dma_start3A_1972] : memref<100000x30xf32, #tpu.memory_space<hbm>> -> memref<8x30xf32, #tpu.memory_space<hbm>>
        tpu.enqueue_dma source(%dma_start3A_1973 : memref<8x30xf32, #tpu.memory_space<hbm>>) target(%dma_start3A_1971 : memref<8x30xf32, #tpu.memory_space<vmem>>) target_semaphore(%arg12 : memref<!tpu.dma_semaphore, #tpu.memory_space<semaphore_mem>>)
        %mul3A_1974 = arith.constant 128 : i32
        %mul3A_1975 = arith.muli %mul3A_1974, %and3A_1330 : i32
        %add3A_1976 = arith.constant 80 : i32
        %add3A_1977 = arith.addi %mul3A_1975, %add3A_1976 : i32
        %dma_start3A_1978 = arith.constant 0 : i32
        %dma_start3A_1979 = tpu.memref_slice %arg10[%add3A_1977, %dma_start3A_1978] : memref<256x30xf32, #tpu.memory_space<vmem>> -> memref<8x30xf32, #tpu.memory_space<vmem>>
        %dma_start3A_1980 = arith.constant 0 : i32
        %dma_start3A_1981 = tpu.memref_slice %arg5[%multiple_of3A_1961, %dma_start3A_1980] : memref<1000000x30xf32, #tpu.memory_space<hbm>> -> memref<8x30xf32, #tpu.memory_space<hbm>>
        %dma_start3A_1982 = arith.constant 0 : i32
        %dma_start3A_1983 = tpu.memref_slice %arg10[%add3A_1977, %dma_start3A_1982] : memref<256x30xf32, #tpu.memory_space<vmem>> -> memref<8x30xf32, #tpu.memory_space<vmem>>
        %dma_start3A_1984 = arith.constant 0 : i32
        %dma_start3A_1985 = tpu.memref_slice %arg5[%multiple_of3A_1961, %dma_start3A_1984] : memref<1000000x30xf32, #tpu.memory_space<hbm>> -> memref<8x30xf32, #tpu.memory_space<hbm>>
        tpu.enqueue_dma source(%dma_start3A_1985 : memref<8x30xf32, #tpu.memory_space<hbm>>) target(%dma_start3A_1983 : memref<8x30xf32, #tpu.memory_space<vmem>>) target_semaphore(%arg12 : memref<!tpu.dma_semaphore, #tpu.memory_space<semaphore_mem>>)
        %eq3A_1986 = arith.constant 11 : i32
        %eq3A_1987 = vector.broadcast %eq3A_1986 : i32 to vector<16xi32>
        %eq3A_1988 = arith.cmpi eq, %iota3A, %eq3A_1987 : vector<16xi32>
        %jit3A_1989 = arith.constant 0 : i32
        %broadcast_in_dim3A_1990 = vector.broadcast %jit3A_1989 : i32 to vector<16xi32>
        %select_n3A_1991 = arith.select %eq3A_1988, %get3A_1334, %broadcast_in_dim3A_1990 : vector<16xi1>, vector<16xi32>
        %reduce_max3A_1992 = arith.constant true
        %reduce_max3A_1993 = vector.broadcast %reduce_max3A_1992 : i1 to vector<16xi1>
        %reduce_max3A_1994 = arith.constant -2147483648 : i32
        %reduce_max3A_1995 = vector.broadcast %reduce_max3A_1994 : i32 to vector<16xi32>
        %reduce_max3A_1996 = arith.xori %select_n3A_1991, %reduce_max3A_1995 : vector<16xi32>
        %reduce_max3A_1997 = tpu.scan <max>, %reduce_max3A_1996 masked %reduce_max3A_1993 : vector<16xi32>, vector<16xi1> -> vector<16xi32>
        %reduce_max3A_1998 = arith.xori %reduce_max3A_1997, %reduce_max3A_1995 : vector<16xi32>
        %reduce_max3A_1999 = vector.extract %reduce_max3A_1998[15] : i32 from vector<16xi32>
        %jit3A_2000 = arith.constant 0 : i32
        %broadcast_in_dim3A_2001 = vector.broadcast %jit3A_2000 : i32 to vector<16xi32>
        %select_n3A_2002 = arith.select %eq3A_1988, %get3A_1336, %broadcast_in_dim3A_2001 : vector<16xi1>, vector<16xi32>
        %reduce_max3A_2003 = arith.constant true
        %reduce_max3A_2004 = vector.broadcast %reduce_max3A_2003 : i1 to vector<16xi1>
        %reduce_max3A_2005 = arith.constant -2147483648 : i32
        %reduce_max3A_2006 = vector.broadcast %reduce_max3A_2005 : i32 to vector<16xi32>
        %reduce_max3A_2007 = arith.xori %select_n3A_2002, %reduce_max3A_2006 : vector<16xi32>
        %reduce_max3A_2008 = tpu.scan <max>, %reduce_max3A_2007 masked %reduce_max3A_2004 : vector<16xi32>, vector<16xi1> -> vector<16xi32>
        %reduce_max3A_2009 = arith.xori %reduce_max3A_2008, %reduce_max3A_2006 : vector<16xi32>
        %reduce_max3A_2010 = vector.extract %reduce_max3A_2009[15] : i32 from vector<16xi32>
        %shift_right_logical3A_2011 = arith.constant 3 : i32
        %shift_right_logical3A_2012 = arith.shrui %reduce_max3A_1999, %shift_right_logical3A_2011 : i32
        %shift_left3A_2013 = arith.constant 3 : i32
        %shift_left3A_2014 = arith.shli %shift_right_logical3A_2012, %shift_left3A_2013 : i32
        %multiple_of3A_2015 = tpu.assume_multiple %shift_left3A_2014, 8 : i32
        %shift_right_logical3A_2016 = arith.constant 3 : i32
        %shift_right_logical3A_2017 = arith.shrui %reduce_max3A_2010, %shift_right_logical3A_2016 : i32
        %shift_left3A_2018 = arith.constant 3 : i32
        %shift_left3A_2019 = arith.shli %shift_right_logical3A_2017, %shift_left3A_2018 : i32
        %multiple_of3A_2020 = tpu.assume_multiple %shift_left3A_2019, 8 : i32
        %mul3A_2021 = arith.constant 128 : i32
        %mul3A_2022 = arith.muli %mul3A_2021, %and3A_1330 : i32
        %add3A_2023 = arith.constant 88 : i32
        %add3A_2024 = arith.addi %mul3A_2022, %add3A_2023 : i32
        %dma_start3A_2025 = arith.constant 0 : i32
        %dma_start3A_2026 = tpu.memref_slice %arg9[%add3A_2024, %dma_start3A_2025] : memref<256x30xf32, #tpu.memory_space<vmem>> -> memref<8x30xf32, #tpu.memory_space<vmem>>
        %dma_start3A_2027 = arith.constant 0 : i32
        %dma_start3A_2028 = tpu.memref_slice %arg4[%multiple_of3A_2015, %dma_start3A_2027] : memref<100000x30xf32, #tpu.memory_space<hbm>> -> memref<8x30xf32, #tpu.memory_space<hbm>>
        %dma_start3A_2029 = arith.constant 0 : i32
        %dma_start3A_2030 = tpu.memref_slice %arg9[%add3A_2024, %dma_start3A_2029] : memref<256x30xf32, #tpu.memory_space<vmem>> -> memref<8x30xf32, #tpu.memory_space<vmem>>
        %dma_start3A_2031 = arith.constant 0 : i32
        %dma_start3A_2032 = tpu.memref_slice %arg4[%multiple_of3A_2015, %dma_start3A_2031] : memref<100000x30xf32, #tpu.memory_space<hbm>> -> memref<8x30xf32, #tpu.memory_space<hbm>>
        tpu.enqueue_dma source(%dma_start3A_2032 : memref<8x30xf32, #tpu.memory_space<hbm>>) target(%dma_start3A_2030 : memref<8x30xf32, #tpu.memory_space<vmem>>) target_semaphore(%arg12 : memref<!tpu.dma_semaphore, #tpu.memory_space<semaphore_mem>>)
        %mul3A_2033 = arith.constant 128 : i32
        %mul3A_2034 = arith.muli %mul3A_2033, %and3A_1330 : i32
        %add3A_2035 = arith.constant 88 : i32
        %add3A_2036 = arith.addi %mul3A_2034, %add3A_2035 : i32
        %dma_start3A_2037 = arith.constant 0 : i32
        %dma_start3A_2038 = tpu.memref_slice %arg10[%add3A_2036, %dma_start3A_2037] : memref<256x30xf32, #tpu.memory_space<vmem>> -> memref<8x30xf32, #tpu.memory_space<vmem>>
        %dma_start3A_2039 = arith.constant 0 : i32
        %dma_start3A_2040 = tpu.memref_slice %arg5[%multiple_of3A_2020, %dma_start3A_2039] : memref<1000000x30xf32, #tpu.memory_space<hbm>> -> memref<8x30xf32, #tpu.memory_space<hbm>>
        %dma_start3A_2041 = arith.constant 0 : i32
        %dma_start3A_2042 = tpu.memref_slice %arg10[%add3A_2036, %dma_start3A_2041] : memref<256x30xf32, #tpu.memory_space<vmem>> -> memref<8x30xf32, #tpu.memory_space<vmem>>
        %dma_start3A_2043 = arith.constant 0 : i32
        %dma_start3A_2044 = tpu.memref_slice %arg5[%multiple_of3A_2020, %dma_start3A_2043] : memref<1000000x30xf32, #tpu.memory_space<hbm>> -> memref<8x30xf32, #tpu.memory_space<hbm>>
        tpu.enqueue_dma source(%dma_start3A_2044 : memref<8x30xf32, #tpu.memory_space<hbm>>) target(%dma_start3A_2042 : memref<8x30xf32, #tpu.memory_space<vmem>>) target_semaphore(%arg12 : memref<!tpu.dma_semaphore, #tpu.memory_space<semaphore_mem>>)
        %eq3A_2045 = arith.constant 12 : i32
        %eq3A_2046 = vector.broadcast %eq3A_2045 : i32 to vector<16xi32>
        %eq3A_2047 = arith.cmpi eq, %iota3A, %eq3A_2046 : vector<16xi32>
        %jit3A_2048 = arith.constant 0 : i32
        %broadcast_in_dim3A_2049 = vector.broadcast %jit3A_2048 : i32 to vector<16xi32>
        %select_n3A_2050 = arith.select %eq3A_2047, %get3A_1334, %broadcast_in_dim3A_2049 : vector<16xi1>, vector<16xi32>
        %reduce_max3A_2051 = arith.constant true
        %reduce_max3A_2052 = vector.broadcast %reduce_max3A_2051 : i1 to vector<16xi1>
        %reduce_max3A_2053 = arith.constant -2147483648 : i32
        %reduce_max3A_2054 = vector.broadcast %reduce_max3A_2053 : i32 to vector<16xi32>
        %reduce_max3A_2055 = arith.xori %select_n3A_2050, %reduce_max3A_2054 : vector<16xi32>
        %reduce_max3A_2056 = tpu.scan <max>, %reduce_max3A_2055 masked %reduce_max3A_2052 : vector<16xi32>, vector<16xi1> -> vector<16xi32>
        %reduce_max3A_2057 = arith.xori %reduce_max3A_2056, %reduce_max3A_2054 : vector<16xi32>
        %reduce_max3A_2058 = vector.extract %reduce_max3A_2057[15] : i32 from vector<16xi32>
        %jit3A_2059 = arith.constant 0 : i32
        %broadcast_in_dim3A_2060 = vector.broadcast %jit3A_2059 : i32 to vector<16xi32>
        %select_n3A_2061 = arith.select %eq3A_2047, %get3A_1336, %broadcast_in_dim3A_2060 : vector<16xi1>, vector<16xi32>
        %reduce_max3A_2062 = arith.constant true
        %reduce_max3A_2063 = vector.broadcast %reduce_max3A_2062 : i1 to vector<16xi1>
        %reduce_max3A_2064 = arith.constant -2147483648 : i32
        %reduce_max3A_2065 = vector.broadcast %reduce_max3A_2064 : i32 to vector<16xi32>
        %reduce_max3A_2066 = arith.xori %select_n3A_2061, %reduce_max3A_2065 : vector<16xi32>
        %reduce_max3A_2067 = tpu.scan <max>, %reduce_max3A_2066 masked %reduce_max3A_2063 : vector<16xi32>, vector<16xi1> -> vector<16xi32>
        %reduce_max3A_2068 = arith.xori %reduce_max3A_2067, %reduce_max3A_2065 : vector<16xi32>
        %reduce_max3A_2069 = vector.extract %reduce_max3A_2068[15] : i32 from vector<16xi32>
        %shift_right_logical3A_2070 = arith.constant 3 : i32
        %shift_right_logical3A_2071 = arith.shrui %reduce_max3A_2058, %shift_right_logical3A_2070 : i32
        %shift_left3A_2072 = arith.constant 3 : i32
        %shift_left3A_2073 = arith.shli %shift_right_logical3A_2071, %shift_left3A_2072 : i32
        %multiple_of3A_2074 = tpu.assume_multiple %shift_left3A_2073, 8 : i32
        %shift_right_logical3A_2075 = arith.constant 3 : i32
        %shift_right_logical3A_2076 = arith.shrui %reduce_max3A_2069, %shift_right_logical3A_2075 : i32
        %shift_left3A_2077 = arith.constant 3 : i32
        %shift_left3A_2078 = arith.shli %shift_right_logical3A_2076, %shift_left3A_2077 : i32
        %multiple_of3A_2079 = tpu.assume_multiple %shift_left3A_2078, 8 : i32
        %mul3A_2080 = arith.constant 128 : i32
        %mul3A_2081 = arith.muli %mul3A_2080, %and3A_1330 : i32
        %add3A_2082 = arith.constant 96 : i32
        %add3A_2083 = arith.addi %mul3A_2081, %add3A_2082 : i32
        %dma_start3A_2084 = arith.constant 0 : i32
        %dma_start3A_2085 = tpu.memref_slice %arg9[%add3A_2083, %dma_start3A_2084] : memref<256x30xf32, #tpu.memory_space<vmem>> -> memref<8x30xf32, #tpu.memory_space<vmem>>
        %dma_start3A_2086 = arith.constant 0 : i32
        %dma_start3A_2087 = tpu.memref_slice %arg4[%multiple_of3A_2074, %dma_start3A_2086] : memref<100000x30xf32, #tpu.memory_space<hbm>> -> memref<8x30xf32, #tpu.memory_space<hbm>>
        %dma_start3A_2088 = arith.constant 0 : i32
        %dma_start3A_2089 = tpu.memref_slice %arg9[%add3A_2083, %dma_start3A_2088] : memref<256x30xf32, #tpu.memory_space<vmem>> -> memref<8x30xf32, #tpu.memory_space<vmem>>
        %dma_start3A_2090 = arith.constant 0 : i32
        %dma_start3A_2091 = tpu.memref_slice %arg4[%multiple_of3A_2074, %dma_start3A_2090] : memref<100000x30xf32, #tpu.memory_space<hbm>> -> memref<8x30xf32, #tpu.memory_space<hbm>>
        tpu.enqueue_dma source(%dma_start3A_2091 : memref<8x30xf32, #tpu.memory_space<hbm>>) target(%dma_start3A_2089 : memref<8x30xf32, #tpu.memory_space<vmem>>) target_semaphore(%arg12 : memref<!tpu.dma_semaphore, #tpu.memory_space<semaphore_mem>>)
        %mul3A_2092 = arith.constant 128 : i32
        %mul3A_2093 = arith.muli %mul3A_2092, %and3A_1330 : i32
        %add3A_2094 = arith.constant 96 : i32
        %add3A_2095 = arith.addi %mul3A_2093, %add3A_2094 : i32
        %dma_start3A_2096 = arith.constant 0 : i32
        %dma_start3A_2097 = tpu.memref_slice %arg10[%add3A_2095, %dma_start3A_2096] : memref<256x30xf32, #tpu.memory_space<vmem>> -> memref<8x30xf32, #tpu.memory_space<vmem>>
        %dma_start3A_2098 = arith.constant 0 : i32
        %dma_start3A_2099 = tpu.memref_slice %arg5[%multiple_of3A_2079, %dma_start3A_2098] : memref<1000000x30xf32, #tpu.memory_space<hbm>> -> memref<8x30xf32, #tpu.memory_space<hbm>>
        %dma_start3A_2100 = arith.constant 0 : i32
        %dma_start3A_2101 = tpu.memref_slice %arg10[%add3A_2095, %dma_start3A_2100] : memref<256x30xf32, #tpu.memory_space<vmem>> -> memref<8x30xf32, #tpu.memory_space<vmem>>
        %dma_start3A_2102 = arith.constant 0 : i32
        %dma_start3A_2103 = tpu.memref_slice %arg5[%multiple_of3A_2079, %dma_start3A_2102] : memref<1000000x30xf32, #tpu.memory_space<hbm>> -> memref<8x30xf32, #tpu.memory_space<hbm>>
        tpu.enqueue_dma source(%dma_start3A_2103 : memref<8x30xf32, #tpu.memory_space<hbm>>) target(%dma_start3A_2101 : memref<8x30xf32, #tpu.memory_space<vmem>>) target_semaphore(%arg12 : memref<!tpu.dma_semaphore, #tpu.memory_space<semaphore_mem>>)
        %eq3A_2104 = arith.constant 13 : i32
        %eq3A_2105 = vector.broadcast %eq3A_2104 : i32 to vector<16xi32>
        %eq3A_2106 = arith.cmpi eq, %iota3A, %eq3A_2105 : vector<16xi32>
        %jit3A_2107 = arith.constant 0 : i32
        %broadcast_in_dim3A_2108 = vector.broadcast %jit3A_2107 : i32 to vector<16xi32>
        %select_n3A_2109 = arith.select %eq3A_2106, %get3A_1334, %broadcast_in_dim3A_2108 : vector<16xi1>, vector<16xi32>
        %reduce_max3A_2110 = arith.constant true
        %reduce_max3A_2111 = vector.broadcast %reduce_max3A_2110 : i1 to vector<16xi1>
        %reduce_max3A_2112 = arith.constant -2147483648 : i32
        %reduce_max3A_2113 = vector.broadcast %reduce_max3A_2112 : i32 to vector<16xi32>
        %reduce_max3A_2114 = arith.xori %select_n3A_2109, %reduce_max3A_2113 : vector<16xi32>
        %reduce_max3A_2115 = tpu.scan <max>, %reduce_max3A_2114 masked %reduce_max3A_2111 : vector<16xi32>, vector<16xi1> -> vector<16xi32>
        %reduce_max3A_2116 = arith.xori %reduce_max3A_2115, %reduce_max3A_2113 : vector<16xi32>
        %reduce_max3A_2117 = vector.extract %reduce_max3A_2116[15] : i32 from vector<16xi32>
        %jit3A_2118 = arith.constant 0 : i32
        %broadcast_in_dim3A_2119 = vector.broadcast %jit3A_2118 : i32 to vector<16xi32>
        %select_n3A_2120 = arith.select %eq3A_2106, %get3A_1336, %broadcast_in_dim3A_2119 : vector<16xi1>, vector<16xi32>
        %reduce_max3A_2121 = arith.constant true
        %reduce_max3A_2122 = vector.broadcast %reduce_max3A_2121 : i1 to vector<16xi1>
        %reduce_max3A_2123 = arith.constant -2147483648 : i32
        %reduce_max3A_2124 = vector.broadcast %reduce_max3A_2123 : i32 to vector<16xi32>
        %reduce_max3A_2125 = arith.xori %select_n3A_2120, %reduce_max3A_2124 : vector<16xi32>
        %reduce_max3A_2126 = tpu.scan <max>, %reduce_max3A_2125 masked %reduce_max3A_2122 : vector<16xi32>, vector<16xi1> -> vector<16xi32>
        %reduce_max3A_2127 = arith.xori %reduce_max3A_2126, %reduce_max3A_2124 : vector<16xi32>
        %reduce_max3A_2128 = vector.extract %reduce_max3A_2127[15] : i32 from vector<16xi32>
        %shift_right_logical3A_2129 = arith.constant 3 : i32
        %shift_right_logical3A_2130 = arith.shrui %reduce_max3A_2117, %shift_right_logical3A_2129 : i32
        %shift_left3A_2131 = arith.constant 3 : i32
        %shift_left3A_2132 = arith.shli %shift_right_logical3A_2130, %shift_left3A_2131 : i32
        %multiple_of3A_2133 = tpu.assume_multiple %shift_left3A_2132, 8 : i32
        %shift_right_logical3A_2134 = arith.constant 3 : i32
        %shift_right_logical3A_2135 = arith.shrui %reduce_max3A_2128, %shift_right_logical3A_2134 : i32
        %shift_left3A_2136 = arith.constant 3 : i32
        %shift_left3A_2137 = arith.shli %shift_right_logical3A_2135, %shift_left3A_2136 : i32
        %multiple_of3A_2138 = tpu.assume_multiple %shift_left3A_2137, 8 : i32
        %mul3A_2139 = arith.constant 128 : i32
        %mul3A_2140 = arith.muli %mul3A_2139, %and3A_1330 : i32
        %add3A_2141 = arith.constant 104 : i32
        %add3A_2142 = arith.addi %mul3A_2140, %add3A_2141 : i32
        %dma_start3A_2143 = arith.constant 0 : i32
        %dma_start3A_2144 = tpu.memref_slice %arg9[%add3A_2142, %dma_start3A_2143] : memref<256x30xf32, #tpu.memory_space<vmem>> -> memref<8x30xf32, #tpu.memory_space<vmem>>
        %dma_start3A_2145 = arith.constant 0 : i32
        %dma_start3A_2146 = tpu.memref_slice %arg4[%multiple_of3A_2133, %dma_start3A_2145] : memref<100000x30xf32, #tpu.memory_space<hbm>> -> memref<8x30xf32, #tpu.memory_space<hbm>>
        %dma_start3A_2147 = arith.constant 0 : i32
        %dma_start3A_2148 = tpu.memref_slice %arg9[%add3A_2142, %dma_start3A_2147] : memref<256x30xf32, #tpu.memory_space<vmem>> -> memref<8x30xf32, #tpu.memory_space<vmem>>
        %dma_start3A_2149 = arith.constant 0 : i32
        %dma_start3A_2150 = tpu.memref_slice %arg4[%multiple_of3A_2133, %dma_start3A_2149] : memref<100000x30xf32, #tpu.memory_space<hbm>> -> memref<8x30xf32, #tpu.memory_space<hbm>>
        tpu.enqueue_dma source(%dma_start3A_2150 : memref<8x30xf32, #tpu.memory_space<hbm>>) target(%dma_start3A_2148 : memref<8x30xf32, #tpu.memory_space<vmem>>) target_semaphore(%arg12 : memref<!tpu.dma_semaphore, #tpu.memory_space<semaphore_mem>>)
        %mul3A_2151 = arith.constant 128 : i32
        %mul3A_2152 = arith.muli %mul3A_2151, %and3A_1330 : i32
        %add3A_2153 = arith.constant 104 : i32
        %add3A_2154 = arith.addi %mul3A_2152, %add3A_2153 : i32
        %dma_start3A_2155 = arith.constant 0 : i32
        %dma_start3A_2156 = tpu.memref_slice %arg10[%add3A_2154, %dma_start3A_2155] : memref<256x30xf32, #tpu.memory_space<vmem>> -> memref<8x30xf32, #tpu.memory_space<vmem>>
        %dma_start3A_2157 = arith.constant 0 : i32
        %dma_start3A_2158 = tpu.memref_slice %arg5[%multiple_of3A_2138, %dma_start3A_2157] : memref<1000000x30xf32, #tpu.memory_space<hbm>> -> memref<8x30xf32, #tpu.memory_space<hbm>>
        %dma_start3A_2159 = arith.constant 0 : i32
        %dma_start3A_2160 = tpu.memref_slice %arg10[%add3A_2154, %dma_start3A_2159] : memref<256x30xf32, #tpu.memory_space<vmem>> -> memref<8x30xf32, #tpu.memory_space<vmem>>
        %dma_start3A_2161 = arith.constant 0 : i32
        %dma_start3A_2162 = tpu.memref_slice %arg5[%multiple_of3A_2138, %dma_start3A_2161] : memref<1000000x30xf32, #tpu.memory_space<hbm>> -> memref<8x30xf32, #tpu.memory_space<hbm>>
        tpu.enqueue_dma source(%dma_start3A_2162 : memref<8x30xf32, #tpu.memory_space<hbm>>) target(%dma_start3A_2160 : memref<8x30xf32, #tpu.memory_space<vmem>>) target_semaphore(%arg12 : memref<!tpu.dma_semaphore, #tpu.memory_space<semaphore_mem>>)
        %eq3A_2163 = arith.constant 14 : i32
        %eq3A_2164 = vector.broadcast %eq3A_2163 : i32 to vector<16xi32>
        %eq3A_2165 = arith.cmpi eq, %iota3A, %eq3A_2164 : vector<16xi32>
        %jit3A_2166 = arith.constant 0 : i32
        %broadcast_in_dim3A_2167 = vector.broadcast %jit3A_2166 : i32 to vector<16xi32>
        %select_n3A_2168 = arith.select %eq3A_2165, %get3A_1334, %broadcast_in_dim3A_2167 : vector<16xi1>, vector<16xi32>
        %reduce_max3A_2169 = arith.constant true
        %reduce_max3A_2170 = vector.broadcast %reduce_max3A_2169 : i1 to vector<16xi1>
        %reduce_max3A_2171 = arith.constant -2147483648 : i32
        %reduce_max3A_2172 = vector.broadcast %reduce_max3A_2171 : i32 to vector<16xi32>
        %reduce_max3A_2173 = arith.xori %select_n3A_2168, %reduce_max3A_2172 : vector<16xi32>
        %reduce_max3A_2174 = tpu.scan <max>, %reduce_max3A_2173 masked %reduce_max3A_2170 : vector<16xi32>, vector<16xi1> -> vector<16xi32>
        %reduce_max3A_2175 = arith.xori %reduce_max3A_2174, %reduce_max3A_2172 : vector<16xi32>
        %reduce_max3A_2176 = vector.extract %reduce_max3A_2175[15] : i32 from vector<16xi32>
        %jit3A_2177 = arith.constant 0 : i32
        %broadcast_in_dim3A_2178 = vector.broadcast %jit3A_2177 : i32 to vector<16xi32>
        %select_n3A_2179 = arith.select %eq3A_2165, %get3A_1336, %broadcast_in_dim3A_2178 : vector<16xi1>, vector<16xi32>
        %reduce_max3A_2180 = arith.constant true
        %reduce_max3A_2181 = vector.broadcast %reduce_max3A_2180 : i1 to vector<16xi1>
        %reduce_max3A_2182 = arith.constant -2147483648 : i32
        %reduce_max3A_2183 = vector.broadcast %reduce_max3A_2182 : i32 to vector<16xi32>
        %reduce_max3A_2184 = arith.xori %select_n3A_2179, %reduce_max3A_2183 : vector<16xi32>
        %reduce_max3A_2185 = tpu.scan <max>, %reduce_max3A_2184 masked %reduce_max3A_2181 : vector<16xi32>, vector<16xi1> -> vector<16xi32>
        %reduce_max3A_2186 = arith.xori %reduce_max3A_2185, %reduce_max3A_2183 : vector<16xi32>
        %reduce_max3A_2187 = vector.extract %reduce_max3A_2186[15] : i32 from vector<16xi32>
        %shift_right_logical3A_2188 = arith.constant 3 : i32
        %shift_right_logical3A_2189 = arith.shrui %reduce_max3A_2176, %shift_right_logical3A_2188 : i32
        %shift_left3A_2190 = arith.constant 3 : i32
        %shift_left3A_2191 = arith.shli %shift_right_logical3A_2189, %shift_left3A_2190 : i32
        %multiple_of3A_2192 = tpu.assume_multiple %shift_left3A_2191, 8 : i32
        %shift_right_logical3A_2193 = arith.constant 3 : i32
        %shift_right_logical3A_2194 = arith.shrui %reduce_max3A_2187, %shift_right_logical3A_2193 : i32
        %shift_left3A_2195 = arith.constant 3 : i32
        %shift_left3A_2196 = arith.shli %shift_right_logical3A_2194, %shift_left3A_2195 : i32
        %multiple_of3A_2197 = tpu.assume_multiple %shift_left3A_2196, 8 : i32
        %mul3A_2198 = arith.constant 128 : i32
        %mul3A_2199 = arith.muli %mul3A_2198, %and3A_1330 : i32
        %add3A_2200 = arith.constant 112 : i32
        %add3A_2201 = arith.addi %mul3A_2199, %add3A_2200 : i32
        %dma_start3A_2202 = arith.constant 0 : i32
        %dma_start3A_2203 = tpu.memref_slice %arg9[%add3A_2201, %dma_start3A_2202] : memref<256x30xf32, #tpu.memory_space<vmem>> -> memref<8x30xf32, #tpu.memory_space<vmem>>
        %dma_start3A_2204 = arith.constant 0 : i32
        %dma_start3A_2205 = tpu.memref_slice %arg4[%multiple_of3A_2192, %dma_start3A_2204] : memref<100000x30xf32, #tpu.memory_space<hbm>> -> memref<8x30xf32, #tpu.memory_space<hbm>>
        %dma_start3A_2206 = arith.constant 0 : i32
        %dma_start3A_2207 = tpu.memref_slice %arg9[%add3A_2201, %dma_start3A_2206] : memref<256x30xf32, #tpu.memory_space<vmem>> -> memref<8x30xf32, #tpu.memory_space<vmem>>
        %dma_start3A_2208 = arith.constant 0 : i32
        %dma_start3A_2209 = tpu.memref_slice %arg4[%multiple_of3A_2192, %dma_start3A_2208] : memref<100000x30xf32, #tpu.memory_space<hbm>> -> memref<8x30xf32, #tpu.memory_space<hbm>>
        tpu.enqueue_dma source(%dma_start3A_2209 : memref<8x30xf32, #tpu.memory_space<hbm>>) target(%dma_start3A_2207 : memref<8x30xf32, #tpu.memory_space<vmem>>) target_semaphore(%arg12 : memref<!tpu.dma_semaphore, #tpu.memory_space<semaphore_mem>>)
        %mul3A_2210 = arith.constant 128 : i32
        %mul3A_2211 = arith.muli %mul3A_2210, %and3A_1330 : i32
        %add3A_2212 = arith.constant 112 : i32
        %add3A_2213 = arith.addi %mul3A_2211, %add3A_2212 : i32
        %dma_start3A_2214 = arith.constant 0 : i32
        %dma_start3A_2215 = tpu.memref_slice %arg10[%add3A_2213, %dma_start3A_2214] : memref<256x30xf32, #tpu.memory_space<vmem>> -> memref<8x30xf32, #tpu.memory_space<vmem>>
        %dma_start3A_2216 = arith.constant 0 : i32
        %dma_start3A_2217 = tpu.memref_slice %arg5[%multiple_of3A_2197, %dma_start3A_2216] : memref<1000000x30xf32, #tpu.memory_space<hbm>> -> memref<8x30xf32, #tpu.memory_space<hbm>>
        %dma_start3A_2218 = arith.constant 0 : i32
        %dma_start3A_2219 = tpu.memref_slice %arg10[%add3A_2213, %dma_start3A_2218] : memref<256x30xf32, #tpu.memory_space<vmem>> -> memref<8x30xf32, #tpu.memory_space<vmem>>
        %dma_start3A_2220 = arith.constant 0 : i32
        %dma_start3A_2221 = tpu.memref_slice %arg5[%multiple_of3A_2197, %dma_start3A_2220] : memref<1000000x30xf32, #tpu.memory_space<hbm>> -> memref<8x30xf32, #tpu.memory_space<hbm>>
        tpu.enqueue_dma source(%dma_start3A_2221 : memref<8x30xf32, #tpu.memory_space<hbm>>) target(%dma_start3A_2219 : memref<8x30xf32, #tpu.memory_space<vmem>>) target_semaphore(%arg12 : memref<!tpu.dma_semaphore, #tpu.memory_space<semaphore_mem>>)
        %eq3A_2222 = arith.constant 15 : i32
        %eq3A_2223 = vector.broadcast %eq3A_2222 : i32 to vector<16xi32>
        %eq3A_2224 = arith.cmpi eq, %iota3A, %eq3A_2223 : vector<16xi32>
        %jit3A_2225 = arith.constant 0 : i32
        %broadcast_in_dim3A_2226 = vector.broadcast %jit3A_2225 : i32 to vector<16xi32>
        %select_n3A_2227 = arith.select %eq3A_2224, %get3A_1334, %broadcast_in_dim3A_2226 : vector<16xi1>, vector<16xi32>
        %reduce_max3A_2228 = arith.constant true
        %reduce_max3A_2229 = vector.broadcast %reduce_max3A_2228 : i1 to vector<16xi1>
        %reduce_max3A_2230 = arith.constant -2147483648 : i32
        %reduce_max3A_2231 = vector.broadcast %reduce_max3A_2230 : i32 to vector<16xi32>
        %reduce_max3A_2232 = arith.xori %select_n3A_2227, %reduce_max3A_2231 : vector<16xi32>
        %reduce_max3A_2233 = tpu.scan <max>, %reduce_max3A_2232 masked %reduce_max3A_2229 : vector<16xi32>, vector<16xi1> -> vector<16xi32>
        %reduce_max3A_2234 = arith.xori %reduce_max3A_2233, %reduce_max3A_2231 : vector<16xi32>
        %reduce_max3A_2235 = vector.extract %reduce_max3A_2234[15] : i32 from vector<16xi32>
        %jit3A_2236 = arith.constant 0 : i32
        %broadcast_in_dim3A_2237 = vector.broadcast %jit3A_2236 : i32 to vector<16xi32>
        %select_n3A_2238 = arith.select %eq3A_2224, %get3A_1336, %broadcast_in_dim3A_2237 : vector<16xi1>, vector<16xi32>
        %reduce_max3A_2239 = arith.constant true
        %reduce_max3A_2240 = vector.broadcast %reduce_max3A_2239 : i1 to vector<16xi1>
        %reduce_max3A_2241 = arith.constant -2147483648 : i32
        %reduce_max3A_2242 = vector.broadcast %reduce_max3A_2241 : i32 to vector<16xi32>
        %reduce_max3A_2243 = arith.xori %select_n3A_2238, %reduce_max3A_2242 : vector<16xi32>
        %reduce_max3A_2244 = tpu.scan <max>, %reduce_max3A_2243 masked %reduce_max3A_2240 : vector<16xi32>, vector<16xi1> -> vector<16xi32>
        %reduce_max3A_2245 = arith.xori %reduce_max3A_2244, %reduce_max3A_2242 : vector<16xi32>
        %reduce_max3A_2246 = vector.extract %reduce_max3A_2245[15] : i32 from vector<16xi32>
        %shift_right_logical3A_2247 = arith.constant 3 : i32
        %shift_right_logical3A_2248 = arith.shrui %reduce_max3A_2235, %shift_right_logical3A_2247 : i32
        %shift_left3A_2249 = arith.constant 3 : i32
        %shift_left3A_2250 = arith.shli %shift_right_logical3A_2248, %shift_left3A_2249 : i32
        %multiple_of3A_2251 = tpu.assume_multiple %shift_left3A_2250, 8 : i32
        %shift_right_logical3A_2252 = arith.constant 3 : i32
        %shift_right_logical3A_2253 = arith.shrui %reduce_max3A_2246, %shift_right_logical3A_2252 : i32
        %shift_left3A_2254 = arith.constant 3 : i32
        %shift_left3A_2255 = arith.shli %shift_right_logical3A_2253, %shift_left3A_2254 : i32
        %multiple_of3A_2256 = tpu.assume_multiple %shift_left3A_2255, 8 : i32
        %mul3A_2257 = arith.constant 128 : i32
        %mul3A_2258 = arith.muli %mul3A_2257, %and3A_1330 : i32
        %add3A_2259 = arith.constant 120 : i32
        %add3A_2260 = arith.addi %mul3A_2258, %add3A_2259 : i32
        %dma_start3A_2261 = arith.constant 0 : i32
        %dma_start3A_2262 = tpu.memref_slice %arg9[%add3A_2260, %dma_start3A_2261] : memref<256x30xf32, #tpu.memory_space<vmem>> -> memref<8x30xf32, #tpu.memory_space<vmem>>
        %dma_start3A_2263 = arith.constant 0 : i32
        %dma_start3A_2264 = tpu.memref_slice %arg4[%multiple_of3A_2251, %dma_start3A_2263] : memref<100000x30xf32, #tpu.memory_space<hbm>> -> memref<8x30xf32, #tpu.memory_space<hbm>>
        %dma_start3A_2265 = arith.constant 0 : i32
        %dma_start3A_2266 = tpu.memref_slice %arg9[%add3A_2260, %dma_start3A_2265] : memref<256x30xf32, #tpu.memory_space<vmem>> -> memref<8x30xf32, #tpu.memory_space<vmem>>
        %dma_start3A_2267 = arith.constant 0 : i32
        %dma_start3A_2268 = tpu.memref_slice %arg4[%multiple_of3A_2251, %dma_start3A_2267] : memref<100000x30xf32, #tpu.memory_space<hbm>> -> memref<8x30xf32, #tpu.memory_space<hbm>>
        tpu.enqueue_dma source(%dma_start3A_2268 : memref<8x30xf32, #tpu.memory_space<hbm>>) target(%dma_start3A_2266 : memref<8x30xf32, #tpu.memory_space<vmem>>) target_semaphore(%arg12 : memref<!tpu.dma_semaphore, #tpu.memory_space<semaphore_mem>>)
        %mul3A_2269 = arith.constant 128 : i32
        %mul3A_2270 = arith.muli %mul3A_2269, %and3A_1330 : i32
        %add3A_2271 = arith.constant 120 : i32
        %add3A_2272 = arith.addi %mul3A_2270, %add3A_2271 : i32
        %dma_start3A_2273 = arith.constant 0 : i32
        %dma_start3A_2274 = tpu.memref_slice %arg10[%add3A_2272, %dma_start3A_2273] : memref<256x30xf32, #tpu.memory_space<vmem>> -> memref<8x30xf32, #tpu.memory_space<vmem>>
        %dma_start3A_2275 = arith.constant 0 : i32
        %dma_start3A_2276 = tpu.memref_slice %arg5[%multiple_of3A_2256, %dma_start3A_2275] : memref<1000000x30xf32, #tpu.memory_space<hbm>> -> memref<8x30xf32, #tpu.memory_space<hbm>>
        %dma_start3A_2277 = arith.constant 0 : i32
        %dma_start3A_2278 = tpu.memref_slice %arg10[%add3A_2272, %dma_start3A_2277] : memref<256x30xf32, #tpu.memory_space<vmem>> -> memref<8x30xf32, #tpu.memory_space<vmem>>
        %dma_start3A_2279 = arith.constant 0 : i32
        %dma_start3A_2280 = tpu.memref_slice %arg5[%multiple_of3A_2256, %dma_start3A_2279] : memref<1000000x30xf32, #tpu.memory_space<hbm>> -> memref<8x30xf32, #tpu.memory_space<hbm>>
        tpu.enqueue_dma source(%dma_start3A_2280 : memref<8x30xf32, #tpu.memory_space<hbm>>) target(%dma_start3A_2278 : memref<8x30xf32, #tpu.memory_space<vmem>>) target_semaphore(%arg12 : memref<!tpu.dma_semaphore, #tpu.memory_space<semaphore_mem>>)
      } else {
      }
      %and3A = arith.constant 1 : i32
      %and3A_893 = arith.andi %scan3A_888, %and3A : i32
      %mul3A_894 = arith.constant 16 : i32
      %mul3A_895 = arith.muli %scan3A_888, %mul3A_894 : i32
      %mul3A_896 = arith.constant 128 : i32
      %mul3A_897 = arith.muli %mul3A_896, %and3A_893 : i32
      %dma_wait3A = arith.constant 0 : i32
      %dma_wait3A_898 = tpu.memref_slice %arg9[%mul3A_897, %dma_wait3A] : memref<256x30xf32, #tpu.memory_space<vmem>> -> memref<128x30xf32, #tpu.memory_space<vmem>>
      %dma_wait3A_899 = arith.constant 0 : i32
      %dma_wait3A_900 = arith.constant 0 : i32
      %dma_wait3A_901 = tpu.memref_slice %arg4[%dma_wait3A_899, %dma_wait3A_900] : memref<100000x30xf32, #tpu.memory_space<hbm>> -> memref<128x30xf32, #tpu.memory_space<hbm>>
      %dma_wait3A_902 = arith.constant 0 : i32
      %dma_wait3A_903 = tpu.memref_slice %arg9[%mul3A_897, %dma_wait3A_902] : memref<256x30xf32, #tpu.memory_space<vmem>> -> memref<128x30xf32, #tpu.memory_space<vmem>>
      %dma_wait3A_904 = arith.constant 0 : i32
      %dma_wait3A_905 = arith.constant 0 : i32
      %dma_wait3A_906 = tpu.memref_slice %arg4[%dma_wait3A_904, %dma_wait3A_905] : memref<100000x30xf32, #tpu.memory_space<hbm>> -> memref<128x30xf32, #tpu.memory_space<hbm>>
      tpu.wait_dma2 semaphore(%arg12 : memref<!tpu.dma_semaphore, #tpu.memory_space<semaphore_mem>>) src(%dma_wait3A_906 : memref<128x30xf32, #tpu.memory_space<hbm>>) dst(%dma_wait3A_903 : memref<128x30xf32, #tpu.memory_space<vmem>>)
      %mul3A_907 = arith.constant 128 : i32
      %mul3A_908 = arith.muli %mul3A_907, %and3A_893 : i32
      %dma_wait3A_909 = arith.constant 0 : i32
      %dma_wait3A_910 = tpu.memref_slice %arg10[%mul3A_908, %dma_wait3A_909] : memref<256x30xf32, #tpu.memory_space<vmem>> -> memref<128x30xf32, #tpu.memory_space<vmem>>
      %dma_wait3A_911 = arith.constant 0 : i32
      %dma_wait3A_912 = arith.constant 0 : i32
      %dma_wait3A_913 = tpu.memref_slice %arg5[%dma_wait3A_911, %dma_wait3A_912] : memref<1000000x30xf32, #tpu.memory_space<hbm>> -> memref<128x30xf32, #tpu.memory_space<hbm>>
      %dma_wait3A_914 = arith.constant 0 : i32
      %dma_wait3A_915 = tpu.memref_slice %arg10[%mul3A_908, %dma_wait3A_914] : memref<256x30xf32, #tpu.memory_space<vmem>> -> memref<128x30xf32, #tpu.memory_space<vmem>>
      %dma_wait3A_916 = arith.constant 0 : i32
      %dma_wait3A_917 = arith.constant 0 : i32
      %dma_wait3A_918 = tpu.memref_slice %arg5[%dma_wait3A_916, %dma_wait3A_917] : memref<1000000x30xf32, #tpu.memory_space<hbm>> -> memref<128x30xf32, #tpu.memory_space<hbm>>
      tpu.wait_dma2 semaphore(%arg12 : memref<!tpu.dma_semaphore, #tpu.memory_space<semaphore_mem>>) src(%dma_wait3A_918 : memref<128x30xf32, #tpu.memory_space<hbm>>) dst(%dma_wait3A_915 : memref<128x30xf32, #tpu.memory_space<vmem>>)
      %get3A_919 = arith.index_cast %mul3A_895 : i32 to index
      %get3A_920 = tpu.vector_load %arg7[%get3A_919] {strides = array<i32>} : memref<512xi32, #tpu.memory_space<vmem>>, vector<16xi32>,
      %and3A_921 = arith.andi %get3A_920, %broadcast_in_dim3A_7 : vector<16xi32>
      %get3A_922 = arith.index_cast %mul3A_895 : i32 to index
      %get3A_923 = tpu.vector_load %arg8[%get3A_922] {strides = array<i32>} : memref<512xi32, #tpu.memory_space<vmem>>, vector<16xi32>,
      %and3A_924 = arith.andi %get3A_923, %broadcast_in_dim3A_7 : vector<16xi32>
      %mul3A_925 = arith.constant 128 : i32
      %mul3A_926 = arith.muli %mul3A_925, %and3A_893 : i32
      %add3A_927 = vector.broadcast %mul3A_926 : i32 to vector<16xi32>
      %add3A_928 = arith.addi %broadcast_in_dim3A_5, %add3A_927 : vector<16xi32>
      %mul3A_929 = arith.constant 8 : i32
      %mul3A_930 = vector.broadcast %mul3A_929 : i32 to vector<16xi32>
      %mul3A_931 = arith.muli %iota3A, %mul3A_930 : vector<16xi32>
      %add3A_932 = arith.addi %add3A_928, %mul3A_931 : vector<16xi32>
      %broadcast_in_dim3A_933 = arith.constant 0 : i32
      %broadcast_in_dim3A_934 = vector.broadcast %broadcast_in_dim3A_933 : i32 to vector<16xi32>
      %add3A_935 = arith.addi %add3A_932, %and3A_921 : vector<16xi32>
      %gather3A = tpu.vector_load_idx %arg9[%add3A_935, %broadcast_in_dim3A_934] : memref<256x30xf32, #tpu.memory_space<vmem>>[vector<16xi32>, vector<16xi32>], vector<16xf32>,
      %add3A_936 = arith.addi %add3A_932, %and3A_924 : vector<16xi32>
      %gather3A_937 = tpu.vector_load_idx %arg10[%add3A_936, %broadcast_in_dim3A_934] : memref<256x30xf32, #tpu.memory_space<vmem>>[vector<16xi32>, vector<16xi32>], vector<16xf32>,
      %mul3A_938 = arith.mulf %gather3A, %gather3A_937 : vector<16xf32>
      %add3A_939 = arith.addf %broadcast_in_dim3A_3, %mul3A_938 : vector<16xf32>
      %mul3A_940 = arith.mulf %gather3A, %gather3A : vector<16xf32>
      %add3A_941 = arith.addf %broadcast_in_dim3A_3, %mul3A_940 : vector<16xf32>
      %mul3A_942 = arith.mulf %gather3A_937, %gather3A_937 : vector<16xf32>
      %add3A_943 = arith.addf %broadcast_in_dim3A_3, %mul3A_942 : vector<16xf32>
      %broadcast_in_dim3A_944 = arith.constant 1 : i32
      %broadcast_in_dim3A_945 = vector.broadcast %broadcast_in_dim3A_944 : i32 to vector<16xi32>
      %add3A_946 = arith.addi %add3A_932, %and3A_921 : vector<16xi32>
      %gather3A_947 = tpu.vector_load_idx %arg9[%add3A_946, %broadcast_in_dim3A_945] : memref<256x30xf32, #tpu.memory_space<vmem>>[vector<16xi32>, vector<16xi32>], vector<16xf32>,
      %add3A_948 = arith.addi %add3A_932, %and3A_924 : vector<16xi32>
      %gather3A_949 = tpu.vector_load_idx %arg10[%add3A_948, %broadcast_in_dim3A_945] : memref<256x30xf32, #tpu.memory_space<vmem>>[vector<16xi32>, vector<16xi32>], vector<16xf32>,
      %mul3A_950 = arith.mulf %gather3A_947, %gather3A_949 : vector<16xf32>
      %add3A_951 = arith.addf %add3A_939, %mul3A_950 : vector<16xf32>
      %mul3A_952 = arith.mulf %gather3A_947, %gather3A_947 : vector<16xf32>
      %add3A_953 = arith.addf %add3A_941, %mul3A_952 : vector<16xf32>
      %mul3A_954 = arith.mulf %gather3A_949, %gather3A_949 : vector<16xf32>
      %add3A_955 = arith.addf %add3A_943, %mul3A_954 : vector<16xf32>
      %broadcast_in_dim3A_956 = arith.constant 2 : i32
      %broadcast_in_dim3A_957 = vector.broadcast %broadcast_in_dim3A_956 : i32 to vector<16xi32>
      %add3A_958 = arith.addi %add3A_932, %and3A_921 : vector<16xi32>
      %gather3A_959 = tpu.vector_load_idx %arg9[%add3A_958, %broadcast_in_dim3A_957] : memref<256x30xf32, #tpu.memory_space<vmem>>[vector<16xi32>, vector<16xi32>], vector<16xf32>,
      %add3A_960 = arith.addi %add3A_932, %and3A_924 : vector<16xi32>
      %gather3A_961 = tpu.vector_load_idx %arg10[%add3A_960, %broadcast_in_dim3A_957] : memref<256x30xf32, #tpu.memory_space<vmem>>[vector<16xi32>, vector<16xi32>], vector<16xf32>,
      %mul3A_962 = arith.mulf %gather3A_959, %gather3A_961 : vector<16xf32>
      %add3A_963 = arith.addf %add3A_951, %mul3A_962 : vector<16xf32>
      %mul3A_964 = arith.mulf %gather3A_959, %gather3A_959 : vector<16xf32>
      %add3A_965 = arith.addf %add3A_953, %mul3A_964 : vector<16xf32>
      %mul3A_966 = arith.mulf %gather3A_961, %gather3A_961 : vector<16xf32>
      %add3A_967 = arith.addf %add3A_955, %mul3A_966 : vector<16xf32>
      %broadcast_in_dim3A_968 = arith.constant 3 : i32
      %broadcast_in_dim3A_969 = vector.broadcast %broadcast_in_dim3A_968 : i32 to vector<16xi32>
      %add3A_970 = arith.addi %add3A_932, %and3A_921 : vector<16xi32>
      %gather3A_971 = tpu.vector_load_idx %arg9[%add3A_970, %broadcast_in_dim3A_969] : memref<256x30xf32, #tpu.memory_space<vmem>>[vector<16xi32>, vector<16xi32>], vector<16xf32>,
      %add3A_972 = arith.addi %add3A_932, %and3A_924 : vector<16xi32>
      %gather3A_973 = tpu.vector_load_idx %arg10[%add3A_972, %broadcast_in_dim3A_969] : memref<256x30xf32, #tpu.memory_space<vmem>>[vector<16xi32>, vector<16xi32>], vector<16xf32>,
      %mul3A_974 = arith.mulf %gather3A_971, %gather3A_973 : vector<16xf32>
      %add3A_975 = arith.addf %add3A_963, %mul3A_974 : vector<16xf32>
      %mul3A_976 = arith.mulf %gather3A_971, %gather3A_971 : vector<16xf32>
      %add3A_977 = arith.addf %add3A_965, %mul3A_976 : vector<16xf32>
      %mul3A_978 = arith.mulf %gather3A_973, %gather3A_973 : vector<16xf32>
      %add3A_979 = arith.addf %add3A_967, %mul3A_978 : vector<16xf32>
      %broadcast_in_dim3A_980 = arith.constant 4 : i32
      %broadcast_in_dim3A_981 = vector.broadcast %broadcast_in_dim3A_980 : i32 to vector<16xi32>
      %add3A_982 = arith.addi %add3A_932, %and3A_921 : vector<16xi32>
      %gather3A_983 = tpu.vector_load_idx %arg9[%add3A_982, %broadcast_in_dim3A_981] : memref<256x30xf32, #tpu.memory_space<vmem>>[vector<16xi32>, vector<16xi32>], vector<16xf32>,
      %add3A_984 = arith.addi %add3A_932, %and3A_924 : vector<16xi32>
      %gather3A_985 = tpu.vector_load_idx %arg10[%add3A_984, %broadcast_in_dim3A_981] : memref<256x30xf32, #tpu.memory_space<vmem>>[vector<16xi32>, vector<16xi32>], vector<16xf32>,
      %mul3A_986 = arith.mulf %gather3A_983, %gather3A_985 : vector<16xf32>
      %add3A_987 = arith.addf %add3A_975, %mul3A_986 : vector<16xf32>
      %mul3A_988 = arith.mulf %gather3A_983, %gather3A_983 : vector<16xf32>
      %add3A_989 = arith.addf %add3A_977, %mul3A_988 : vector<16xf32>
      %mul3A_990 = arith.mulf %gather3A_985, %gather3A_985 : vector<16xf32>
      %add3A_991 = arith.addf %add3A_979, %mul3A_990 : vector<16xf32>
      %broadcast_in_dim3A_992 = arith.constant 5 : i32
      %broadcast_in_dim3A_993 = vector.broadcast %broadcast_in_dim3A_992 : i32 to vector<16xi32>
      %add3A_994 = arith.addi %add3A_932, %and3A_921 : vector<16xi32>
      %gather3A_995 = tpu.vector_load_idx %arg9[%add3A_994, %broadcast_in_dim3A_993] : memref<256x30xf32, #tpu.memory_space<vmem>>[vector<16xi32>, vector<16xi32>], vector<16xf32>,
      %add3A_996 = arith.addi %add3A_932, %and3A_924 : vector<16xi32>
      %gather3A_997 = tpu.vector_load_idx %arg10[%add3A_996, %broadcast_in_dim3A_993] : memref<256x30xf32, #tpu.memory_space<vmem>>[vector<16xi32>, vector<16xi32>], vector<16xf32>,
      %mul3A_998 = arith.mulf %gather3A_995, %gather3A_997 : vector<16xf32>
      %add3A_999 = arith.addf %add3A_987, %mul3A_998 : vector<16xf32>
      %mul3A_1000 = arith.mulf %gather3A_995, %gather3A_995 : vector<16xf32>
      %add3A_1001 = arith.addf %add3A_989, %mul3A_1000 : vector<16xf32>
      %mul3A_1002 = arith.mulf %gather3A_997, %gather3A_997 : vector<16xf32>
      %add3A_1003 = arith.addf %add3A_991, %mul3A_1002 : vector<16xf32>
      %broadcast_in_dim3A_1004 = arith.constant 6 : i32
      %broadcast_in_dim3A_1005 = vector.broadcast %broadcast_in_dim3A_1004 : i32 to vector<16xi32>
      %add3A_1006 = arith.addi %add3A_932, %and3A_921 : vector<16xi32>
      %gather3A_1007 = tpu.vector_load_idx %arg9[%add3A_1006, %broadcast_in_dim3A_1005] : memref<256x30xf32, #tpu.memory_space<vmem>>[vector<16xi32>, vector<16xi32>], vector<16xf32>,
      %add3A_1008 = arith.addi %add3A_932, %and3A_924 : vector<16xi32>
      %gather3A_1009 = tpu.vector_load_idx %arg10[%add3A_1008, %broadcast_in_dim3A_1005] : memref<256x30xf32, #tpu.memory_space<vmem>>[vector<16xi32>, vector<16xi32>], vector<16xf32>,
      %mul3A_1010 = arith.mulf %gather3A_1007, %gather3A_1009 : vector<16xf32>
      %add3A_1011 = arith.addf %add3A_999, %mul3A_1010 : vector<16xf32>
      %mul3A_1012 = arith.mulf %gather3A_1007, %gather3A_1007 : vector<16xf32>
      %add3A_1013 = arith.addf %add3A_1001, %mul3A_1012 : vector<16xf32>
      %mul3A_1014 = arith.mulf %gather3A_1009, %gather3A_1009 : vector<16xf32>
      %add3A_1015 = arith.addf %add3A_1003, %mul3A_1014 : vector<16xf32>
      %broadcast_in_dim3A_1016 = arith.constant 7 : i32
      %broadcast_in_dim3A_1017 = vector.broadcast %broadcast_in_dim3A_1016 : i32 to vector<16xi32>
      %add3A_1018 = arith.addi %add3A_932, %and3A_921 : vector<16xi32>
      %gather3A_1019 = tpu.vector_load_idx %arg9[%add3A_1018, %broadcast_in_dim3A_1017] : memref<256x30xf32, #tpu.memory_space<vmem>>[vector<16xi32>, vector<16xi32>], vector<16xf32>,
      %add3A_1020 = arith.addi %add3A_932, %and3A_924 : vector<16xi32>
      %gather3A_1021 = tpu.vector_load_idx %arg10[%add3A_1020, %broadcast_in_dim3A_1017] : memref<256x30xf32, #tpu.memory_space<vmem>>[vector<16xi32>, vector<16xi32>], vector<16xf32>,
      %mul3A_1022 = arith.mulf %gather3A_1019, %gather3A_1021 : vector<16xf32>
      %add3A_1023 = arith.addf %add3A_1011, %mul3A_1022 : vector<16xf32>
      %mul3A_1024 = arith.mulf %gather3A_1019, %gather3A_1019 : vector<16xf32>
      %add3A_1025 = arith.addf %add3A_1013, %mul3A_1024 : vector<16xf32>
      %mul3A_1026 = arith.mulf %gather3A_1021, %gather3A_1021 : vector<16xf32>
      %add3A_1027 = arith.addf %add3A_1015, %mul3A_1026 : vector<16xf32>
      %broadcast_in_dim3A_1028 = arith.constant 8 : i32
      %broadcast_in_dim3A_1029 = vector.broadcast %broadcast_in_dim3A_1028 : i32 to vector<16xi32>
      %add3A_1030 = arith.addi %add3A_932, %and3A_921 : vector<16xi32>
      %gather3A_1031 = tpu.vector_load_idx %arg9[%add3A_1030, %broadcast_in_dim3A_1029] : memref<256x30xf32, #tpu.memory_space<vmem>>[vector<16xi32>, vector<16xi32>], vector<16xf32>,
      %add3A_1032 = arith.addi %add3A_932, %and3A_924 : vector<16xi32>
      %gather3A_1033 = tpu.vector_load_idx %arg10[%add3A_1032, %broadcast_in_dim3A_1029] : memref<256x30xf32, #tpu.memory_space<vmem>>[vector<16xi32>, vector<16xi32>], vector<16xf32>,
      %mul3A_1034 = arith.mulf %gather3A_1031, %gather3A_1033 : vector<16xf32>
      %add3A_1035 = arith.addf %add3A_1023, %mul3A_1034 : vector<16xf32>
      %mul3A_1036 = arith.mulf %gather3A_1031, %gather3A_1031 : vector<16xf32>
      %add3A_1037 = arith.addf %add3A_1025, %mul3A_1036 : vector<16xf32>
      %mul3A_1038 = arith.mulf %gather3A_1033, %gather3A_1033 : vector<16xf32>
      %add3A_1039 = arith.addf %add3A_1027, %mul3A_1038 : vector<16xf32>
      %broadcast_in_dim3A_1040 = arith.constant 9 : i32
      %broadcast_in_dim3A_1041 = vector.broadcast %broadcast_in_dim3A_1040 : i32 to vector<16xi32>
      %add3A_1042 = arith.addi %add3A_932, %and3A_921 : vector<16xi32>
      %gather3A_1043 = tpu.vector_load_idx %arg9[%add3A_1042, %broadcast_in_dim3A_1041] : memref<256x30xf32, #tpu.memory_space<vmem>>[vector<16xi32>, vector<16xi32>], vector<16xf32>,
      %add3A_1044 = arith.addi %add3A_932, %and3A_924 : vector<16xi32>
      %gather3A_1045 = tpu.vector_load_idx %arg10[%add3A_1044, %broadcast_in_dim3A_1041] : memref<256x30xf32, #tpu.memory_space<vmem>>[vector<16xi32>, vector<16xi32>], vector<16xf32>,
      %mul3A_1046 = arith.mulf %gather3A_1043, %gather3A_1045 : vector<16xf32>
      %add3A_1047 = arith.addf %add3A_1035, %mul3A_1046 : vector<16xf32>
      %mul3A_1048 = arith.mulf %gather3A_1043, %gather3A_1043 : vector<16xf32>
      %add3A_1049 = arith.addf %add3A_1037, %mul3A_1048 : vector<16xf32>
      %mul3A_1050 = arith.mulf %gather3A_1045, %gather3A_1045 : vector<16xf32>
      %add3A_1051 = arith.addf %add3A_1039, %mul3A_1050 : vector<16xf32>
      %broadcast_in_dim3A_1052 = arith.constant 10 : i32
      %broadcast_in_dim3A_1053 = vector.broadcast %broadcast_in_dim3A_1052 : i32 to vector<16xi32>
      %add3A_1054 = arith.addi %add3A_932, %and3A_921 : vector<16xi32>
      %gather3A_1055 = tpu.vector_load_idx %arg9[%add3A_1054, %broadcast_in_dim3A_1053] : memref<256x30xf32, #tpu.memory_space<vmem>>[vector<16xi32>, vector<16xi32>], vector<16xf32>,
      %add3A_1056 = arith.addi %add3A_932, %and3A_924 : vector<16xi32>
      %gather3A_1057 = tpu.vector_load_idx %arg10[%add3A_1056, %broadcast_in_dim3A_1053] : memref<256x30xf32, #tpu.memory_space<vmem>>[vector<16xi32>, vector<16xi32>], vector<16xf32>,
      %mul3A_1058 = arith.mulf %gather3A_1055, %gather3A_1057 : vector<16xf32>
      %add3A_1059 = arith.addf %add3A_1047, %mul3A_1058 : vector<16xf32>
      %mul3A_1060 = arith.mulf %gather3A_1055, %gather3A_1055 : vector<16xf32>
      %add3A_1061 = arith.addf %add3A_1049, %mul3A_1060 : vector<16xf32>
      %mul3A_1062 = arith.mulf %gather3A_1057, %gather3A_1057 : vector<16xf32>
      %add3A_1063 = arith.addf %add3A_1051, %mul3A_1062 : vector<16xf32>
      %broadcast_in_dim3A_1064 = arith.constant 11 : i32
      %broadcast_in_dim3A_1065 = vector.broadcast %broadcast_in_dim3A_1064 : i32 to vector<16xi32>
      %add3A_1066 = arith.addi %add3A_932, %and3A_921 : vector<16xi32>
      %gather3A_1067 = tpu.vector_load_idx %arg9[%add3A_1066, %broadcast_in_dim3A_1065] : memref<256x30xf32, #tpu.memory_space<vmem>>[vector<16xi32>, vector<16xi32>], vector<16xf32>,
      %add3A_1068 = arith.addi %add3A_932, %and3A_924 : vector<16xi32>
      %gather3A_1069 = tpu.vector_load_idx %arg10[%add3A_1068, %broadcast_in_dim3A_1065] : memref<256x30xf32, #tpu.memory_space<vmem>>[vector<16xi32>, vector<16xi32>], vector<16xf32>,
      %mul3A_1070 = arith.mulf %gather3A_1067, %gather3A_1069 : vector<16xf32>
      %add3A_1071 = arith.addf %add3A_1059, %mul3A_1070 : vector<16xf32>
      %mul3A_1072 = arith.mulf %gather3A_1067, %gather3A_1067 : vector<16xf32>
      %add3A_1073 = arith.addf %add3A_1061, %mul3A_1072 : vector<16xf32>
      %mul3A_1074 = arith.mulf %gather3A_1069, %gather3A_1069 : vector<16xf32>
      %add3A_1075 = arith.addf %add3A_1063, %mul3A_1074 : vector<16xf32>
      %broadcast_in_dim3A_1076 = arith.constant 12 : i32
      %broadcast_in_dim3A_1077 = vector.broadcast %broadcast_in_dim3A_1076 : i32 to vector<16xi32>
      %add3A_1078 = arith.addi %add3A_932, %and3A_921 : vector<16xi32>
      %gather3A_1079 = tpu.vector_load_idx %arg9[%add3A_1078, %broadcast_in_dim3A_1077] : memref<256x30xf32, #tpu.memory_space<vmem>>[vector<16xi32>, vector<16xi32>], vector<16xf32>,
      %add3A_1080 = arith.addi %add3A_932, %and3A_924 : vector<16xi32>
      %gather3A_1081 = tpu.vector_load_idx %arg10[%add3A_1080, %broadcast_in_dim3A_1077] : memref<256x30xf32, #tpu.memory_space<vmem>>[vector<16xi32>, vector<16xi32>], vector<16xf32>,
      %mul3A_1082 = arith.mulf %gather3A_1079, %gather3A_1081 : vector<16xf32>
      %add3A_1083 = arith.addf %add3A_1071, %mul3A_1082 : vector<16xf32>
      %mul3A_1084 = arith.mulf %gather3A_1079, %gather3A_1079 : vector<16xf32>
      %add3A_1085 = arith.addf %add3A_1073, %mul3A_1084 : vector<16xf32>
      %mul3A_1086 = arith.mulf %gather3A_1081, %gather3A_1081 : vector<16xf32>
      %add3A_1087 = arith.addf %add3A_1075, %mul3A_1086 : vector<16xf32>
      %broadcast_in_dim3A_1088 = arith.constant 13 : i32
      %broadcast_in_dim3A_1089 = vector.broadcast %broadcast_in_dim3A_1088 : i32 to vector<16xi32>
      %add3A_1090 = arith.addi %add3A_932, %and3A_921 : vector<16xi32>
      %gather3A_1091 = tpu.vector_load_idx %arg9[%add3A_1090, %broadcast_in_dim3A_1089] : memref<256x30xf32, #tpu.memory_space<vmem>>[vector<16xi32>, vector<16xi32>], vector<16xf32>,
      %add3A_1092 = arith.addi %add3A_932, %and3A_924 : vector<16xi32>
      %gather3A_1093 = tpu.vector_load_idx %arg10[%add3A_1092, %broadcast_in_dim3A_1089] : memref<256x30xf32, #tpu.memory_space<vmem>>[vector<16xi32>, vector<16xi32>], vector<16xf32>,
      %mul3A_1094 = arith.mulf %gather3A_1091, %gather3A_1093 : vector<16xf32>
      %add3A_1095 = arith.addf %add3A_1083, %mul3A_1094 : vector<16xf32>
      %mul3A_1096 = arith.mulf %gather3A_1091, %gather3A_1091 : vector<16xf32>
      %add3A_1097 = arith.addf %add3A_1085, %mul3A_1096 : vector<16xf32>
      %mul3A_1098 = arith.mulf %gather3A_1093, %gather3A_1093 : vector<16xf32>
      %add3A_1099 = arith.addf %add3A_1087, %mul3A_1098 : vector<16xf32>
      %broadcast_in_dim3A_1100 = arith.constant 14 : i32
      %broadcast_in_dim3A_1101 = vector.broadcast %broadcast_in_dim3A_1100 : i32 to vector<16xi32>
      %add3A_1102 = arith.addi %add3A_932, %and3A_921 : vector<16xi32>
      %gather3A_1103 = tpu.vector_load_idx %arg9[%add3A_1102, %broadcast_in_dim3A_1101] : memref<256x30xf32, #tpu.memory_space<vmem>>[vector<16xi32>, vector<16xi32>], vector<16xf32>,
      %add3A_1104 = arith.addi %add3A_932, %and3A_924 : vector<16xi32>
      %gather3A_1105 = tpu.vector_load_idx %arg10[%add3A_1104, %broadcast_in_dim3A_1101] : memref<256x30xf32, #tpu.memory_space<vmem>>[vector<16xi32>, vector<16xi32>], vector<16xf32>,
      %mul3A_1106 = arith.mulf %gather3A_1103, %gather3A_1105 : vector<16xf32>
      %add3A_1107 = arith.addf %add3A_1095, %mul3A_1106 : vector<16xf32>
      %mul3A_1108 = arith.mulf %gather3A_1103, %gather3A_1103 : vector<16xf32>
      %add3A_1109 = arith.addf %add3A_1097, %mul3A_1108 : vector<16xf32>
      %mul3A_1110 = arith.mulf %gather3A_1105, %gather3A_1105 : vector<16xf32>
      %add3A_1111 = arith.addf %add3A_1099, %mul3A_1110 : vector<16xf32>
      %broadcast_in_dim3A_1112 = arith.constant 15 : i32
      %broadcast_in_dim3A_1113 = vector.broadcast %broadcast_in_dim3A_1112 : i32 to vector<16xi32>
      %add3A_1114 = arith.addi %add3A_932, %and3A_921 : vector<16xi32>
      %gather3A_1115 = tpu.vector_load_idx %arg9[%add3A_1114, %broadcast_in_dim3A_1113] : memref<256x30xf32, #tpu.memory_space<vmem>>[vector<16xi32>, vector<16xi32>], vector<16xf32>,
      %add3A_1116 = arith.addi %add3A_932, %and3A_924 : vector<16xi32>
      %gather3A_1117 = tpu.vector_load_idx %arg10[%add3A_1116, %broadcast_in_dim3A_1113] : memref<256x30xf32, #tpu.memory_space<vmem>>[vector<16xi32>, vector<16xi32>], vector<16xf32>,
      %mul3A_1118 = arith.mulf %gather3A_1115, %gather3A_1117 : vector<16xf32>
      %add3A_1119 = arith.addf %add3A_1107, %mul3A_1118 : vector<16xf32>
      %mul3A_1120 = arith.mulf %gather3A_1115, %gather3A_1115 : vector<16xf32>
      %add3A_1121 = arith.addf %add3A_1109, %mul3A_1120 : vector<16xf32>
      %mul3A_1122 = arith.mulf %gather3A_1117, %gather3A_1117 : vector<16xf32>
      %add3A_1123 = arith.addf %add3A_1111, %mul3A_1122 : vector<16xf32>
      %broadcast_in_dim3A_1124 = arith.constant 16 : i32
      %broadcast_in_dim3A_1125 = vector.broadcast %broadcast_in_dim3A_1124 : i32 to vector<16xi32>
      %add3A_1126 = arith.addi %add3A_932, %and3A_921 : vector<16xi32>
      %gather3A_1127 = tpu.vector_load_idx %arg9[%add3A_1126, %broadcast_in_dim3A_1125] : memref<256x30xf32, #tpu.memory_space<vmem>>[vector<16xi32>, vector<16xi32>], vector<16xf32>,
      %add3A_1128 = arith.addi %add3A_932, %and3A_924 : vector<16xi32>
      %gather3A_1129 = tpu.vector_load_idx %arg10[%add3A_1128, %broadcast_in_dim3A_1125] : memref<256x30xf32, #tpu.memory_space<vmem>>[vector<16xi32>, vector<16xi32>], vector<16xf32>,
      %mul3A_1130 = arith.mulf %gather3A_1127, %gather3A_1129 : vector<16xf32>
      %add3A_1131 = arith.addf %add3A_1119, %mul3A_1130 : vector<16xf32>
      %mul3A_1132 = arith.mulf %gather3A_1127, %gather3A_1127 : vector<16xf32>
      %add3A_1133 = arith.addf %add3A_1121, %mul3A_1132 : vector<16xf32>
      %mul3A_1134 = arith.mulf %gather3A_1129, %gather3A_1129 : vector<16xf32>
      %add3A_1135 = arith.addf %add3A_1123, %mul3A_1134 : vector<16xf32>
      %broadcast_in_dim3A_1136 = arith.constant 17 : i32
      %broadcast_in_dim3A_1137 = vector.broadcast %broadcast_in_dim3A_1136 : i32 to vector<16xi32>
      %add3A_1138 = arith.addi %add3A_932, %and3A_921 : vector<16xi32>
      %gather3A_1139 = tpu.vector_load_idx %arg9[%add3A_1138, %broadcast_in_dim3A_1137] : memref<256x30xf32, #tpu.memory_space<vmem>>[vector<16xi32>, vector<16xi32>], vector<16xf32>,
      %add3A_1140 = arith.addi %add3A_932, %and3A_924 : vector<16xi32>
      %gather3A_1141 = tpu.vector_load_idx %arg10[%add3A_1140, %broadcast_in_dim3A_1137] : memref<256x30xf32, #tpu.memory_space<vmem>>[vector<16xi32>, vector<16xi32>], vector<16xf32>,
      %mul3A_1142 = arith.mulf %gather3A_1139, %gather3A_1141 : vector<16xf32>
      %add3A_1143 = arith.addf %add3A_1131, %mul3A_1142 : vector<16xf32>
      %mul3A_1144 = arith.mulf %gather3A_1139, %gather3A_1139 : vector<16xf32>
      %add3A_1145 = arith.addf %add3A_1133, %mul3A_1144 : vector<16xf32>
      %mul3A_1146 = arith.mulf %gather3A_1141, %gather3A_1141 : vector<16xf32>
      %add3A_1147 = arith.addf %add3A_1135, %mul3A_1146 : vector<16xf32>
      %broadcast_in_dim3A_1148 = arith.constant 18 : i32
      %broadcast_in_dim3A_1149 = vector.broadcast %broadcast_in_dim3A_1148 : i32 to vector<16xi32>
      %add3A_1150 = arith.addi %add3A_932, %and3A_921 : vector<16xi32>
      %gather3A_1151 = tpu.vector_load_idx %arg9[%add3A_1150, %broadcast_in_dim3A_1149] : memref<256x30xf32, #tpu.memory_space<vmem>>[vector<16xi32>, vector<16xi32>], vector<16xf32>,
      %add3A_1152 = arith.addi %add3A_932, %and3A_924 : vector<16xi32>
      %gather3A_1153 = tpu.vector_load_idx %arg10[%add3A_1152, %broadcast_in_dim3A_1149] : memref<256x30xf32, #tpu.memory_space<vmem>>[vector<16xi32>, vector<16xi32>], vector<16xf32>,
      %mul3A_1154 = arith.mulf %gather3A_1151, %gather3A_1153 : vector<16xf32>
      %add3A_1155 = arith.addf %add3A_1143, %mul3A_1154 : vector<16xf32>
      %mul3A_1156 = arith.mulf %gather3A_1151, %gather3A_1151 : vector<16xf32>
      %add3A_1157 = arith.addf %add3A_1145, %mul3A_1156 : vector<16xf32>
      %mul3A_1158 = arith.mulf %gather3A_1153, %gather3A_1153 : vector<16xf32>
      %add3A_1159 = arith.addf %add3A_1147, %mul3A_1158 : vector<16xf32>
      %broadcast_in_dim3A_1160 = arith.constant 19 : i32
      %broadcast_in_dim3A_1161 = vector.broadcast %broadcast_in_dim3A_1160 : i32 to vector<16xi32>
      %add3A_1162 = arith.addi %add3A_932, %and3A_921 : vector<16xi32>
      %gather3A_1163 = tpu.vector_load_idx %arg9[%add3A_1162, %broadcast_in_dim3A_1161] : memref<256x30xf32, #tpu.memory_space<vmem>>[vector<16xi32>, vector<16xi32>], vector<16xf32>,
      %add3A_1164 = arith.addi %add3A_932, %and3A_924 : vector<16xi32>
      %gather3A_1165 = tpu.vector_load_idx %arg10[%add3A_1164, %broadcast_in_dim3A_1161] : memref<256x30xf32, #tpu.memory_space<vmem>>[vector<16xi32>, vector<16xi32>], vector<16xf32>,
      %mul3A_1166 = arith.mulf %gather3A_1163, %gather3A_1165 : vector<16xf32>
      %add3A_1167 = arith.addf %add3A_1155, %mul3A_1166 : vector<16xf32>
      %mul3A_1168 = arith.mulf %gather3A_1163, %gather3A_1163 : vector<16xf32>
      %add3A_1169 = arith.addf %add3A_1157, %mul3A_1168 : vector<16xf32>
      %mul3A_1170 = arith.mulf %gather3A_1165, %gather3A_1165 : vector<16xf32>
      %add3A_1171 = arith.addf %add3A_1159, %mul3A_1170 : vector<16xf32>
      %broadcast_in_dim3A_1172 = arith.constant 20 : i32
      %broadcast_in_dim3A_1173 = vector.broadcast %broadcast_in_dim3A_1172 : i32 to vector<16xi32>
      %add3A_1174 = arith.addi %add3A_932, %and3A_921 : vector<16xi32>
      %gather3A_1175 = tpu.vector_load_idx %arg9[%add3A_1174, %broadcast_in_dim3A_1173] : memref<256x30xf32, #tpu.memory_space<vmem>>[vector<16xi32>, vector<16xi32>], vector<16xf32>,
      %add3A_1176 = arith.addi %add3A_932, %and3A_924 : vector<16xi32>
      %gather3A_1177 = tpu.vector_load_idx %arg10[%add3A_1176, %broadcast_in_dim3A_1173] : memref<256x30xf32, #tpu.memory_space<vmem>>[vector<16xi32>, vector<16xi32>], vector<16xf32>,
      %mul3A_1178 = arith.mulf %gather3A_1175, %gather3A_1177 : vector<16xf32>
      %add3A_1179 = arith.addf %add3A_1167, %mul3A_1178 : vector<16xf32>
      %mul3A_1180 = arith.mulf %gather3A_1175, %gather3A_1175 : vector<16xf32>
      %add3A_1181 = arith.addf %add3A_1169, %mul3A_1180 : vector<16xf32>
      %mul3A_1182 = arith.mulf %gather3A_1177, %gather3A_1177 : vector<16xf32>
      %add3A_1183 = arith.addf %add3A_1171, %mul3A_1182 : vector<16xf32>
      %broadcast_in_dim3A_1184 = arith.constant 21 : i32
      %broadcast_in_dim3A_1185 = vector.broadcast %broadcast_in_dim3A_1184 : i32 to vector<16xi32>
      %add3A_1186 = arith.addi %add3A_932, %and3A_921 : vector<16xi32>
      %gather3A_1187 = tpu.vector_load_idx %arg9[%add3A_1186, %broadcast_in_dim3A_1185] : memref<256x30xf32, #tpu.memory_space<vmem>>[vector<16xi32>, vector<16xi32>], vector<16xf32>,
      %add3A_1188 = arith.addi %add3A_932, %and3A_924 : vector<16xi32>
      %gather3A_1189 = tpu.vector_load_idx %arg10[%add3A_1188, %broadcast_in_dim3A_1185] : memref<256x30xf32, #tpu.memory_space<vmem>>[vector<16xi32>, vector<16xi32>], vector<16xf32>,
      %mul3A_1190 = arith.mulf %gather3A_1187, %gather3A_1189 : vector<16xf32>
      %add3A_1191 = arith.addf %add3A_1179, %mul3A_1190 : vector<16xf32>
      %mul3A_1192 = arith.mulf %gather3A_1187, %gather3A_1187 : vector<16xf32>
      %add3A_1193 = arith.addf %add3A_1181, %mul3A_1192 : vector<16xf32>
      %mul3A_1194 = arith.mulf %gather3A_1189, %gather3A_1189 : vector<16xf32>
      %add3A_1195 = arith.addf %add3A_1183, %mul3A_1194 : vector<16xf32>
      %broadcast_in_dim3A_1196 = arith.constant 22 : i32
      %broadcast_in_dim3A_1197 = vector.broadcast %broadcast_in_dim3A_1196 : i32 to vector<16xi32>
      %add3A_1198 = arith.addi %add3A_932, %and3A_921 : vector<16xi32>
      %gather3A_1199 = tpu.vector_load_idx %arg9[%add3A_1198, %broadcast_in_dim3A_1197] : memref<256x30xf32, #tpu.memory_space<vmem>>[vector<16xi32>, vector<16xi32>], vector<16xf32>,
      %add3A_1200 = arith.addi %add3A_932, %and3A_924 : vector<16xi32>
      %gather3A_1201 = tpu.vector_load_idx %arg10[%add3A_1200, %broadcast_in_dim3A_1197] : memref<256x30xf32, #tpu.memory_space<vmem>>[vector<16xi32>, vector<16xi32>], vector<16xf32>,
      %mul3A_1202 = arith.mulf %gather3A_1199, %gather3A_1201 : vector<16xf32>
      %add3A_1203 = arith.addf %add3A_1191, %mul3A_1202 : vector<16xf32>
      %mul3A_1204 = arith.mulf %gather3A_1199, %gather3A_1199 : vector<16xf32>
      %add3A_1205 = arith.addf %add3A_1193, %mul3A_1204 : vector<16xf32>
      %mul3A_1206 = arith.mulf %gather3A_1201, %gather3A_1201 : vector<16xf32>
      %add3A_1207 = arith.addf %add3A_1195, %mul3A_1206 : vector<16xf32>
      %broadcast_in_dim3A_1208 = arith.constant 23 : i32
      %broadcast_in_dim3A_1209 = vector.broadcast %broadcast_in_dim3A_1208 : i32 to vector<16xi32>
      %add3A_1210 = arith.addi %add3A_932, %and3A_921 : vector<16xi32>
      %gather3A_1211 = tpu.vector_load_idx %arg9[%add3A_1210, %broadcast_in_dim3A_1209] : memref<256x30xf32, #tpu.memory_space<vmem>>[vector<16xi32>, vector<16xi32>], vector<16xf32>,
      %add3A_1212 = arith.addi %add3A_932, %and3A_924 : vector<16xi32>
      %gather3A_1213 = tpu.vector_load_idx %arg10[%add3A_1212, %broadcast_in_dim3A_1209] : memref<256x30xf32, #tpu.memory_space<vmem>>[vector<16xi32>, vector<16xi32>], vector<16xf32>,
      %mul3A_1214 = arith.mulf %gather3A_1211, %gather3A_1213 : vector<16xf32>
      %add3A_1215 = arith.addf %add3A_1203, %mul3A_1214 : vector<16xf32>
      %mul3A_1216 = arith.mulf %gather3A_1211, %gather3A_1211 : vector<16xf32>
      %add3A_1217 = arith.addf %add3A_1205, %mul3A_1216 : vector<16xf32>
      %mul3A_1218 = arith.mulf %gather3A_1213, %gather3A_1213 : vector<16xf32>
      %add3A_1219 = arith.addf %add3A_1207, %mul3A_1218 : vector<16xf32>
      %broadcast_in_dim3A_1220 = arith.constant 24 : i32
      %broadcast_in_dim3A_1221 = vector.broadcast %broadcast_in_dim3A_1220 : i32 to vector<16xi32>
      %add3A_1222 = arith.addi %add3A_932, %and3A_921 : vector<16xi32>
      %gather3A_1223 = tpu.vector_load_idx %arg9[%add3A_1222, %broadcast_in_dim3A_1221] : memref<256x30xf32, #tpu.memory_space<vmem>>[vector<16xi32>, vector<16xi32>], vector<16xf32>,
      %add3A_1224 = arith.addi %add3A_932, %and3A_924 : vector<16xi32>
      %gather3A_1225 = tpu.vector_load_idx %arg10[%add3A_1224, %broadcast_in_dim3A_1221] : memref<256x30xf32, #tpu.memory_space<vmem>>[vector<16xi32>, vector<16xi32>], vector<16xf32>,
      %mul3A_1226 = arith.mulf %gather3A_1223, %gather3A_1225 : vector<16xf32>
      %add3A_1227 = arith.addf %add3A_1215, %mul3A_1226 : vector<16xf32>
      %mul3A_1228 = arith.mulf %gather3A_1223, %gather3A_1223 : vector<16xf32>
      %add3A_1229 = arith.addf %add3A_1217, %mul3A_1228 : vector<16xf32>
      %mul3A_1230 = arith.mulf %gather3A_1225, %gather3A_1225 : vector<16xf32>
      %add3A_1231 = arith.addf %add3A_1219, %mul3A_1230 : vector<16xf32>
      %broadcast_in_dim3A_1232 = arith.constant 25 : i32
      %broadcast_in_dim3A_1233 = vector.broadcast %broadcast_in_dim3A_1232 : i32 to vector<16xi32>
      %add3A_1234 = arith.addi %add3A_932, %and3A_921 : vector<16xi32>
      %gather3A_1235 = tpu.vector_load_idx %arg9[%add3A_1234, %broadcast_in_dim3A_1233] : memref<256x30xf32, #tpu.memory_space<vmem>>[vector<16xi32>, vector<16xi32>], vector<16xf32>,
      %add3A_1236 = arith.addi %add3A_932, %and3A_924 : vector<16xi32>
      %gather3A_1237 = tpu.vector_load_idx %arg10[%add3A_1236, %broadcast_in_dim3A_1233] : memref<256x30xf32, #tpu.memory_space<vmem>>[vector<16xi32>, vector<16xi32>], vector<16xf32>,
      %mul3A_1238 = arith.mulf %gather3A_1235, %gather3A_1237 : vector<16xf32>
      %add3A_1239 = arith.addf %add3A_1227, %mul3A_1238 : vector<16xf32>
      %mul3A_1240 = arith.mulf %gather3A_1235, %gather3A_1235 : vector<16xf32>
      %add3A_1241 = arith.addf %add3A_1229, %mul3A_1240 : vector<16xf32>
      %mul3A_1242 = arith.mulf %gather3A_1237, %gather3A_1237 : vector<16xf32>
      %add3A_1243 = arith.addf %add3A_1231, %mul3A_1242 : vector<16xf32>
      %broadcast_in_dim3A_1244 = arith.constant 26 : i32
      %broadcast_in_dim3A_1245 = vector.broadcast %broadcast_in_dim3A_1244 : i32 to vector<16xi32>
      %add3A_1246 = arith.addi %add3A_932, %and3A_921 : vector<16xi32>
      %gather3A_1247 = tpu.vector_load_idx %arg9[%add3A_1246, %broadcast_in_dim3A_1245] : memref<256x30xf32, #tpu.memory_space<vmem>>[vector<16xi32>, vector<16xi32>], vector<16xf32>,
      %add3A_1248 = arith.addi %add3A_932, %and3A_924 : vector<16xi32>
      %gather3A_1249 = tpu.vector_load_idx %arg10[%add3A_1248, %broadcast_in_dim3A_1245] : memref<256x30xf32, #tpu.memory_space<vmem>>[vector<16xi32>, vector<16xi32>], vector<16xf32>,
      %mul3A_1250 = arith.mulf %gather3A_1247, %gather3A_1249 : vector<16xf32>
      %add3A_1251 = arith.addf %add3A_1239, %mul3A_1250 : vector<16xf32>
      %mul3A_1252 = arith.mulf %gather3A_1247, %gather3A_1247 : vector<16xf32>
      %add3A_1253 = arith.addf %add3A_1241, %mul3A_1252 : vector<16xf32>
      %mul3A_1254 = arith.mulf %gather3A_1249, %gather3A_1249 : vector<16xf32>
      %add3A_1255 = arith.addf %add3A_1243, %mul3A_1254 : vector<16xf32>
      %broadcast_in_dim3A_1256 = arith.constant 27 : i32
      %broadcast_in_dim3A_1257 = vector.broadcast %broadcast_in_dim3A_1256 : i32 to vector<16xi32>
      %add3A_1258 = arith.addi %add3A_932, %and3A_921 : vector<16xi32>
      %gather3A_1259 = tpu.vector_load_idx %arg9[%add3A_1258, %broadcast_in_dim3A_1257] : memref<256x30xf32, #tpu.memory_space<vmem>>[vector<16xi32>, vector<16xi32>], vector<16xf32>,
      %add3A_1260 = arith.addi %add3A_932, %and3A_924 : vector<16xi32>
      %gather3A_1261 = tpu.vector_load_idx %arg10[%add3A_1260, %broadcast_in_dim3A_1257] : memref<256x30xf32, #tpu.memory_space<vmem>>[vector<16xi32>, vector<16xi32>], vector<16xf32>,
      %mul3A_1262 = arith.mulf %gather3A_1259, %gather3A_1261 : vector<16xf32>
      %add3A_1263 = arith.addf %add3A_1251, %mul3A_1262 : vector<16xf32>
      %mul3A_1264 = arith.mulf %gather3A_1259, %gather3A_1259 : vector<16xf32>
      %add3A_1265 = arith.addf %add3A_1253, %mul3A_1264 : vector<16xf32>
      %mul3A_1266 = arith.mulf %gather3A_1261, %gather3A_1261 : vector<16xf32>
      %add3A_1267 = arith.addf %add3A_1255, %mul3A_1266 : vector<16xf32>
      %broadcast_in_dim3A_1268 = arith.constant 28 : i32
      %broadcast_in_dim3A_1269 = vector.broadcast %broadcast_in_dim3A_1268 : i32 to vector<16xi32>
      %add3A_1270 = arith.addi %add3A_932, %and3A_921 : vector<16xi32>
      %gather3A_1271 = tpu.vector_load_idx %arg9[%add3A_1270, %broadcast_in_dim3A_1269] : memref<256x30xf32, #tpu.memory_space<vmem>>[vector<16xi32>, vector<16xi32>], vector<16xf32>,
      %add3A_1272 = arith.addi %add3A_932, %and3A_924 : vector<16xi32>
      %gather3A_1273 = tpu.vector_load_idx %arg10[%add3A_1272, %broadcast_in_dim3A_1269] : memref<256x30xf32, #tpu.memory_space<vmem>>[vector<16xi32>, vector<16xi32>], vector<16xf32>,
      %mul3A_1274 = arith.mulf %gather3A_1271, %gather3A_1273 : vector<16xf32>
      %add3A_1275 = arith.addf %add3A_1263, %mul3A_1274 : vector<16xf32>
      %mul3A_1276 = arith.mulf %gather3A_1271, %gather3A_1271 : vector<16xf32>
      %add3A_1277 = arith.addf %add3A_1265, %mul3A_1276 : vector<16xf32>
      %mul3A_1278 = arith.mulf %gather3A_1273, %gather3A_1273 : vector<16xf32>
      %add3A_1279 = arith.addf %add3A_1267, %mul3A_1278 : vector<16xf32>
      %broadcast_in_dim3A_1280 = arith.constant 29 : i32
      %broadcast_in_dim3A_1281 = vector.broadcast %broadcast_in_dim3A_1280 : i32 to vector<16xi32>
      %add3A_1282 = arith.addi %add3A_932, %and3A_921 : vector<16xi32>
      %gather3A_1283 = tpu.vector_load_idx %arg9[%add3A_1282, %broadcast_in_dim3A_1281] : memref<256x30xf32, #tpu.memory_space<vmem>>[vector<16xi32>, vector<16xi32>], vector<16xf32>,
      %add3A_1284 = arith.addi %add3A_932, %and3A_924 : vector<16xi32>
      %gather3A_1285 = tpu.vector_load_idx %arg10[%add3A_1284, %broadcast_in_dim3A_1281] : memref<256x30xf32, #tpu.memory_space<vmem>>[vector<16xi32>, vector<16xi32>], vector<16xf32>,
      %mul3A_1286 = arith.mulf %gather3A_1283, %gather3A_1285 : vector<16xf32>
      %add3A_1287 = arith.addf %add3A_1275, %mul3A_1286 : vector<16xf32>
      %mul3A_1288 = arith.mulf %gather3A_1283, %gather3A_1283 : vector<16xf32>
      %add3A_1289 = arith.addf %add3A_1277, %mul3A_1288 : vector<16xf32>
      %mul3A_1290 = arith.mulf %gather3A_1285, %gather3A_1285 : vector<16xf32>
      %add3A_1291 = arith.addf %add3A_1279, %mul3A_1290 : vector<16xf32>
      %mul3A_1292 = arith.mulf %add3A_1289, %add3A_1291 : vector<16xf32>
      %bitcast3A = vector.bitcast %mul3A_1292 : vector<16xf32> to vector<16xi32>
      %shift_right_arithmetic3A = arith.constant 1 : i32
      %shift_right_arithmetic3A_1293 = vector.broadcast %shift_right_arithmetic3A : i32 to vector<16xi32>
      %shift_right_arithmetic3A_1294 = arith.shrsi %bitcast3A, %shift_right_arithmetic3A_1293 : vector<16xi32>
      %sub3A = arith.constant 1597463007 : i32
      %sub3A_1295 = vector.broadcast %sub3A : i32 to vector<16xi32>
      %sub3A_1296 = arith.subi %sub3A_1295, %shift_right_arithmetic3A_1294 : vector<16xi32>
      %bitcast3A_1297 = vector.bitcast %sub3A_1296 : vector<16xi32> to vector<16xf32>
      %mul3A_1298 = arith.constant 5.000000e-01 : f32
      %mul3A_1299 = vector.broadcast %mul3A_1298 : f32 to vector<16xf32>
      %mul3A_1300 = arith.mulf %mul3A_1299, %mul3A_1292 : vector<16xf32>
      %mul3A_1301 = arith.mulf %mul3A_1300, %bitcast3A_1297 : vector<16xf32>
      %mul3A_1302 = arith.mulf %mul3A_1301, %bitcast3A_1297 : vector<16xf32>
      %sub3A_1303 = arith.constant 1.500000e+00 : f32
      %sub3A_1304 = vector.broadcast %sub3A_1303 : f32 to vector<16xf32>
      %sub3A_1305 = arith.subf %sub3A_1304, %mul3A_1302 : vector<16xf32>
      %mul3A_1306 = arith.mulf %bitcast3A_1297, %sub3A_1305 : vector<16xf32>
      %mul3A_1307 = arith.constant 5.000000e-01 : f32
      %mul3A_1308 = vector.broadcast %mul3A_1307 : f32 to vector<16xf32>
      %mul3A_1309 = arith.mulf %mul3A_1308, %mul3A_1292 : vector<16xf32>
      %mul3A_1310 = arith.mulf %mul3A_1309, %mul3A_1306 : vector<16xf32>
      %mul3A_1311 = arith.mulf %mul3A_1310, %mul3A_1306 : vector<16xf32>
      %sub3A_1312 = arith.constant 1.500000e+00 : f32
      %sub3A_1313 = vector.broadcast %sub3A_1312 : f32 to vector<16xf32>
      %sub3A_1314 = arith.subf %sub3A_1313, %mul3A_1311 : vector<16xf32>
      %mul3A_1315 = arith.mulf %mul3A_1306, %sub3A_1314 : vector<16xf32>
      %mul3A_1316 = arith.constant 5.000000e-01 : f32
      %mul3A_1317 = vector.broadcast %mul3A_1316 : f32 to vector<16xf32>
      %mul3A_1318 = arith.mulf %mul3A_1317, %mul3A_1292 : vector<16xf32>
      %mul3A_1319 = arith.mulf %mul3A_1318, %mul3A_1315 : vector<16xf32>
      %mul3A_1320 = arith.mulf %mul3A_1319, %mul3A_1315 : vector<16xf32>
      %sub3A_1321 = arith.constant 1.500000e+00 : f32
      %sub3A_1322 = vector.broadcast %sub3A_1321 : f32 to vector<16xf32>
      %sub3A_1323 = arith.subf %sub3A_1322, %mul3A_1320 : vector<16xf32>
      %mul3A_1324 = arith.mulf %mul3A_1315, %sub3A_1323 : vector<16xf32>
      %mul3A_1325 = arith.mulf %add3A_1287, %mul3A_1324 : vector<16xf32>
      %swap3A = arith.index_cast %mul3A_895 : i32 to index
      %swap3A_1326 = tpu.vector_load %arg11[%swap3A] {strides = array<i32>} : memref<512xf32, #tpu.memory_space<vmem>>, vector<16xf32>,
      tpu.vector_store %arg11[%swap3A], %mul3A_1325 {strides = array<i32>} : memref<512xf32, #tpu.memory_space<vmem>>, vector<16xf32>,
    }
    %scan3A_887 = arith.constant 32 : i32
    "tpu.region"() ({
      %run_scoped3A = tpu.sem_alloc : memref<!tpu.dma_semaphore, #tpu.memory_space<semaphore_mem>>
      %dma_start3A_888 = tpu.memref_slice %arg6[%mul3A_2] : memref<16384xf32, #tpu.memory_space<hbm>> -> memref<512xf32, #tpu.memory_space<hbm>>
      %dma_start3A_889 = tpu.memref_slice %arg6[%mul3A_2] : memref<16384xf32, #tpu.memory_space<hbm>> -> memref<512xf32, #tpu.memory_space<hbm>>
      tpu.enqueue_dma source(%arg11 : memref<512xf32, #tpu.memory_space<vmem>>) target(%dma_start3A_889 : memref<512xf32, #tpu.memory_space<hbm>>) target_semaphore(%run_scoped3A : memref<!tpu.dma_semaphore, #tpu.memory_space<semaphore_mem>>)
      %dma_wait3A = tpu.memref_slice %arg6[%mul3A_2] : memref<16384xf32, #tpu.memory_space<hbm>> -> memref<512xf32, #tpu.memory_space<hbm>>
      %dma_wait3A_890 = tpu.memref_slice %arg6[%mul3A_2] : memref<16384xf32, #tpu.memory_space<hbm>> -> memref<512xf32, #tpu.memory_space<hbm>>
      tpu.wait_dma2 semaphore(%run_scoped3A : memref<!tpu.dma_semaphore, #tpu.memory_space<semaphore_mem>>) src(%arg11 : memref<512xf32, #tpu.memory_space<vmem>>) dst(%dma_wait3A_890 : memref<512xf32, #tpu.memory_space<hbm>>)
      tpu.yield
    }) : () -> ()
    return
  }
}

</mosaic_0001>

<sc_bundles>
// kernel: kernel.3.cloned.1.call-start
scs
__scs_entry_jumppad:
0x0: {  	(pc) =	sbr.rel $0x88, $3  }
0x1: {  	(tag) =	ssettag $0x0;
	lr =	simm.s32 $0x1  }
0x2: {  	[smem:$0x3F9D] =	sst lr;
	_ =	strace $0xD0000000  }
0x3: {  	_ = 	snop  }
0x4: {  	_ = 	snop  }
0x5: {  	_ = 	snop  }
0x6: {  	_ = 	snop  }
0x7: {  	_ = 	snop  }
__scs_overlays_trampoline_lowered:
0x8: {  	[smem:$0x3FAC] =	sst s0  }
0x9: {  	[smem:$0x3FAD] =	sst s1  }
0xa: {  	[smem:$0x3FAE] =	sst s2  }
0xb: {  	[smem:$0x3FAF] =	sst s3  }
0xc: {  	[smem:$0x3FB0] =	sst s4  }
0xd: {  	[smem:$0x3FB1] =	sst s5  }
0xe: {  	[smem:$0x3FB2] =	sst s6  }
0xf: {  	[smem:$0x3FB3] =	sst s7  }
0x10: {  	[smem:$0x3FB4] =	sst s8  }
0x11: {  	[smem:$0x3FB5] =	sst s9;
	s0 =	simm.s32 @!p0 $0x0  }
0x12: {  	s1 =	sld [smem:$0x3F9B];
	s0 =	simm.s32 @p0 $0x1  }
0x13: {  	[smem:$0x3FB6] =	sst s0;
	s0 =	simm.s32 @!p1 $0x0  }
0x14: {  	s2 =	sld [smem:$0x3F9A];
	s0 =	simm.s32 @p1 $0x1  }
0x15: {  	[smem:$0x3FB7] =	sst s0;
	s0 =	simm.s32 @!p2 $0x0  }
0x16: {  	s3 =	sld [smem:$0x3FDB];
	s0 =	simm.s32 @p2 $0x1  }
0x17: {  	s4 =	simm.s32 $0x1BF5;
	[smem:$0x3FB9] =	sst s0  }
0x18: {  	s0 =	sld [smem:$0x3F9C];
	_ =	swait.ge [sflag:s4], $0x0  }
0x19: {  	s7 =	sld [smem:$0x3F9D]  }
0x1a: {  	s8 =	sadd.s32 $0xFFFFE003, lr  }
0x1b: {  	s9 =	sadd.s32 $0xFFFFFEF7, lr;
	s5 =	simm.s32 $0xFFFFFFFF;
	p2 =	slt.u32 s8, $0xFFFFF086  }
0x1c: {  	p1 =	slt.u32 s9, $0xF7A;
	s5 =	simm.s32 @!p2 $0x0  }
0x1d: {  	s5 =	simm.s32 @p1 $0x1;
	p0 =	seq.s32 s7, s2  }
0x1e: {  	s7 =	smul.u32 @!p0 $0xF7A, s2;
	p2 =	seq.s32 @!p0 s5, $0x0  }
0x1f: {  	s9 =	smul.u32 $0xF7A, s1;
	s8 =	simm.s32 @!p0 $0x1BF5;
	p2 =	por !p2, p0  }
0x20: {  	[sflag:s8] =	ssyncset.s32 @!p0 $0xFFFFF086;
	s6 =	sadd.s32 @!p0 s3, s7;
	s7 =	simm.s32 @!p0 $0x108  }
0x21: {  	s3 =	sadd.s32 s3, s9;
	s6 =	sadd.s32 @!p0 $0x88, s6;
	s7 =	simm.s32 @p2 $0x1082  }
0x22: {  	[simem:s7], [sflag:s8] =	dma.local @!p0 [hbm:s6], $0xF7A  }
0x23: {  	s9 =	sor.u32 $0xD0000000, s2;
	s6 =	simm.s32 $0x108;
	_ =	swait.ge @!p0 [sflag:s8], $0x0  }
0x24: {  	s3 =	sadd.s32 $0x88, s3;
	s6 =	simm.s32 @!p1 $0x1082;
	[sflag:s4] =	ssyncset.s32 $0xFFFFF086  }
0x25: {  	[simem:s6], [sflag:s4] =	dma.local [hbm:s3], $0xF7A  }
0x26: {  	[smem:$0x3F9D] =	sst s1;
	(tag) =	ssettag s2;
	_ =	strace s9  }
0x27: {  	s1 =	sld [smem:$0x3FAD]  }
0x28: {  	s2 =	sld [smem:$0x3FAE]  }
0x29: {  	s4 =	sld [smem:$0x3FB0]  }
0x2a: {  	p0 =	seq.s32 s5, $0x0;
	s5 =	sld [smem:$0x3FB1]  }
0x2b: {  	s6 =	sld [smem:$0x3FB2]  }
0x2c: {  	s7 =	sld [smem:$0x3FB3]  }
0x2d: {  	s3 =	simm.s32 $0x108;
	s8 =	sld [smem:$0x3FB4]  }
0x2e: {  	s3 =	simm.s32 @!p0 $0x1082;
	s9 =	sld [smem:$0x3FB5]  }
0x2f: {  	lr =	sadd.s32 s0, s3;
	s0 =	sld [smem:$0x3FAC]  }
0x30: {  	s3 =	sld [smem:$0x3FAF]  }
0x31: {  	[smem:$0x3FB8] =	sst s10  }
0x32: {  	s10 =	sld [smem:$0x3FB6];
	_ =	sdelay $0x3  }
0x33: {  	p0 =	seq.s32 s10, $0x1;
	s10 =	sld [smem:$0x3FB8];
	_ =	sdelay $0x3  }
0x34: {  	[smem:$0x3FB8] =	sst s10  }
0x35: {  	s10 =	sld [smem:$0x3FB7];
	_ =	sdelay $0x3  }
0x36: {  	p1 =	seq.s32 s10, $0x1;
	s10 =	sld [smem:$0x3FB8];
	_ =	sdelay $0x3  }
0x37: {  	[smem:$0x3FB8] =	sst s10  }
0x38: {  	s10 =	sld [smem:$0x3FB9]  }
0x39: {  	_ = 	snop;
	(pc) =	sbr.ind lr, $3  }
0x3a: {  	_ = 	snop  }
0x3b: {  	_ = 	snop  }
0x3c: {  	p2 =	seq.s32 s10, $0x1;
	s10 =	sld [smem:$0x3FB8]  }
0x3d: {  	_ =	shalt  }
0x3e: {  	_ =	shalt  }
0x3f: {  	_ =	shalt  }
0x40: {  	_ =	shalt  }
0x41: {  	_ =	shalt  }
0x42: {  	_ =	shalt  }
0x43: {  	_ =	shalt  }
0x44: {  	_ =	shalt  }
0x45: {  	_ =	shalt  }
0x46: {  	_ =	shalt  }
0x47: {  	_ =	shalt  }
0x48: {  	_ =	shalt  }
0x49: {  	_ =	shalt  }
0x4a: {  	_ =	shalt  }
0x4b: {  	_ =	shalt  }
0x4c: {  	_ =	shalt  }
0x4d: {  	_ =	shalt  }
0x4e: {  	_ =	shalt  }
0x4f: {  	_ =	shalt  }
0x50: {  	_ =	shalt  }
0x51: {  	_ =	shalt  }
0x52: {  	_ =	shalt  }
0x53: {  	_ =	shalt  }
0x54: {  	_ =	shalt  }
0x55: {  	_ =	shalt  }
0x56: {  	_ =	shalt  }
0x57: {  	_ =	shalt  }
0x58: {  	_ =	shalt  }
0x59: {  	_ =	shalt  }
0x5a: {  	_ =	shalt  }
0x5b: {  	_ =	shalt  }
0x5c: {  	_ =	shalt  }
0x5d: {  	_ =	shalt  }
0x5e: {  	_ =	shalt  }
0x5f: {  	_ =	shalt  }
0x60: {  	_ =	shalt  }
0x61: {  	_ =	shalt  }
0x62: {  	_ =	shalt  }
0x63: {  	_ =	shalt  }
0x64: {  	_ =	shalt  }
0x65: {  	_ =	shalt  }
0x66: {  	_ =	shalt  }
0x67: {  	_ =	shalt  }
0x68: {  	_ =	shalt  }
0x69: {  	_ =	shalt  }
0x6a: {  	_ =	shalt  }
0x6b: {  	_ =	shalt  }
0x6c: {  	_ =	shalt  }
0x6d: {  	_ =	shalt  }
0x6e: {  	_ =	shalt  }
0x6f: {  	_ =	shalt  }
0x70: {  	_ =	shalt  }
0x71: {  	_ =	shalt  }
0x72: {  	_ =	shalt  }
0x73: {  	_ =	shalt  }
0x74: {  	_ =	shalt  }
0x75: {  	_ =	shalt  }
0x76: {  	_ =	shalt  }
0x77: {  	_ =	shalt  }
0x78: {  	_ =	shalt  }
0x79: {  	_ =	shalt  }
0x7a: {  	_ =	shalt  }
0x7b: {  	_ =	shalt  }
0x7c: {  	_ =	shalt  }
0x7d: {  	_ =	shalt  }
0x7e: {  	_ =	shalt  }
0x7f: {  	_ =	shalt  }
0x80: {  	_ =	shalt  }
0x81: {  	_ =	shalt  }
0x82: {  	_ =	shalt  }
0x83: {  	_ =	shalt  }
0x84: {  	_ =	shalt  }
0x85: {  	_ =	shalt  }
0x86: {  	_ =	shalt  }
0x87: {  	_ =	shalt  }
.Lfunc_end0:
.L_simem_size_0:
called_computation_lowered:
.L_overlay_start_0:
0x88: {  	s2 =	sld [smem:$0x3FD9]  }
0x89: {  	s3 =	sld [smem:$0x3FFE];
	_ =	sdelay $0x1  }
0x8a: {  	s1 =	srdreg.scid  }
0x8b: {  	s0 =	sand.u32 $0x1, s1  }
0x8c: {  	s17 =	sshll.u32 s0, $0xA;
	s2 =	sadd.s32 s3, s2  }
0x8d: {  	s2 =	sadd.s32 s2, s17  }
0x8e: {  	[smem:$0x3FC4] =	sst s2  }
0x8f: {  	_ = 	snop  }
0x90: {  	s2 =	sld [smem:$0x3FC9]  }
0x91: {  	s18 =	sld [smem:$0x3FC8]  }
0x92: {  	s4 =	sld [smem:$0x3FD0];
	(tm) =	ssettm $0x1  }
0x93: {  	s5 =	sld [smem:$0x3FFB];
	_ =	sdelay $0x3  }
0x94: {  	_ =	strace s5  }
0x95: {  	s5 =	sld [smem:$0x3FFC];
	_ =	sdelay $0x3  }
0x96: {  	_ =	strace s5  }
0x97: {  	s5 =	sld [smem:$0x3FFD];
	_ =	sdelay $0x3  }
0x98: {  	_ =	strace s5  }
0x99: {  	_ =	strace $0x8FFFFFFF  }
0x9a: {  	s19 =	sld [smem:$0x3FDB];
	_ =	sdelay $0x1  }
0x9b: {  	s6 =	simm.s32 $_scs_section_size  }
0x9c: {  	s7 =	simm.s32 $_size__tile_overlayer_lowered;
	s8 =	simm.s32 $_tile_overlayer_lowered  }
0x9d: {  	s22 =	simm.s32 $0x1BFF;
	s21 =	sshll.u32 s8, $0x1;
	s5 =	sadd.s32 s6, s19  }
0x9e: {  	s9 =	simm.s32 $0x0;
	s20 =	sshll.u32 s7, $0x1;
	s7 =	sadd.s32 s21, s5  }
0x9f: {  	[timem:s9], [sflag:s22] =	dma.local [hbm:s7], s20  }
0xa0: {  	_ =	swait.ge [sflag:s22], s20  }
0xa1: {  	s6 =	ssub.s32 $0x0, s20;
	[sflag:s22] =	ssyncset.done $0x0  }
0xa2: {  	[sflag:s22] =	ssyncadd.s32 s6;
	_ =	sdelay $0x1  }
0xa3: {  	s23 =	simm.s32 $0x1B8B  }
0xa4: {  	_ =	swait.ge [sflag:s23], $0x1  }
0xa5: {  	[sflag:s23] =	ssyncset.done $0x0  }
0xa6: {  	s25 =	simm.s32 $0x1B8E;
	s24 =	sld [smem:$0x3FFE];
	[sflag:s23] =	ssyncadd.s32 $0xFFFFFFFF  }
0xa7: {  	s26 =	simm.s32 $execute0_lowered;
	[smem:$0x3FD2] =	sst s25  }
0xa8: {  	s7 =	sshll.u32 s26, $0x1;
	_ =	strace $0x80000046;
	[dreg:$0x1] =	wrdreg $0xFFFFFFFF  }
0xa9: {  	s28 =	simm.s32 $_size_execute0_lowered;
	s5 =	sadd.s32 s5, s7;
	[dreg:$0x0] =	wrdreg $0x0  }
0xaa: {  	s7 =	sshll.u32 s28, $0x1;
	[dreg:$0x2] =	wrdreg s5  }
0xab: {  	[dreg:$0x3] =	wrdreg s7  }
0xac: {  	[dreg:$0x4] =	wrdreg $0xC0  }
0xad: {  	_ =	task [dreg:s9], $0x5FFFF  }
0xae: {  	[dreg:$0x1] =	wrdreg $0xFFFFFFFF  }
0xaf: {  	[dreg:$0x0] =	wrdreg $0x60  }
0xb0: {  	[dreg:$0x2] =	wrdreg s2  }
0xb1: {  	[dreg:$0x3] =	wrdreg s18  }
0xb2: {  	[dreg:$0x4] =	wrdreg s24  }
0xb3: {  	[dreg:$0x5] =	wrdreg s4  }
0xb4: {  	[dreg:$0x6] =	wrdreg $0x9  }
0xb5: {  	_ =	task.clear_ibuf [dreg:s9], $0x7FFFF;
	_ =	strace $0x90000046  }
0xb6: {  	s29 =	simm.s32 $0x9;
	_ =	strace $0x80000048  }
0xb7: {  	_ =	swait.ge [sflag:s29], $0x1  }
0xb8: {  	[sflag:s29] =	ssyncadd.s32 $0xFFFFFFFF  }
0xb9: {  	_ =	strace $0x90000048  }
0xba: {  	_ =	sfence  }
0xbb: {  	s30 =	sld [smem:$0x0];
	_ =	sdelay $0x2  }
0xbc: {  	s31 =	sshll.u32 s1, $0xD;
	s1 =	sshrl.u32 s1, $0x2  }
0xbd: {  	s3 =	sand.u32 $0x4000, s31;
	s1 =	sadd.s32 s1, s30  }
0xbe: {  	s0 =	sor.u32 s3, s0;
	s1 =	sshll.u32 s1, $0x11  }
0xbf: {  	s0 =	sor.u32 s1, s0  }
0xc0: {  	s0 =	sadd.s32 $0x8F2B, s0  }
0xc1: {  	[sflag:s0] =	ssyncadd.remote.s32 $0x1  }
0xc2: {  	_ =	sfence.sel $0xFFFF  }
0xc3: {  	[dreg:$0x0] =	wrdreg $0xFFFFFFFF;
	(pc) =	sbr.abs _section_cstart, $3  }
0xc4: {  	[dreg:$0x1] =	wrdreg $0xFFFFFFFF  }
0xc5: {  	_ =	task.clear_ibuf [dreg:s9], $0x2FFFF;
	_ =	strace $0x9FFFFFFF  }
0xc6: {  	(tm) =	ssettm $0x7FFFFFFF  }
0xc7: {  	_ =	shalt  }
tec
execute0_lowered:
.L_overlay_start_1:
0x0: {  	(tag) =	ssettag $0x1  }
0x1: {  	s0 =	rddreg [dreg:$0x0]  }
0x2: {  	s1 =	rddreg [dreg:$0x1]  }
0x3: {  	s4 =	rddreg [dreg:$0x2]  }
0x4: {  	s7 =	rddreg [dreg:$0x3]  }
0x5: {  	s2 =	simm.s32 $0x0;
	s3 =	srdreg.scid;
	s6 =	stileid.u32  }
0x6: {  	s11 =	simm.s32 $0x400;
	s12 =	simm.s32 $0x8400;
	s10 =	simm.s32 $0x3000  }
0x7: {  	s13 =	simm.s32 $0xB000;
	s14 =	simm.s32 $0x3400;
	s15 =	simm.s32 $0xB400  }
0x8: {  	s16 =	simm.s32 $0x3800;
	s17 =	simm.s32 $0xB800;
	s18 =	simm.s32 $0x3C00  }
0x9: {  	s19 =	simm.s32 $0xBC00;
	s20 =	simm.s32 $0xC000;
	s21 =	simm.s32 $0x1  }
0xa: {  	s22 =	simm.s32 $0x10400;
	s23 =	simm.s32 $0x0;
	[smem:$0x7FF] =	sst s2  }
0xb: {  	vm0 =	vmmov $0x1;
	vm1 =	vcmask $0x308;
	vm2 =	vcmask $0x70C;
	s3 =	sand.u32 $0x1, s3;
	s6 =	sshll.u32 s6, $0x7;
	_ =	strace $0x80000047  }
.Ltmp0:
0xc: {  	vm3 =	vcmask $0xB10;
	vm4 =	vcmask $0xF14;
	vm5 =	vcmask $0x1318;
	s5 =	ssub.s32 $0x2, s3;
	s8 =	sshll.u32 s3, $0x6;
	(pc) =	sbr.rel .LBB2_1-.Ltmp0, $4  }
0xd: {  	vm6 =	vcmask $0x171C;
	vm7 =	vcmask $0x1B20;
	vm8 =	vcmask $0x1F24;
	s3 =	sadd.s32 $0x400, s4;
	s9 =	sshrl.u32 s5, $0x1;
	s8 =	sor.u32 s8, s6  }
0xe: {  	vm9 =	vcmask $0x2328;
	vm10 =	vcmask $0x272C;
	vm11 =	vcmask $0x2B30;
	s4 =	sadd.s32 $0x186E00, s4;
	s9 =	ssub.s32 s5, s9;
	s5 =	sadd.s32 s0, s8  }
0xf: {  	vm12 =	vcmask $0x2F34;
	vm13 =	vcmask $0x3338;
	v0 =	vlaneseq.u32;
	s6 =	sadd.s32 s1, s8;
	s7 =	sadd.s32 s7, s8;
	s0 =	simm.s32 $0x2C00  }
0x10: {  	vm14 =	vcmask $0x373C;
	vm15 =	vmmov $0x7fff;
	v0 =	vmul.u32 $0x8, v0;
	s1 =	simm.s32 $0xAC00;
	s8 =	smax.u32 s9, $0x1;
	s9 =	simm.s32 $0x2  }
.LBB2_5:
0x11: {  	s23 =	sadd.s32 $0x1, s23  }
0x12: {  	p0 =	sne.s32 s23, s8  }
.Ltmp1:
0x13: {  	_ = 	snop;
	(pc) =	sbr.rel @!p0 .LBB2_6-.Ltmp1, $4  }
0x14: {  	[hbm4b:s7+s2] =	stream.linear.scatter [tilespmem:s22], [sflag:$0x2], $0x200, $0x38;
	[tilespmem:$0x10600] =	vst v63  }
0x15: {  	_ =	swait.ge [sflag:s9], $0x200  }
0x16: {  	[sflag:s9] =	ssyncset.done $0x0  }
0x17: {  	[sflag:s9] =	ssyncadd.s32 $0xFFFFFE00  }
.LBB2_1:
0x18: {  	[tilespmem:s2], [sflag:$0x2] =	stream.linear.gather [hbm4b:s5+s2], $0x200, $0x38;
	[tilespmem:$0x10600] =	vst v63  }
0x19: {  	_ =	swait.ge [sflag:s9], $0x200  }
0x1a: {  	[sflag:s9] =	ssyncset.done $0x0  }
0x1b: {  	s24 =	simm.s32 $0x200;
	[sflag:s9] =	ssyncadd.s32 $0xFFFFFE00  }
0x1c: {  	[tilespmem:s24], [sflag:$0x2] =	stream.linear.gather [hbm4b:s6+s2], $0x200, $0x38;
	[tilespmem:$0x10600] =	vst v63  }
0x1d: {  	_ =	swait.ge [sflag:s9], $0x200  }
0x1e: {  	[sflag:s9] =	ssyncset.done $0x0  }
0x1f: {  	[sflag:s9] =	ssyncadd.s32 $0xFFFFFE00  }
0x20: {  	v2 =	vld [tilespmem:$0x200]  }
0x21: {  	v1 =	vld [tilespmem:$0x0];
	_ =	sdelay $0x3  }
0x22: {  	v3 =	vnsel vm0, $0x0, v2  }
0x23: {  	v4 =	vnsel vm0, $0x0, v1;
	v3 =	vxor.u32 $0x80000000, v3  }
0x24: {  	(xrf0) =	vmax.scan.msk.u32 $0xffff, v3;
	v3 =	vxor.u32 $0x80000000, v4  }
0x25: {  	(xrf0) =	vmax.scan.msk.u32 $0xffff, v3;
	_ =	sdelay $0x4  }
0x26: {  	v3, _, _ =	vpop (xrf0)  }
0x27: {  	(v2sf) =	vpush v3, $0xF;
	v3, _, _ =	vpop (xrf0)  }
0x28: {  	(v2sf) =	vpush v3, $0xF;
	v3 =	vsel vm1, $0x0, v2  }
0x29: {  	v49 =	vsel vm1, $0x0, v1;
	v3 =	vxor.u32 $0x80000000, v3  }
0x2a: {  	(xrf0) =	vmax.scan.msk.u32 $0xffff, v3;
	v3 =	vxor.u32 $0x80000000, v49  }
0x2b: {  	(xrf0) =	vmax.scan.msk.u32 $0xffff, v3;
	_ =	sdelay $0x4  }
0x2c: {  	v3, _, _ =	vpop (xrf0)  }
0x2d: {  	(v2sf) =	vpush v3, $0xF;
	v3, _, _ =	vpop (xrf0)  }
0x2e: {  	(v2sf) =	vpush v3, $0xF;
	v3 =	vsel vm2, $0x0, v2  }
0x2f: {  	v50 =	vsel vm2, $0x0, v1;
	v3 =	vxor.u32 $0x80000000, v3  }
0x30: {  	(xrf0) =	vmax.scan.msk.u32 $0xffff, v3;
	v3 =	vxor.u32 $0x80000000, v50  }
0x31: {  	(xrf0) =	vmax.scan.msk.u32 $0xffff, v3;
	_ =	sdelay $0x4  }
0x32: {  	v3, _, _ =	vpop (xrf0)  }
0x33: {  	s30 =	spop (v2sf);
	(v2sf) =	vpush v3, $0xF;
	v3, _, _ =	vpop (xrf0)  }
0x34: {  	s25 =	spop (v2sf);
	(v2sf) =	vpush v3, $0xF;
	v3 =	vsel vm3, $0x0, v2  }
0x35: {  	v51 =	vsel vm3, $0x0, v1;
	v3 =	vxor.u32 $0x80000000, v3  }
0x36: {  	(xrf0) =	vmax.scan.msk.u32 $0xffff, v3;
	v3 =	vxor.u32 $0x80000000, v51  }
0x37: {  	(xrf0) =	vmax.scan.msk.u32 $0xffff, v3;
	_ =	sdelay $0x4  }
0x38: {  	v3, _, _ =	vpop (xrf0)  }
0x39: {  	s31 =	spop (v2sf);
	(v2sf) =	vpush v3, $0xF;
	v3, _, _ =	vpop (xrf0)  }
0x3a: {  	s26 =	spop (v2sf);
	(v2sf) =	vpush v3, $0xF;
	v3 =	vsel vm4, $0x0, v2  }
0x3b: {  	v52 =	vsel vm4, $0x0, v1;
	v3 =	vxor.u32 $0x80000000, v3  }
0x3c: {  	(xrf0) =	vmax.scan.msk.u32 $0xffff, v3;
	v3 =	vxor.u32 $0x80000000, v52  }
0x3d: {  	(xrf0) =	vmax.scan.msk.u32 $0xffff, v3;
	_ =	sdelay $0x1  }
0x3e: {  	s25 =	sshll.u32 s25, $0x4  }
0x3f: {  	s25 =	sand.u32 $0x1FFFFF80, s25  }
0x40: {  	s24 =	sshll.u32 s30, $0x4;
	s25 =	sadd.s32 s3, s25  }
0x41: {  	[tilespmem:s11], [sflag:$0x1] =	stream.linear.gather [hbm4b:s25+s2], $0x400, $0x38;
	v3, _, _ =	vpop (xrf0);
	[tilespmem:$0x10600] =	vst v63  }
0x42: {  	s24 =	sand.u32 $0x1FFFFF80, s24;
	s29 =	spop (v2sf);
	(v2sf) =	vpush v3, $0xF;
	v3, _, _ =	vpop (xrf0)  }
0x43: {  	s24 =	sadd.s32 s4, s24;
	s30 =	spop (v2sf);
	(v2sf) =	vpush v3, $0xF;
	v3 =	vsel vm5, $0x0, v2  }
0x44: {  	v53 =	vsel vm5, $0x0, v1;
	[tilespmem:s12], [sflag:$0x1] =	stream.linear.gather [hbm4b:s24+s2], $0x400, $0x38;
	v3 =	vxor.u32 $0x80000000, v3;
	[tilespmem:$0x10600] =	vst v63  }
0x45: {  	(xrf0) =	vmax.scan.msk.u32 $0xffff, v3;
	v3 =	vxor.u32 $0x80000000, v53  }
0x46: {  	s25 =	sshll.u32 s26, $0x4;
	(xrf0) =	vmax.scan.msk.u32 $0xffff, v3  }
0x47: {  	s24 =	sshll.u32 s31, $0x4;
	s25 =	sand.u32 $0x1FFFFF80, s25  }
0x48: {  	s26 =	simm.s32 $0x800;
	s24 =	sand.u32 $0x1FFFFF80, s24;
	s25 =	sadd.s32 s3, s25  }
0x49: {  	[tilespmem:s26], [sflag:$0x1] =	stream.linear.gather [hbm4b:s25+s2], $0x400, $0x38;
	[tilespmem:$0x10600] =	vst v63  }
0x4a: {  	s28 =	simm.s32 $0x8800;
	s24 =	sadd.s32 s4, s24  }
0x4b: {  	[tilespmem:s28], [sflag:$0x1] =	stream.linear.gather [hbm4b:s24+s2], $0x400, $0x38;
	v3, _, _ =	vpop (xrf0);
	[tilespmem:$0x10600] =	vst v63  }
0x4c: {  	s24 =	sshll.u32 s29, $0x4;
	s29 =	spop (v2sf);
	(v2sf) =	vpush v3, $0xF;
	v3, _, _ =	vpop (xrf0)  }
0x4d: {  	s25 =	sshll.u32 s30, $0x4;
	s30 =	spop (v2sf);
	(v2sf) =	vpush v3, $0xF;
	v3 =	vsel vm6, $0x0, v2  }
0x4e: {  	v54 =	vsel vm6, $0x0, v1;
	v3 =	vxor.u32 $0x80000000, v3  }
0x4f: {  	(xrf0) =	vmax.scan.msk.u32 $0xffff, v3;
	v3 =	vxor.u32 $0x80000000, v54  }
0x50: {  	(xrf0) =	vmax.scan.msk.u32 $0xffff, v3  }
0x51: {  	s25 =	sand.u32 $0x1FFFFF80, s25  }
0x52: {  	s31 =	simm.s32 $0xC00;
	s24 =	sand.u32 $0x1FFFFF80, s24;
	s25 =	sadd.s32 s3, s25  }
0x53: {  	[tilespmem:s31], [sflag:$0x1] =	stream.linear.gather [hbm4b:s25+s2], $0x400, $0x38;
	[tilespmem:$0x10600] =	vst v63  }
0x54: {  	s28 =	simm.s32 $0x8C00;
	s24 =	sadd.s32 s4, s24  }
0x55: {  	[tilespmem:s28], [sflag:$0x1] =	stream.linear.gather [hbm4b:s24+s2], $0x400, $0x38;
	v3, _, _ =	vpop (xrf0);
	[tilespmem:$0x10600] =	vst v63  }
0x56: {  	s24 =	sshll.u32 s29, $0x4;
	s29 =	spop (v2sf);
	(v2sf) =	vpush v3, $0xF;
	v3, _, _ =	vpop (xrf0)  }
0x57: {  	s25 =	sshll.u32 s30, $0x4;
	s30 =	spop (v2sf);
	(v2sf) =	vpush v3, $0xF;
	v3 =	vsel vm7, $0x0, v2  }
0x58: {  	v55 =	vsel vm7, $0x0, v1;
	v3 =	vxor.u32 $0x80000000, v3  }
0x59: {  	(xrf0) =	vmax.scan.msk.u32 $0xffff, v3;
	v3 =	vxor.u32 $0x80000000, v55  }
0x5a: {  	(xrf0) =	vmax.scan.msk.u32 $0xffff, v3  }
0x5b: {  	s25 =	sand.u32 $0x1FFFFF80, s25  }
0x5c: {  	s31 =	simm.s32 $0x1000;
	s24 =	sand.u32 $0x1FFFFF80, s24;
	s25 =	sadd.s32 s3, s25  }
0x5d: {  	[tilespmem:s31], [sflag:$0x1] =	stream.linear.gather [hbm4b:s25+s2], $0x400, $0x38;
	[tilespmem:$0x10600] =	vst v63  }
0x5e: {  	s28 =	simm.s32 $0x9000;
	s24 =	sadd.s32 s4, s24  }
0x5f: {  	[tilespmem:s28], [sflag:$0x1] =	stream.linear.gather [hbm4b:s24+s2], $0x400, $0x38;
	v3, _, _ =	vpop (xrf0);
	[tilespmem:$0x10600] =	vst v63  }
0x60: {  	s24 =	sshll.u32 s29, $0x4;
	s29 =	spop (v2sf);
	(v2sf) =	vpush v3, $0xF;
	v3, _, _ =	vpop (xrf0)  }
0x61: {  	s25 =	sshll.u32 s30, $0x4;
	s30 =	spop (v2sf);
	(v2sf) =	vpush v3, $0xF;
	v3 =	vsel vm8, $0x0, v2  }
0x62: {  	v56 =	vsel vm8, $0x0, v1;
	v3 =	vxor.u32 $0x80000000, v3  }
0x63: {  	(xrf0) =	vmax.scan.msk.u32 $0xffff, v3;
	v3 =	vxor.u32 $0x80000000, v56  }
0x64: {  	(xrf0) =	vmax.scan.msk.u32 $0xffff, v3  }
0x65: {  	s25 =	sand.u32 $0x1FFFFF80, s25  }
0x66: {  	s31 =	simm.s32 $0x1400;
	s24 =	sand.u32 $0x1FFFFF80, s24;
	s25 =	sadd.s32 s3, s25  }
0x67: {  	[tilespmem:s31], [sflag:$0x1] =	stream.linear.gather [hbm4b:s25+s2], $0x400, $0x38;
	[tilespmem:$0x10600] =	vst v63  }
0x68: {  	s28 =	simm.s32 $0x9400;
	s24 =	sadd.s32 s4, s24  }
0x69: {  	[tilespmem:s28], [sflag:$0x1] =	stream.linear.gather [hbm4b:s24+s2], $0x400, $0x38;
	v3, _, _ =	vpop (xrf0);
	[tilespmem:$0x10600] =	vst v63  }
0x6a: {  	s24 =	sshll.u32 s29, $0x4;
	s29 =	spop (v2sf);
	(v2sf) =	vpush v3, $0xF;
	v3, _, _ =	vpop (xrf0)  }
0x6b: {  	s25 =	sshll.u32 s30, $0x4;
	s30 =	spop (v2sf);
	(v2sf) =	vpush v3, $0xF;
	v3 =	vsel vm9, $0x0, v2  }
0x6c: {  	v57 =	vsel vm9, $0x0, v1;
	v3 =	vxor.u32 $0x80000000, v3  }
0x6d: {  	(xrf0) =	vmax.scan.msk.u32 $0xffff, v3;
	v3 =	vxor.u32 $0x80000000, v57  }
0x6e: {  	(xrf0) =	vmax.scan.msk.u32 $0xffff, v3  }
0x6f: {  	s25 =	sand.u32 $0x1FFFFF80, s25  }
0x70: {  	s31 =	simm.s32 $0x1800;
	s24 =	sand.u32 $0x1FFFFF80, s24;
	s25 =	sadd.s32 s3, s25  }
0x71: {  	[tilespmem:s31], [sflag:$0x1] =	stream.linear.gather [hbm4b:s25+s2], $0x400, $0x38;
	[tilespmem:$0x10600] =	vst v63  }
0x72: {  	s28 =	simm.s32 $0x9800;
	s24 =	sadd.s32 s4, s24  }
0x73: {  	[tilespmem:s28], [sflag:$0x1] =	stream.linear.gather [hbm4b:s24+s2], $0x400, $0x38;
	v3, _, _ =	vpop (xrf0);
	[tilespmem:$0x10600] =	vst v63  }
0x74: {  	s24 =	sshll.u32 s29, $0x4;
	s29 =	spop (v2sf);
	(v2sf) =	vpush v3, $0xF;
	v3, _, _ =	vpop (xrf0)  }
0x75: {  	s25 =	sshll.u32 s30, $0x4;
	s30 =	spop (v2sf);
	(v2sf) =	vpush v3, $0xF;
	v3 =	vsel vm10, $0x0, v2  }
0x76: {  	v58 =	vsel vm10, $0x0, v1;
	v3 =	vxor.u32 $0x80000000, v3  }
0x77: {  	(xrf0) =	vmax.scan.msk.u32 $0xffff, v3;
	v3 =	vxor.u32 $0x80000000, v58  }
0x78: {  	(xrf0) =	vmax.scan.msk.u32 $0xffff, v3  }
0x79: {  	s25 =	sand.u32 $0x1FFFFF80, s25  }
0x7a: {  	s31 =	simm.s32 $0x1C00;
	s24 =	sand.u32 $0x1FFFFF80, s24;
	s25 =	sadd.s32 s3, s25  }
0x7b: {  	[tilespmem:s31], [sflag:$0x1] =	stream.linear.gather [hbm4b:s25+s2], $0x400, $0x38;
	[tilespmem:$0x10600] =	vst v63  }
0x7c: {  	s28 =	simm.s32 $0x9C00;
	s24 =	sadd.s32 s4, s24  }
0x7d: {  	[tilespmem:s28], [sflag:$0x1] =	stream.linear.gather [hbm4b:s24+s2], $0x400, $0x38;
	v3, _, _ =	vpop (xrf0);
	[tilespmem:$0x10600] =	vst v63  }
0x7e: {  	s24 =	sshll.u32 s29, $0x4;
	s29 =	spop (v2sf);
	(v2sf) =	vpush v3, $0xF;
	v3, _, _ =	vpop (xrf0)  }
0x7f: {  	s25 =	sshll.u32 s30, $0x4;
	s30 =	spop (v2sf);
	(v2sf) =	vpush v3, $0xF;
	v3 =	vsel vm11, $0x0, v2  }
0x80: {  	v59 =	vsel vm11, $0x0, v1;
	v3 =	vxor.u32 $0x80000000, v3  }
0x81: {  	(xrf0) =	vmax.scan.msk.u32 $0xffff, v3;
	v3 =	vxor.u32 $0x80000000, v59  }
0x82: {  	s25 =	sand.u32 $0x1FFFFF80, s25;
	(xrf0) =	vmax.scan.msk.u32 $0xffff, v3  }
0x83: {  	s31 =	simm.s32 $0x2000;
	s24 =	sand.u32 $0x1FFFFF80, s24;
	s25 =	sadd.s32 s3, s25  }
0x84: {  	[tilespmem:s31], [sflag:$0x1] =	stream.linear.gather [hbm4b:s25+s2], $0x400, $0x38;
	[tilespmem:$0x10600] =	vst v63  }
0x85: {  	s28 =	simm.s32 $0xA000;
	s24 =	sadd.s32 s4, s24  }
0x86: {  	[tilespmem:s28], [sflag:$0x1] =	stream.linear.gather [hbm4b:s24+s2], $0x400, $0x38;
	[tilespmem:$0x10600] =	vst v63  }
0x87: {  	s25 =	sshll.u32 s30, $0x4;
	v3, _, _ =	vpop (xrf0)  }
0x88: {  	s31 =	simm.s32 $0x2400;
	s25 =	sand.u32 $0x1FFFFF80, s25;
	s28 =	spop (v2sf);
	(v2sf) =	vpush v3, $0xF;
	v3, _, _ =	vpop (xrf0)  }
0x89: {  	s24 =	sshll.u32 s29, $0x4;
	s25 =	sadd.s32 s3, s25;
	s29 =	spop (v2sf);
	(v2sf) =	vpush v3, $0xF;
	v3 =	vsel vm12, $0x0, v2  }
0x8a: {  	v60 =	vsel vm12, $0x0, v1;
	[tilespmem:s31], [sflag:$0x1] =	stream.linear.gather [hbm4b:s25+s2], $0x400, $0x38;
	v3 =	vxor.u32 $0x80000000, v3;
	[tilespmem:$0x10600] =	vst v63  }
0x8b: {  	s24 =	sand.u32 $0x1FFFFF80, s24;
	(xrf0) =	vmax.scan.msk.u32 $0xffff, v3;
	v3 =	vxor.u32 $0x80000000, v60  }
0x8c: {  	s26 =	simm.s32 $0xA400;
	s24 =	sadd.s32 s4, s24;
	(xrf0) =	vmax.scan.msk.u32 $0xffff, v3  }
0x8d: {  	[tilespmem:s26], [sflag:$0x1] =	stream.linear.gather [hbm4b:s24+s2], $0x400, $0x38;
	[tilespmem:$0x10600] =	vst v63  }
0x8e: {  	s25 =	sshll.u32 s29, $0x4  }
0x8f: {  	s25 =	sand.u32 $0x1FFFFF80, s25  }
0x90: {  	s30 =	simm.s32 $0x2800;
	s24 =	sshll.u32 s28, $0x4;
	s25 =	sadd.s32 s3, s25  }
0x91: {  	[tilespmem:s30], [sflag:$0x1] =	stream.linear.gather [hbm4b:s25+s2], $0x400, $0x38;
	v3, _, _ =	vpop (xrf0);
	[tilespmem:$0x10600] =	vst v63  }
0x92: {  	s24 =	sand.u32 $0x1FFFFF80, s24;
	s26 =	spop (v2sf);
	(v2sf) =	vpush v3, $0xF;
	v3, _, _ =	vpop (xrf0)  }
0x93: {  	s31 =	simm.s32 $0xA800;
	s24 =	sadd.s32 s4, s24;
	s28 =	spop (v2sf);
	(v2sf) =	vpush v3, $0xF;
	v3 =	vsel vm13, $0x0, v2  }
0x94: {  	v61 =	vsel vm13, $0x0, v1;
	[tilespmem:s31], [sflag:$0x1] =	stream.linear.gather [hbm4b:s24+s2], $0x400, $0x38;
	v3 =	vxor.u32 $0x80000000, v3;
	[tilespmem:$0x10600] =	vst v63  }
0x95: {  	s25 =	sshll.u32 s28, $0x4;
	(xrf0) =	vmax.scan.msk.u32 $0xffff, v3;
	v3 =	vxor.u32 $0x80000000, v61  }
0x96: {  	s24 =	sshll.u32 s26, $0x4;
	s25 =	sand.u32 $0x1FFFFF80, s25;
	(xrf0) =	vmax.scan.msk.u32 $0xffff, v3  }
0x97: {  	s24 =	sand.u32 $0x1FFFFF80, s24;
	s25 =	sadd.s32 s3, s25  }
0x98: {  	[tilespmem:s0], [sflag:$0x1] =	stream.linear.gather [hbm4b:s25+s2], $0x400, $0x38;
	v3 =	vsel vm14, $0x0, v2;
	[tilespmem:$0x10600] =	vst v63  }
0x99: {  	s24 =	sadd.s32 s4, s24;
	v3 =	vxor.u32 $0x80000000, v3  }
0x9a: {  	v5 =	vsel vm14, $0x0, v1;
	[tilespmem:s1], [sflag:$0x1] =	stream.linear.gather [hbm4b:s24+s2], $0x400, $0x38;
	[tilespmem:$0x10600] =	vst v63  }
0x9b: {  	v63 =	vxor.u32 $0x80000000, v5;
	v62, _, _ =	vpop (xrf0);
	(xrf0) =	vmax.scan.msk.u32 $0xffff, v3  }
0x9c: {  	s29 =	spop (v2sf);
	(v2sf) =	vpush v62, $0xF;
	v3, _, _ =	vpop (xrf0);
	(xrf0) =	vmax.scan.msk.u32 $0xffff, v63  }
0x9d: {  	s30 =	spop (v2sf);
	(v2sf) =	vpush v3, $0xF  }
0x9e: {  	s25 =	sshll.u32 s30, $0x4  }
0x9f: {  	s25 =	sand.u32 $0x1FFFFF80, s25  }
0xa0: {  	s24 =	sshll.u32 s29, $0x4;
	s25 =	sadd.s32 s3, s25  }
0xa1: {  	[tilespmem:s10], [sflag:$0x1] =	stream.linear.gather [hbm4b:s25+s2], $0x400, $0x38;
	v3, _, _ =	vpop (xrf0);
	[tilespmem:$0x10600] =	vst v63  }
0xa2: {  	s24 =	sand.u32 $0x1FFFFF80, s24;
	s31 =	spop (v2sf);
	(v2sf) =	vpush v3, $0xF;
	v3, _, _ =	vpop (xrf0)  }
0xa3: {  	v2 =	vsel vm15, $0x0, v2;
	s24 =	sadd.s32 s4, s24;
	s26 =	spop (v2sf);
	(v2sf) =	vpush v3, $0xF  }
0xa4: {  	v1 =	vsel vm15, $0x0, v1;
	v2 =	vxor.u32 $0x80000000, v2;
	[tilespmem:s13], [sflag:$0x1] =	stream.linear.gather [hbm4b:s24+s2], $0x400, $0x38;
	[tilespmem:$0x10600] =	vst v63  }
0xa5: {  	v1 =	vxor.u32 $0x80000000, v1;
	(xrf0) =	vmax.scan.msk.u32 $0xffff, v2;
	s25 =	sshll.u32 s26, $0x4  }
0xa6: {  	s24 =	sshll.u32 s31, $0x4;
	(xrf0) =	vmax.scan.msk.u32 $0xffff, v1;
	s25 =	sand.u32 $0x1FFFFF80, s25  }
0xa7: {  	s24 =	sand.u32 $0x1FFFFF80, s24;
	s25 =	sadd.s32 s3, s25  }
0xa8: {  	[tilespmem:s14], [sflag:$0x1] =	stream.linear.gather [hbm4b:s25+s2], $0x400, $0x38;
	[tilespmem:$0x10600] =	vst v63  }
0xa9: {  	s24 =	sadd.s32 s4, s24  }
0xaa: {  	[tilespmem:s15], [sflag:$0x1] =	stream.linear.gather [hbm4b:s24+s2], $0x400, $0x38;
	[tilespmem:$0x10600] =	vst v63  }
0xab: {  	v1, _, _ =	vpop (xrf0);
	s28 =	spop (v2sf)  }
0xac: {  	(v2sf) =	vpush v1, $0xF;
	v1, _, _ =	vpop (xrf0);
	s29 =	spop (v2sf)  }
0xad: {  	(v2sf) =	vpush v1, $0xF;
	s25 =	sshll.u32 s29, $0x4  }
0xae: {  	s25 =	sand.u32 $0x1FFFFF80, s25  }
0xaf: {  	s24 =	sshll.u32 s28, $0x4;
	s25 =	sadd.s32 s3, s25  }
0xb0: {  	[tilespmem:s16], [sflag:$0x1] =	stream.linear.gather [hbm4b:s25+s2], $0x400, $0x38;
	[tilespmem:$0x10600] =	vst v63  }
0xb1: {  	s24 =	sand.u32 $0x1FFFFF80, s24;
	s30 =	spop (v2sf)  }
0xb2: {  	s24 =	sadd.s32 s4, s24;
	s31 =	spop (v2sf)  }
0xb3: {  	[tilespmem:s17], [sflag:$0x1] =	stream.linear.gather [hbm4b:s24+s2], $0x400, $0x38;
	[tilespmem:$0x10600] =	vst v63  }
0xb4: {  	s26 =	sshll.u32 s31, $0x4  }
0xb5: {  	s24 =	sand.u32 $0x1FFFFF80, s26  }
0xb6: {  	s28 =	sshll.u32 s30, $0x4;
	s24 =	sadd.s32 s3, s24  }
0xb7: {  	[tilespmem:s18], [sflag:$0x1] =	stream.linear.gather [hbm4b:s24+s2], $0x400, $0x38;
	[tilespmem:$0x10600] =	vst v63  }
0xb8: {  	s24 =	sand.u32 $0x1FFFFF80, s28  }
0xb9: {  	s24 =	sadd.s32 s4, s24  }
0xba: {  	[tilespmem:s19], [sflag:$0x1] =	stream.linear.gather [hbm4b:s24+s2], $0x400, $0x38;
	[tilespmem:$0x10600] =	vst v63  }
0xbb: {  	s29 =	spop (v2sf)  }
0xbc: {  	s30 =	spop (v2sf)  }
0xbd: {  	s25 =	sshll.u32 s29, $0x4;
	s24 =	sshll.u32 s30, $0x4  }
0xbe: {  	s25 =	sand.u32 $0x1FFFFF80, s25;
	s24 =	sand.u32 $0x1FFFFF80, s24  }
.Ltmp2:
0xbf: {  	s31 =	sadd.s32 s3, s24;
	s24 =	simm.s32 $0x4000;
	(pc) =	sbr.rel .LBB2_2-.Ltmp2, $4  }
0xc0: {  	[tilespmem:s24], [sflag:$0x1] =	stream.linear.gather [hbm4b:s31+s2], $0x400, $0x38;
	[tilespmem:$0x10600] =	vst v63  }
0xc1: {  	s25 =	sadd.s32 s4, s25  }
0xc2: {  	[tilespmem:s20], [sflag:$0x1] =	stream.linear.gather [hbm4b:s25+s2], $0x400, $0x38;
	[tilespmem:$0x10600] =	vst v63  }
0xc3: {  	s26 =	simm.s32 $0x0;
	s25 =	simm.s32 $0x0  }
.LBB2_4:
0xc4: {  	_ =	swait.ge [sflag:s21], $0x4000  }
0xc5: {  	[sflag:s21] =	ssyncset.done $0x0  }
0xc6: {  	[sflag:s21] =	ssyncadd.s32 $0xFFFFC000  }
0xc7: {  	_ =	swait.ge [sflag:s21], $0x4000  }
0xc8: {  	[sflag:s21] =	ssyncset.done $0x0  }
0xc9: {  	s28 =	sshra.s32 s25, $0x2;
	[sflag:s21] =	ssyncadd.s32 $0xFFFFC000  }
0xca: {  	v1 =	vld [tilespmem:s28+$0x0]  }
0xcb: {  	v2 =	vld [tilespmem:s28+$0x200];
	_ =	sdelay $0x2  }
0xcc: {  	s29 =	sand.u32 $0x80, s26  }
0xcd: {  	v3 =	vor.u32 s29, v0;
	v1 =	vand.u32 $0x7, v1  }
0xce: {  	v4 =	vand.u32 $0x7, v2;
	v1 =	vor.u32 v3, v1  }
0xcf: {  	v2 =	vshll.u32 v1, $0x7;
	v1 =	vor.u32 v3, v4  }
0xd0: {  	v1 =	vshll.u32 v1, $0x7  }
0xd1: {  	v3 =	vor.u32 $0x1, v2  }
0xd2: {  	v5 =	vor.u32 $0x2, v2  }
0xd3: {  	v9 =	vor.u32 $0x3, v2  }
0xd4: {  	v12 =	vor.u32 $0x4, v2;
	v6 =	vld.idx.msk [tilespmem:v2+s11+$0x0], $0xffff  }
0xd5: {  	v31 =	vor.u32 $0x8, v2;
	v8 =	vld.idx.msk [tilespmem:v1+s12+$0x0], $0xffff  }
0xd6: {  	v36 =	vor.u32 $0x9, v2;
	v3 =	vld.idx.msk [tilespmem:v3+s11+$0x0], $0xffff  }
0xd7: {  	v59 =	vor.u32 $0x1, v1;
	v5 =	vld.idx.msk [tilespmem:v5+s11+$0x0], $0xffff  }
0xd8: {  	v15 =	vor.u32 $0x5, v2;
	v20 =	vor.u32 $0x6, v2;
	v27 =	vor.u32 $0x7, v2;
	v9 =	vld.idx.msk [tilespmem:v9+s11+$0x0], $0xffff  }
0xd9: {  	v41 =	vor.u32 $0xA, v2;
	v45 =	vor.u32 $0xB, v2;
	v7 =	vor.u32 $0x2, v1;
	v61 =	vld.idx.msk [tilespmem:v12+s11+$0x0], $0xffff  }
0xda: {  	v50 =	vor.u32 $0xC, v2;
	v55 =	vor.u32 $0xD, v2;
	v18 =	vor.u32 $0x11, v2;
	v39 =	vld.idx.msk [tilespmem:v31+s11+$0x0], $0xffff  }
0xdb: {  	v10 =	vor.u32 $0x3, v1;
	v13 =	vor.u32 $0x4, v1;
	v16 =	vor.u32 $0x5, v1;
	v43 =	vld.idx.msk [tilespmem:v36+s11+$0x0], $0xffff  }
0xdc: {  	v22 =	vor.u32 $0x6, v1;
	v29 =	vor.u32 $0x7, v1;
	v33 =	vor.u32 $0x8, v1;
	v4 =	vld.idx.msk [tilespmem:v59+s12+$0x0], $0xffff  }
0xdd: {  	v38 =	vor.u32 $0x9, v1;
	v42 =	vor.u32 $0xA, v1;
	v46 =	vor.u32 $0xB, v1;
	v24 =	vld.idx.msk [tilespmem:v15+s11+$0x0], $0xffff  }
0xde: {  	v52 =	vor.u32 $0xC, v1;
	v57 =	vor.u32 $0xD, v1;
	v7 =	vld.idx.msk [tilespmem:v7+s12+$0x0], $0xffff;
	v11 =	vmul.f32 v8, v6  }
0xdf: {  	v17 =	vor.u32 $0xF, v1;
	v12 =	vld.idx.msk [tilespmem:v20+s11+$0x0], $0xffff;
	v6 =	vmul.f32 v6, v6;
	v8 =	vmul.f32 v8, v8  }
0xe0: {  	v19 =	vor.u32 $0x11, v1;
	v10 =	vld.idx.msk [tilespmem:v10+s12+$0x0], $0xffff;
	v23 =	vmul.f32 v9, v9;
	v48 =	vmul.f32 v39, v39  }
0xe1: {  	v31 =	vor.u32 $0x10, v2;
	v63 =	vld.idx.msk [tilespmem:v13+s12+$0x0], $0xffff;
	v53 =	vmul.f32 v43, v43;
	v14 =	vmul.f32 v4, v3  }
0xe2: {  	v20 =	vor.u32 $0x12, v2;
	v26 =	vld.idx.msk [tilespmem:v16+s12+$0x0], $0xffff;
	v3 =	vmul.f32 v3, v3;
	v4 =	vmul.f32 v4, v4  }
0xe3: {  	v59 =	vor.u32 $0xE, v2;
	v60 =	vmul.f32 v7, v5;
	v5 =	vmul.f32 v5, v5  }
0xe4: {  	v32 =	vld.idx.msk [tilespmem:v22+s12+$0x0], $0xffff;
	v7 =	vmul.f32 v7, v7;
	v3 =	vadd.f32 v3, v6;
	v4 =	vadd.f32 v4, v8  }
0xe5: {  	v13 =	vld.idx.msk [tilespmem:v27+s11+$0x0], $0xffff;
	v22 =	vor.u32 $0x13, v2;
	v21 =	vmul.f32 v10, v9;
	v28 =	vmul.f32 v10, v10  }
0xe6: {  	v37 =	vld.idx.msk [tilespmem:v29+s12+$0x0], $0xffff;
	v30 =	vmul.f32 v63, v61;
	v3 =	vadd.f32 v5, v3;
	v4 =	vadd.f32 v7, v4  }
0xe7: {  	v27 =	vor.u32 $0x15, v1;
	v34 =	vmul.f32 v63, v63;
	v35 =	vmul.f32 v26, v24  }
0xe8: {  	v17 =	vld.idx.msk [tilespmem:v17+s12+$0x0], $0xffff;
	v6 =	vmul.f32 v61, v61;
	v3 =	vadd.f32 v23, v3;
	v4 =	vadd.f32 v28, v4  }
0xe9: {  	v9 =	vmul.f32 v24, v24;
	v40 =	vmul.f32 v32, v12;
	v11 =	vadd.f32 $0.0e+00, v11  }
0xea: {  	v54 =	vld.idx.msk [tilespmem:v46+s12+$0x0], $0xffff;
	v8 =	vmul.f32 v26, v26;
	v3 =	vadd.f32 v6, v3;
	v4 =	vadd.f32 v34, v4  }
0xeb: {  	v12 =	vmul.f32 v12, v12;
	v44 =	vmul.f32 v37, v13;
	v11 =	vadd.f32 v14, v11;
	v14 =	vld.idx.msk [tilespmem:v33+s12+$0x0], $0xffff  }
0xec: {  	v10 =	vld.idx.msk [tilespmem:v38+s12+$0x0], $0xffff;
	v5 =	vmul.f32 v32, v32;
	v3 =	vadd.f32 v9, v3;
	v4 =	vadd.f32 v8, v4  }
0xed: {  	v16 =	vld.idx.msk [tilespmem:v41+s11+$0x0], $0xffff;
	v13 =	vmul.f32 v13, v13;
	v24 =	vor.u32 $0x14, v2;
	v41 =	vmul.f32 v17, v17  }
0xee: {  	v6 =	vmul.f32 v37, v37;
	v3 =	vadd.f32 v12, v3;
	v4 =	vadd.f32 v5, v4  }
0xef: {  	v61 =	vor.u32 $0xE, v1;
	v33 =	vor.u32 $0x10, v1;
	v62 =	vadd.f32 v60, v11;
	v8 =	vld.idx.msk [tilespmem:v42+s12+$0x0], $0xffff  }
0xf0: {  	v49 =	vmul.f32 v14, v14;
	v3 =	vadd.f32 v13, v3;
	v4 =	vadd.f32 v6, v4  }
0xf1: {  	v32 =	vmul.f32 v54, v54;
	v51 =	vmul.f32 v10, v43;
	v25 =	vadd.f32 v21, v62;
	v12 =	vld.idx.msk [tilespmem:v45+s11+$0x0], $0xffff  }
0xf2: {  	v63 =	vld.idx.msk [tilespmem:v52+s12+$0x0], $0xffff;
	v56 =	vmul.f32 v10, v10;
	v3 =	vadd.f32 v48, v3;
	v4 =	vadd.f32 v49, v4  }
0xf3: {  	v60 =	vmul.f32 v16, v16;
	v28 =	vor.u32 $0xF, v2;
	v7 =	vadd.f32 v30, v25;
	v9 =	vld.idx.msk [tilespmem:v50+s11+$0x0], $0xffff  }
0xf4: {  	v10 =	vld.idx.msk [tilespmem:v57+s12+$0x0], $0xffff;
	v62 =	vmul.f32 v8, v8;
	v3 =	vadd.f32 v53, v3;
	v4 =	vadd.f32 v56, v4  }
0xf5: {  	v23 =	vor.u32 $0x13, v1;
	v47 =	vmul.f32 v14, v39;
	v14 =	vld.idx.msk [tilespmem:v55+s11+$0x0], $0xffff;
	v7 =	vadd.f32 v35, v7  }
0xf6: {  	v11 =	vld.idx.msk [tilespmem:v59+s11+$0x0], $0xffff;
	v30 =	vmul.f32 v12, v12;
	v3 =	vadd.f32 v60, v3;
	v4 =	vadd.f32 v62, v4  }
0xf7: {  	v35 =	vmul.f32 v63, v63;
	v7 =	vadd.f32 v40, v7;
	v58 =	vmul.f32 v8, v16;
	v16 =	vld.idx.msk [tilespmem:v61+s12+$0x0], $0xffff  }
0xf8: {  	v19 =	vld.idx.msk [tilespmem:v19+s12+$0x0], $0xffff;
	v34 =	vmul.f32 v9, v9;
	v3 =	vadd.f32 v30, v3;
	v4 =	vadd.f32 v32, v4  }
0xf9: {  	v21 =	vor.u32 $0x12, v1;
	v37 =	vmul.f32 v10, v10;
	v13 =	vld.idx.msk [tilespmem:v28+s11+$0x0], $0xffff;
	v5 =	vadd.f32 v44, v7  }
0xfa: {  	v15 =	vld.idx.msk [tilespmem:v33+s12+$0x0], $0xffff;
	v36 =	vmul.f32 v14, v14;
	v3 =	vadd.f32 v34, v3;
	v4 =	vadd.f32 v35, v4  }
0xfb: {  	v38 =	vmul.f32 v11, v11;
	v5 =	vadd.f32 v47, v5;
	v29 =	vmul.f32 v54, v12;
	v12 =	vld.idx.msk [tilespmem:v31+s11+$0x0], $0xffff  }
0xfc: {  	v18 =	vld.idx.msk [tilespmem:v18+s11+$0x0], $0xffff;
	v39 =	vmul.f32 v16, v16;
	v3 =	vadd.f32 v36, v3;
	v4 =	vadd.f32 v37, v4  }
0xfd: {  	v20 =	vld.idx.msk [tilespmem:v20+s11+$0x0], $0xffff;
	v26 =	vor.u32 $0x15, v2;
	v25 =	vor.u32 $0x14, v1;
	v5 =	vadd.f32 v51, v5  }
0xfe: {  	v21 =	vld.idx.msk [tilespmem:v21+s12+$0x0], $0xffff;
	v40 =	vmul.f32 v13, v13;
	v3 =	vadd.f32 v38, v3;
	v4 =	vadd.f32 v39, v4  }
0xff: {  	v22 =	vld.idx.msk [tilespmem:v22+s11+$0x0], $0xffff;
	v45 =	vmul.f32 v19, v19;
	v43 =	vmul.f32 v15, v15;
	v5 =	vadd.f32 v58, v5  }
0x100: {  	v23 =	vld.idx.msk [tilespmem:v23+s12+$0x0], $0xffff;
	v42 =	vmul.f32 v12, v12;
	v3 =	vadd.f32 v40, v3;
	v4 =	vadd.f32 v41, v4  }
0x101: {  	v24 =	vld.idx.msk [tilespmem:v24+s11+$0x0], $0xffff;
	v28 =	vor.u32 $0x16, v2;
	v44 =	vmul.f32 v18, v18;
	v5 =	vadd.f32 v29, v5  }
0x102: {  	v25 =	vld.idx.msk [tilespmem:v25+s12+$0x0], $0xffff;
	v29 =	vor.u32 $0x16, v1;
	v3 =	vadd.f32 v42, v3;
	v4 =	vadd.f32 v43, v4  }
0x103: {  	v27 =	vld.idx.msk [tilespmem:v27+s12+$0x0], $0xffff;
	v46 =	vmul.f32 v20, v20;
	v47 =	vmul.f32 v21, v21;
	v31 =	vor.u32 $0x17, v1  }
0x104: {  	v26 =	vld.idx.msk [tilespmem:v26+s11+$0x0], $0xffff;
	v30 =	vor.u32 $0x17, v2;
	v3 =	vadd.f32 v44, v3;
	v4 =	vadd.f32 v45, v4  }
0x105: {  	v33 =	vor.u32 $0x18, v1;
	v48 =	vmul.f32 v22, v22;
	v49 =	vmul.f32 v23, v23  }
0x106: {  	v28 =	vld.idx.msk [tilespmem:v28+s11+$0x0], $0xffff;
	v32 =	vor.u32 $0x18, v2;
	v3 =	vadd.f32 v46, v3;
	v4 =	vadd.f32 v47, v4  }
0x107: {  	v50 =	vmul.f32 v24, v24;
	v51 =	vmul.f32 v25, v25;
	v34 =	vor.u32 $0x19, v2;
	v29 =	vld.idx.msk [tilespmem:v29+s12+$0x0], $0xffff  }
0x108: {  	v31 =	vld.idx.msk [tilespmem:v31+s12+$0x0], $0xffff;
	v35 =	vor.u32 $0x19, v1;
	v3 =	vadd.f32 v48, v3;
	v4 =	vadd.f32 v49, v4  }
0x109: {  	v52 =	vmul.f32 v26, v26;
	v53 =	vmul.f32 v27, v27;
	v36 =	vor.u32 $0x1A, v2;
	v30 =	vld.idx.msk [tilespmem:v30+s11+$0x0], $0xffff  }
0x10a: {  	v33 =	vld.idx.msk [tilespmem:v33+s12+$0x0], $0xffff;
	v37 =	vor.u32 $0x1A, v1;
	v3 =	vadd.f32 v50, v3;
	v4 =	vadd.f32 v51, v4  }
0x10b: {  	v54 =	vmul.f32 v28, v28;
	v32 =	vld.idx.msk [tilespmem:v32+s11+$0x0], $0xffff;
	v38 =	vor.u32 $0x1B, v2;
	v39 =	vor.u32 $0x1B, v1  }
0x10c: {  	v34 =	vld.idx.msk [tilespmem:v34+s11+$0x0], $0xffff;
	v55 =	vmul.f32 v29, v29;
	v3 =	vadd.f32 v52, v3;
	v4 =	vadd.f32 v53, v4  }
0x10d: {  	v57 =	vmul.f32 v31, v31;
	v35 =	vld.idx.msk [tilespmem:v35+s12+$0x0], $0xffff;
	v40 =	vor.u32 $0x1C, v2;
	v41 =	vor.u32 $0x1C, v1  }
0x10e: {  	v36 =	vld.idx.msk [tilespmem:v36+s11+$0x0], $0xffff;
	v56 =	vmul.f32 v30, v30;
	v3 =	vadd.f32 v54, v3;
	v4 =	vadd.f32 v55, v4  }
0x10f: {  	v59 =	vmul.f32 v33, v33;
	v2 =	vor.u32 $0x1D, v2;
	v1 =	vor.u32 $0x1D, v1;
	v37 =	vld.idx.msk [tilespmem:v37+s12+$0x0], $0xffff  }
0x110: {  	v58 =	vmul.f32 v32, v32;
	v38 =	vld.idx.msk [tilespmem:v38+s11+$0x0], $0xffff;
	v3 =	vadd.f32 v56, v3;
	v4 =	vadd.f32 v57, v4  }
0x111: {  	v8 =	vmul.f32 v63, v9;
	v9 =	vld.idx.msk [tilespmem:v39+s12+$0x0], $0xffff;
	v60 =	vmul.f32 v34, v34  }
0x112: {  	v61 =	vmul.f32 v35, v35;
	v39 =	vld.idx.msk [tilespmem:v40+s11+$0x0], $0xffff;
	v3 =	vadd.f32 v58, v3;
	v4 =	vadd.f32 v59, v4  }
0x113: {  	v10 =	vmul.f32 v10, v14;
	v63 =	vld.idx.msk [tilespmem:v41+s12+$0x0], $0xffff;
	v62 =	vmul.f32 v36, v36  }
0x114: {  	v2 =	vld.idx.msk [tilespmem:v2+s11+$0x0], $0xffff;
	v14 =	vmul.f32 v37, v37;
	v3 =	vadd.f32 v60, v3;
	v4 =	vadd.f32 v61, v4  }
0x115: {  	v5 =	vadd.f32 v8, v5;
	v1 =	vld.idx.msk [tilespmem:v1+s12+$0x0], $0xffff;
	v40 =	vmul.f32 v38, v38  }
0x116: {  	v41 =	vmul.f32 v9, v9;
	v3 =	vadd.f32 v62, v3;
	v4 =	vadd.f32 v14, v4  }
0x117: {  	v5 =	vadd.f32 v10, v5;
	v42 =	vmul.f32 v16, v11;
	v43 =	vmul.f32 v39, v39  }
0x118: {  	v44 =	vmul.f32 v63, v63;
	v3 =	vadd.f32 v40, v3;
	v4 =	vadd.f32 v41, v4  }
0x119: {  	v5 =	vadd.f32 v42, v5;
	v45 =	vmul.f32 v17, v13;
	v46 =	vmul.f32 v2, v2  }
0x11a: {  	v47 =	vmul.f32 v1, v1;
	v3 =	vadd.f32 v43, v3;
	v4 =	vadd.f32 v44, v4  }
0x11b: {  	v5 =	vadd.f32 v45, v5  }
0x11c: {  	v48 =	vmul.f32 v15, v12;
	v3 =	vadd.f32 v46, v3;
	v4 =	vadd.f32 v47, v4;
	_ =	sdelay $0x1  }
0x11d: {  	v49 =	vmul.f32 v19, v18;
	v5 =	vadd.f32 v48, v5;
	v3 =	vmul.f32 v4, v3  }
0x11e: {  	v51 =	vmul.f32 v21, v20  }
0x11f: {  	v50 =	vadd.f32 v49, v5;
	v52 =	vshra.s32 v3, $0x1;
	v3 =	vmul.f32 $5.000000000e-01, v3  }
0x120: {  	v6 =	vsub.s32 $0x5F3759DF, v52  }
0x121: {  	v53 =	vmul.f32 v23, v22;
	v4 =	vadd.f32 v51, v50;
	v54 =	vmul.f32 v6, v3;
	_ =	sdelay $0x1  }
0x122: {  	v55 =	vmul.f32 v25, v24;
	v4 =	vadd.f32 v53, v4;
	v7 =	vmul.f32 v6, v54;
	_ =	sdelay $0x1  }
0x123: {  	v56 =	vmul.f32 v27, v26;
	v4 =	vadd.f32 v55, v4;
	v7 =	vsub.f32 $1.500000000e+00, v7;
	_ =	sdelay $0x1  }
0x124: {  	v57 =	vmul.f32 v29, v28;
	v4 =	vadd.f32 v56, v4;
	v6 =	vmul.f32 v6, v7;
	_ =	sdelay $0x1  }
0x125: {  	v58 =	vmul.f32 v31, v30;
	v4 =	vadd.f32 v57, v4;
	v7 =	vmul.f32 v6, v3;
	_ =	sdelay $0x1  }
0x126: {  	v59 =	vmul.f32 v33, v32;
	v4 =	vadd.f32 v58, v4;
	v7 =	vmul.f32 v7, v6;
	_ =	sdelay $0x1  }
0x127: {  	v60 =	vmul.f32 v35, v34;
	v4 =	vadd.f32 v59, v4;
	v7 =	vsub.f32 $1.500000000e+00, v7;
	_ =	sdelay $0x1  }
0x128: {  	v61 =	vmul.f32 v37, v36;
	v4 =	vadd.f32 v60, v4;
	v6 =	vmul.f32 v7, v6;
	_ =	sdelay $0x1  }
0x129: {  	v62 =	vmul.f32 v9, v38;
	v4 =	vadd.f32 v61, v4;
	v3 =	vmul.f32 v6, v3;
	_ =	sdelay $0x1  }
0x12a: {  	v63 =	vmul.f32 v63, v39;
	v4 =	vadd.f32 v62, v4;
	v3 =	vmul.f32 v3, v6;
	_ =	sdelay $0x1  }
0x12b: {  	s25 =	sadd.s32 $0x40, s25;
	v1 =	vmul.f32 v1, v2;
	v4 =	vadd.f32 v63, v4;
	v2 =	vsub.f32 $1.500000000e+00, v3  }
0x12c: {  	p0 =	sne.s32 s25, $0x800  }
.Ltmp3:
0x12d: {  	v1 =	vadd.f32 v1, v4;
	v2 =	vmul.f32 v2, v6;
	(pc) =	sbr.rel @!p0 .LBB2_5-.Ltmp3, $3  }
0x12e: {  	_ = 	snop  }
0x12f: {  	v1 =	vmul.f32 v2, v1;
	_ =	sdelay $0x1  }
0x130: {  	s26 =	sadd.s32 $0x80, s26;
	s24 =	sadd.s32 $0x4000, s24;
	[tilespmem:s28+$0x10400] =	vst v1  }
.LBB2_2:
0x131: {  	p0 =	seq.s32 s25, $0x7C0  }
.Ltmp4:
0x132: {  	_ = 	snop;
	(pc) =	sbr.rel @p0 .LBB2_4-.Ltmp4, $1  }
0x133: {  	_ =	sdelay $0x3  }
0x134: {  	s28 =	sshra.s32 s25, $0x2  }
0x135: {  	v2 =	vld [tilespmem:s28+$0x210]  }
0x136: {  	v1 =	vld [tilespmem:s28+$0x10];
	_ =	sdelay $0x3  }
0x137: {  	v3 =	vnsel vm0, $0x0, v2  }
0x138: {  	v4 =	vnsel vm0, $0x0, v1;
	v3 =	vxor.u32 $0x80000000, v3  }
0x139: {  	(xrf0) =	vmax.scan.msk.u32 $0xffff, v3;
	v3 =	vxor.u32 $0x80000000, v4  }
0x13a: {  	(xrf0) =	vmax.scan.msk.u32 $0xffff, v3;
	_ =	sdelay $0x4  }
0x13b: {  	v3, _, _ =	vpop (xrf0)  }
0x13c: {  	(v2sf) =	vpush v3, $0xF;
	v3, _, _ =	vpop (xrf0)  }
0x13d: {  	(v2sf) =	vpush v3, $0xF;
	v3 =	vsel vm1, $0x0, v2  }
0x13e: {  	v50 =	vsel vm1, $0x0, v1;
	v3 =	vxor.u32 $0x80000000, v3  }
0x13f: {  	(xrf0) =	vmax.scan.msk.u32 $0xffff, v3;
	v3 =	vxor.u32 $0x80000000, v50  }
0x140: {  	(xrf0) =	vmax.scan.msk.u32 $0xffff, v3;
	_ =	sdelay $0x4  }
0x141: {  	v3, _, _ =	vpop (xrf0)  }
0x142: {  	(v2sf) =	vpush v3, $0xF;
	v3, _, _ =	vpop (xrf0)  }
0x143: {  	(v2sf) =	vpush v3, $0xF;
	v3 =	vsel vm2, $0x0, v2  }
0x144: {  	v51 =	vsel vm2, $0x0, v1;
	v3 =	vxor.u32 $0x80000000, v3  }
0x145: {  	(xrf0) =	vmax.scan.msk.u32 $0xffff, v3;
	v3 =	vxor.u32 $0x80000000, v51  }
0x146: {  	(xrf0) =	vmax.scan.msk.u32 $0xffff, v3;
	_ =	sdelay $0x4  }
0x147: {  	v3, _, _ =	vpop (xrf0)  }
0x148: {  	s29 =	spop (v2sf);
	(v2sf) =	vpush v3, $0xF;
	v3, _, _ =	vpop (xrf0)  }
0x149: {  	s30 =	spop (v2sf);
	(v2sf) =	vpush v3, $0xF;
	v3 =	vsel vm3, $0x0, v2  }
0x14a: {  	v52 =	vsel vm3, $0x0, v1;
	v3 =	vxor.u32 $0x80000000, v3  }
0x14b: {  	(xrf0) =	vmax.scan.msk.u32 $0xffff, v3;
	v3 =	vxor.u32 $0x80000000, v52  }
0x14c: {  	s30 =	sshll.u32 s30, $0x4;
	(xrf0) =	vmax.scan.msk.u32 $0xffff, v3  }
0x14d: {  	s28 =	sand.u32 $0x4000, s24;
	s29 =	sshll.u32 s29, $0x4;
	s30 =	sand.u32 $0x1FFFFF80, s30  }
0x14e: {  	s31 =	sor.u32 $0x400, s28;
	s29 =	sand.u32 $0x1FFFFF80, s29;
	s30 =	sadd.s32 s3, s30  }
0x14f: {  	[tilespmem:s31], [sflag:$0x1] =	stream.linear.gather [hbm4b:s30+s2], $0x400, $0x38;
	[tilespmem:$0x10600] =	vst v63  }
0x150: {  	s29 =	sadd.s32 s4, s29;
	s31 =	sor.u32 $0x8400, s28  }
0x151: {  	[tilespmem:s31], [sflag:$0x1] =	stream.linear.gather [hbm4b:s29+s2], $0x400, $0x38;
	v3, _, _ =	vpop (xrf0);
	[tilespmem:$0x10600] =	vst v63  }
0x152: {  	s29 =	spop (v2sf);
	(v2sf) =	vpush v3, $0xF;
	v3, _, _ =	vpop (xrf0)  }
0x153: {  	s31 =	spop (v2sf);
	(v2sf) =	vpush v3, $0xF;
	v3 =	vsel vm4, $0x0, v2  }
0x154: {  	v53 =	vsel vm4, $0x0, v1;
	v3 =	vxor.u32 $0x80000000, v3  }
0x155: {  	(xrf0) =	vmax.scan.msk.u32 $0xffff, v3;
	v3 =	vxor.u32 $0x80000000, v53  }
0x156: {  	s30 =	sshll.u32 s31, $0x4;
	(xrf0) =	vmax.scan.msk.u32 $0xffff, v3  }
0x157: {  	s29 =	sshll.u32 s29, $0x4;
	s30 =	sand.u32 $0x1FFFFF80, s30  }
0x158: {  	s31 =	sor.u32 $0x800, s28;
	s29 =	sand.u32 $0x1FFFFF80, s29;
	s30 =	sadd.s32 s3, s30  }
0x159: {  	[tilespmem:s31], [sflag:$0x1] =	stream.linear.gather [hbm4b:s30+s2], $0x400, $0x38;
	[tilespmem:$0x10600] =	vst v63  }
0x15a: {  	s29 =	sadd.s32 s4, s29;
	s31 =	sor.u32 $0x8800, s28  }
0x15b: {  	[tilespmem:s31], [sflag:$0x1] =	stream.linear.gather [hbm4b:s29+s2], $0x400, $0x38;
	v3, _, _ =	vpop (xrf0);
	[tilespmem:$0x10600] =	vst v63  }
0x15c: {  	s29 =	spop (v2sf);
	(v2sf) =	vpush v3, $0xF;
	v3, _, _ =	vpop (xrf0)  }
0x15d: {  	s31 =	spop (v2sf);
	(v2sf) =	vpush v3, $0xF;
	v3 =	vsel vm5, $0x0, v2  }
0x15e: {  	v54 =	vsel vm5, $0x0, v1;
	v3 =	vxor.u32 $0x80000000, v3  }
0x15f: {  	(xrf0) =	vmax.scan.msk.u32 $0xffff, v3;
	v3 =	vxor.u32 $0x80000000, v54  }
0x160: {  	s30 =	sshll.u32 s31, $0x4;
	(xrf0) =	vmax.scan.msk.u32 $0xffff, v3  }
0x161: {  	s29 =	sshll.u32 s29, $0x4;
	s30 =	sand.u32 $0x1FFFFF80, s30  }
0x162: {  	s31 =	sor.u32 $0xC00, s28;
	s29 =	sand.u32 $0x1FFFFF80, s29;
	s30 =	sadd.s32 s3, s30  }
0x163: {  	[tilespmem:s31], [sflag:$0x1] =	stream.linear.gather [hbm4b:s30+s2], $0x400, $0x38;
	[tilespmem:$0x10600] =	vst v63  }
0x164: {  	s29 =	sadd.s32 s4, s29;
	s31 =	sor.u32 $0x8C00, s28  }
0x165: {  	[tilespmem:s31], [sflag:$0x1] =	stream.linear.gather [hbm4b:s29+s2], $0x400, $0x38;
	v3, _, _ =	vpop (xrf0);
	[tilespmem:$0x10600] =	vst v63  }
0x166: {  	s29 =	spop (v2sf);
	(v2sf) =	vpush v3, $0xF;
	v3, _, _ =	vpop (xrf0)  }
0x167: {  	s31 =	spop (v2sf);
	(v2sf) =	vpush v3, $0xF;
	v3 =	vsel vm6, $0x0, v2  }
0x168: {  	v55 =	vsel vm6, $0x0, v1;
	v3 =	vxor.u32 $0x80000000, v3  }
0x169: {  	(xrf0) =	vmax.scan.msk.u32 $0xffff, v3;
	v3 =	vxor.u32 $0x80000000, v55  }
0x16a: {  	s30 =	sshll.u32 s31, $0x4;
	(xrf0) =	vmax.scan.msk.u32 $0xffff, v3  }
0x16b: {  	s29 =	sshll.u32 s29, $0x4;
	s30 =	sand.u32 $0x1FFFFF80, s30  }
0x16c: {  	s31 =	sor.u32 $0x1000, s28;
	s29 =	sand.u32 $0x1FFFFF80, s29;
	s30 =	sadd.s32 s3, s30  }
0x16d: {  	[tilespmem:s31], [sflag:$0x1] =	stream.linear.gather [hbm4b:s30+s2], $0x400, $0x38;
	[tilespmem:$0x10600] =	vst v63  }
0x16e: {  	s29 =	sadd.s32 s4, s29;
	s31 =	sor.u32 $0x9000, s28  }
0x16f: {  	[tilespmem:s31], [sflag:$0x1] =	stream.linear.gather [hbm4b:s29+s2], $0x400, $0x38;
	v3, _, _ =	vpop (xrf0);
	[tilespmem:$0x10600] =	vst v63  }
0x170: {  	s29 =	spop (v2sf);
	(v2sf) =	vpush v3, $0xF;
	v3, _, _ =	vpop (xrf0)  }
0x171: {  	s31 =	spop (v2sf);
	(v2sf) =	vpush v3, $0xF;
	v3 =	vsel vm7, $0x0, v2  }
0x172: {  	v56 =	vsel vm7, $0x0, v1;
	v3 =	vxor.u32 $0x80000000, v3  }
0x173: {  	(xrf0) =	vmax.scan.msk.u32 $0xffff, v3;
	v3 =	vxor.u32 $0x80000000, v56  }
0x174: {  	s30 =	sshll.u32 s31, $0x4;
	(xrf0) =	vmax.scan.msk.u32 $0xffff, v3  }
0x175: {  	s29 =	sshll.u32 s29, $0x4;
	s30 =	sand.u32 $0x1FFFFF80, s30  }
0x176: {  	s31 =	sor.u32 $0x1400, s28;
	s29 =	sand.u32 $0x1FFFFF80, s29;
	s30 =	sadd.s32 s3, s30  }
0x177: {  	[tilespmem:s31], [sflag:$0x1] =	stream.linear.gather [hbm4b:s30+s2], $0x400, $0x38;
	[tilespmem:$0x10600] =	vst v63  }
0x178: {  	s29 =	sadd.s32 s4, s29;
	s31 =	sor.u32 $0x9400, s28  }
0x179: {  	[tilespmem:s31], [sflag:$0x1] =	stream.linear.gather [hbm4b:s29+s2], $0x400, $0x38;
	v3, _, _ =	vpop (xrf0);
	[tilespmem:$0x10600] =	vst v63  }
0x17a: {  	s29 =	spop (v2sf);
	(v2sf) =	vpush v3, $0xF;
	v3, _, _ =	vpop (xrf0)  }
0x17b: {  	s31 =	spop (v2sf);
	(v2sf) =	vpush v3, $0xF;
	v3 =	vsel vm8, $0x0, v2  }
0x17c: {  	v57 =	vsel vm8, $0x0, v1;
	v3 =	vxor.u32 $0x80000000, v3  }
0x17d: {  	(xrf0) =	vmax.scan.msk.u32 $0xffff, v3;
	v3 =	vxor.u32 $0x80000000, v57  }
0x17e: {  	s30 =	sshll.u32 s31, $0x4;
	(xrf0) =	vmax.scan.msk.u32 $0xffff, v3  }
0x17f: {  	s29 =	sshll.u32 s29, $0x4;
	s30 =	sand.u32 $0x1FFFFF80, s30  }
0x180: {  	s31 =	sor.u32 $0x1800, s28;
	s29 =	sand.u32 $0x1FFFFF80, s29;
	s30 =	sadd.s32 s3, s30  }
0x181: {  	[tilespmem:s31], [sflag:$0x1] =	stream.linear.gather [hbm4b:s30+s2], $0x400, $0x38;
	[tilespmem:$0x10600] =	vst v63  }
0x182: {  	s29 =	sadd.s32 s4, s29;
	s31 =	sor.u32 $0x9800, s28  }
0x183: {  	[tilespmem:s31], [sflag:$0x1] =	stream.linear.gather [hbm4b:s29+s2], $0x400, $0x38;
	v3, _, _ =	vpop (xrf0);
	[tilespmem:$0x10600] =	vst v63  }
0x184: {  	s29 =	spop (v2sf);
	(v2sf) =	vpush v3, $0xF;
	v3, _, _ =	vpop (xrf0)  }
0x185: {  	s31 =	spop (v2sf);
	(v2sf) =	vpush v3, $0xF;
	v3 =	vsel vm9, $0x0, v2  }
0x186: {  	v58 =	vsel vm9, $0x0, v1;
	v3 =	vxor.u32 $0x80000000, v3  }
0x187: {  	(xrf0) =	vmax.scan.msk.u32 $0xffff, v3;
	v3 =	vxor.u32 $0x80000000, v58  }
0x188: {  	s30 =	sshll.u32 s31, $0x4;
	(xrf0) =	vmax.scan.msk.u32 $0xffff, v3  }
0x189: {  	s29 =	sshll.u32 s29, $0x4;
	s30 =	sand.u32 $0x1FFFFF80, s30  }
0x18a: {  	s31 =	sor.u32 $0x1C00, s28;
	s29 =	sand.u32 $0x1FFFFF80, s29;
	s30 =	sadd.s32 s3, s30  }
0x18b: {  	[tilespmem:s31], [sflag:$0x1] =	stream.linear.gather [hbm4b:s30+s2], $0x400, $0x38;
	[tilespmem:$0x10600] =	vst v63  }
0x18c: {  	s29 =	sadd.s32 s4, s29;
	s31 =	sor.u32 $0x9C00, s28  }
0x18d: {  	[tilespmem:s31], [sflag:$0x1] =	stream.linear.gather [hbm4b:s29+s2], $0x400, $0x38;
	v3, _, _ =	vpop (xrf0);
	[tilespmem:$0x10600] =	vst v63  }
0x18e: {  	s29 =	spop (v2sf);
	(v2sf) =	vpush v3, $0xF;
	v3, _, _ =	vpop (xrf0)  }
0x18f: {  	s31 =	spop (v2sf);
	(v2sf) =	vpush v3, $0xF;
	v3 =	vsel vm10, $0x0, v2  }
0x190: {  	v59 =	vsel vm10, $0x0, v1;
	v3 =	vxor.u32 $0x80000000, v3  }
0x191: {  	(xrf0) =	vmax.scan.msk.u32 $0xffff, v3;
	v3 =	vxor.u32 $0x80000000, v59  }
0x192: {  	s30 =	sshll.u32 s31, $0x4;
	(xrf0) =	vmax.scan.msk.u32 $0xffff, v3  }
0x193: {  	s29 =	sshll.u32 s29, $0x4;
	s30 =	sand.u32 $0x1FFFFF80, s30  }
0x194: {  	s31 =	sor.u32 $0x2000, s28;
	s29 =	sand.u32 $0x1FFFFF80, s29;
	s30 =	sadd.s32 s3, s30  }
0x195: {  	[tilespmem:s31], [sflag:$0x1] =	stream.linear.gather [hbm4b:s30+s2], $0x400, $0x38;
	[tilespmem:$0x10600] =	vst v63  }
0x196: {  	s29 =	sadd.s32 s4, s29;
	s31 =	sor.u32 $0xA000, s28  }
0x197: {  	[tilespmem:s31], [sflag:$0x1] =	stream.linear.gather [hbm4b:s29+s2], $0x400, $0x38;
	v3, _, _ =	vpop (xrf0);
	[tilespmem:$0x10600] =	vst v63  }
0x198: {  	s29 =	spop (v2sf);
	(v2sf) =	vpush v3, $0xF;
	v3, _, _ =	vpop (xrf0)  }
0x199: {  	s31 =	spop (v2sf);
	(v2sf) =	vpush v3, $0xF;
	v3 =	vsel vm11, $0x0, v2  }
0x19a: {  	v60 =	vsel vm11, $0x0, v1;
	v3 =	vxor.u32 $0x80000000, v3  }
0x19b: {  	(xrf0) =	vmax.scan.msk.u32 $0xffff, v3;
	v3 =	vxor.u32 $0x80000000, v60  }
0x19c: {  	s30 =	sshll.u32 s31, $0x4;
	(xrf0) =	vmax.scan.msk.u32 $0xffff, v3  }
0x19d: {  	s29 =	sshll.u32 s29, $0x4;
	s30 =	sand.u32 $0x1FFFFF80, s30  }
0x19e: {  	s31 =	sor.u32 $0x2400, s28;
	s29 =	sand.u32 $0x1FFFFF80, s29;
	s30 =	sadd.s32 s3, s30  }
0x19f: {  	[tilespmem:s31], [sflag:$0x1] =	stream.linear.gather [hbm4b:s30+s2], $0x400, $0x38;
	[tilespmem:$0x10600] =	vst v63  }
0x1a0: {  	s29 =	sadd.s32 s4, s29;
	s31 =	sor.u32 $0xA400, s28  }
0x1a1: {  	[tilespmem:s31], [sflag:$0x1] =	stream.linear.gather [hbm4b:s29+s2], $0x400, $0x38;
	v3, _, _ =	vpop (xrf0);
	[tilespmem:$0x10600] =	vst v63  }
0x1a2: {  	s29 =	spop (v2sf);
	(v2sf) =	vpush v3, $0xF;
	v3, _, _ =	vpop (xrf0)  }
0x1a3: {  	s31 =	spop (v2sf);
	(v2sf) =	vpush v3, $0xF;
	v3 =	vsel vm12, $0x0, v2  }
0x1a4: {  	v61 =	vsel vm12, $0x0, v1;
	v3 =	vxor.u32 $0x80000000, v3  }
0x1a5: {  	(xrf0) =	vmax.scan.msk.u32 $0xffff, v3;
	v3 =	vxor.u32 $0x80000000, v61  }
0x1a6: {  	s30 =	sshll.u32 s31, $0x4;
	(xrf0) =	vmax.scan.msk.u32 $0xffff, v3  }
0x1a7: {  	s29 =	sshll.u32 s29, $0x4;
	s30 =	sand.u32 $0x1FFFFF80, s30  }
0x1a8: {  	s31 =	sor.u32 $0x2800, s28;
	s29 =	sand.u32 $0x1FFFFF80, s29;
	s30 =	sadd.s32 s3, s30  }
0x1a9: {  	[tilespmem:s31], [sflag:$0x1] =	stream.linear.gather [hbm4b:s30+s2], $0x400, $0x38;
	[tilespmem:$0x10600] =	vst v63  }
0x1aa: {  	s29 =	sadd.s32 s4, s29;
	s31 =	sor.u32 $0xA800, s28  }
0x1ab: {  	[tilespmem:s31], [sflag:$0x1] =	stream.linear.gather [hbm4b:s29+s2], $0x400, $0x38;
	v3, _, _ =	vpop (xrf0);
	[tilespmem:$0x10600] =	vst v63  }
0x1ac: {  	s29 =	spop (v2sf);
	(v2sf) =	vpush v3, $0xF;
	v3, _, _ =	vpop (xrf0)  }
0x1ad: {  	s31 =	spop (v2sf);
	(v2sf) =	vpush v3, $0xF;
	v3 =	vsel vm13, $0x0, v2  }
0x1ae: {  	v62 =	vsel vm13, $0x0, v1;
	v3 =	vxor.u32 $0x80000000, v3  }
0x1af: {  	(xrf0) =	vmax.scan.msk.u32 $0xffff, v3;
	v3 =	vxor.u32 $0x80000000, v62  }
0x1b0: {  	s30 =	sshll.u32 s31, $0x4;
	(xrf0) =	vmax.scan.msk.u32 $0xffff, v3  }
0x1b1: {  	s29 =	sshll.u32 s29, $0x4;
	s30 =	sand.u32 $0x1FFFFF80, s30  }
0x1b2: {  	s31 =	sor.u32 $0x2C00, s28;
	s29 =	sand.u32 $0x1FFFFF80, s29;
	s30 =	sadd.s32 s3, s30  }
0x1b3: {  	[tilespmem:s31], [sflag:$0x1] =	stream.linear.gather [hbm4b:s30+s2], $0x400, $0x38;
	[tilespmem:$0x10600] =	vst v63  }
0x1b4: {  	s29 =	sadd.s32 s4, s29;
	s31 =	sor.u32 $0xAC00, s28  }
0x1b5: {  	v63 =	vsel vm14, $0x0, v2;
	[tilespmem:s31], [sflag:$0x1] =	stream.linear.gather [hbm4b:s29+s2], $0x400, $0x38;
	v3, _, _ =	vpop (xrf0);
	[tilespmem:$0x10600] =	vst v63  }
0x1b6: {  	v4 =	vxor.u32 $0x80000000, v63;
	s29 =	spop (v2sf);
	(v2sf) =	vpush v3, $0xF;
	v3, _, _ =	vpop (xrf0)  }
0x1b7: {  	s31 =	spop (v2sf);
	(xrf0) =	vmax.scan.msk.u32 $0xffff, v4;
	(v2sf) =	vpush v3, $0xF;
	v3 =	vsel vm14, $0x0, v1  }
0x1b8: {  	s30 =	sshll.u32 s31, $0x4;
	v3 =	vxor.u32 $0x80000000, v3  }
0x1b9: {  	s29 =	sshll.u32 s29, $0x4;
	s30 =	sand.u32 $0x1FFFFF80, s30;
	(xrf0) =	vmax.scan.msk.u32 $0xffff, v3  }
0x1ba: {  	s31 =	sor.u32 $0x3000, s28;
	s29 =	sand.u32 $0x1FFFFF80, s29;
	s30 =	sadd.s32 s3, s30  }
0x1bb: {  	[tilespmem:s31], [sflag:$0x1] =	stream.linear.gather [hbm4b:s30+s2], $0x400, $0x38;
	[tilespmem:$0x10600] =	vst v63  }
0x1bc: {  	s29 =	sadd.s32 s4, s29;
	s31 =	sor.u32 $0xB000, s28  }
0x1bd: {  	v2 =	vsel vm15, $0x0, v2;
	[tilespmem:s31], [sflag:$0x1] =	stream.linear.gather [hbm4b:s29+s2], $0x400, $0x38;
	v3, _, _ =	vpop (xrf0);
	[tilespmem:$0x10600] =	vst v63  }
0x1be: {  	v2 =	vxor.u32 $0x80000000, v2;
	s29 =	spop (v2sf);
	(v2sf) =	vpush v3, $0xF  }
0x1bf: {  	v1 =	vsel vm15, $0x0, v1;
	(xrf0) =	vmax.scan.msk.u32 $0xffff, v2;
	s31 =	spop (v2sf);
	v3, _, _ =	vpop (xrf0)  }
0x1c0: {  	v1 =	vxor.u32 $0x80000000, v1;
	s30 =	sshll.u32 s31, $0x4;
	(v2sf) =	vpush v3, $0xF  }
0x1c1: {  	s29 =	sshll.u32 s29, $0x4;
	s30 =	sand.u32 $0x1FFFFF80, s30;
	(xrf0) =	vmax.scan.msk.u32 $0xffff, v1  }
0x1c2: {  	s31 =	sor.u32 $0x3400, s28;
	s29 =	sand.u32 $0x1FFFFF80, s29;
	s30 =	sadd.s32 s3, s30  }
0x1c3: {  	[tilespmem:s31], [sflag:$0x1] =	stream.linear.gather [hbm4b:s30+s2], $0x400, $0x38;
	[tilespmem:$0x10600] =	vst v63  }
0x1c4: {  	s29 =	sadd.s32 s4, s29;
	s31 =	sor.u32 $0xB400, s28  }
0x1c5: {  	v1, _, _ =	vpop (xrf0);
	[tilespmem:s31], [sflag:$0x1] =	stream.linear.gather [hbm4b:s29+s2], $0x400, $0x38;
	[tilespmem:$0x10600] =	vst v63  }
0x1c6: {  	s29 =	spop (v2sf);
	(v2sf) =	vpush v1, $0xF  }
0x1c7: {  	v1, _, _ =	vpop (xrf0)  }
0x1c8: {  	s31 =	spop (v2sf);
	(v2sf) =	vpush v1, $0xF  }
0x1c9: {  	s30 =	sshll.u32 s31, $0x4  }
0x1ca: {  	s29 =	sshll.u32 s29, $0x4;
	s30 =	sand.u32 $0x1FFFFF80, s30  }
0x1cb: {  	s31 =	sor.u32 $0x3800, s28;
	s29 =	sand.u32 $0x1FFFFF80, s29;
	s30 =	sadd.s32 s3, s30  }
0x1cc: {  	[tilespmem:s31], [sflag:$0x1] =	stream.linear.gather [hbm4b:s30+s2], $0x400, $0x38;
	[tilespmem:$0x10600] =	vst v63  }
0x1cd: {  	s29 =	sadd.s32 s4, s29;
	s31 =	sor.u32 $0xB800, s28;
	s30 =	spop (v2sf)  }
0x1ce: {  	[tilespmem:s31], [sflag:$0x1] =	stream.linear.gather [hbm4b:s29+s2], $0x400, $0x38;
	[tilespmem:$0x10600] =	vst v63  }
0x1cf: {  	s31 =	spop (v2sf)  }
0x1d0: {  	s29 =	sshll.u32 s31, $0x4  }
0x1d1: {  	s29 =	sand.u32 $0x1FFFFF80, s29  }
0x1d2: {  	s30 =	sshll.u32 s30, $0x4;
	s31 =	sor.u32 $0x3C00, s28;
	s29 =	sadd.s32 s3, s29  }
0x1d3: {  	[tilespmem:s31], [sflag:$0x1] =	stream.linear.gather [hbm4b:s29+s2], $0x400, $0x38;
	[tilespmem:$0x10600] =	vst v63  }
0x1d4: {  	s29 =	sand.u32 $0x1FFFFF80, s30  }
0x1d5: {  	s31 =	sor.u32 $0xBC00, s28;
	s30 =	spop (v2sf);
	s29 =	sadd.s32 s4, s29  }
0x1d6: {  	[tilespmem:s31], [sflag:$0x1] =	stream.linear.gather [hbm4b:s29+s2], $0x400, $0x38;
	[tilespmem:$0x10600] =	vst v63  }
0x1d7: {  	s31 =	spop (v2sf)  }
0x1d8: {  	s29 =	sshll.u32 s31, $0x4  }
0x1d9: {  	s29 =	sand.u32 $0x1FFFFF80, s29  }
0x1da: {  	s31 =	sadd.s32 $0x4000, s28;
	s29 =	sadd.s32 s3, s29  }
0x1db: {  	[tilespmem:s31], [sflag:$0x1] =	stream.linear.gather [hbm4b:s29+s2], $0x400, $0x38;
	[tilespmem:$0x10600] =	vst v63  }
.Ltmp5:
0x1dc: {  	_ = 	snop;
	(pc) =	sbr.rel .LBB2_4-.Ltmp5, $4  }
0x1dd: {  	s31 =	sshll.u32 s30, $0x4  }
0x1de: {  	s29 =	sand.u32 $0x1FFFFF80, s31  }
0x1df: {  	s28 =	sadd.s32 $0xC000, s28;
	s29 =	sadd.s32 s4, s29  }
0x1e0: {  	[tilespmem:s28], [sflag:$0x1] =	stream.linear.gather [hbm4b:s29+s2], $0x400, $0x38;
	[tilespmem:$0x10600] =	vst v63  }
.LBB2_6:
0x1e1: {  	_ =	sfence.sel $0x180000  }
0x1e2: {  	[bflag:$0x0] =	sbarrier.arrive $0xFFFF  }
0x1e3: {  	_ =	strace $0x90000047  }
0x1e4: {  	s0 =	stileid.u32;
	[bflag:$0x2] =	sbarrier.arrive $0xFFFF  }
0x1e5: {  	p0 =	sne.s32 s0, $0x0;
	s0 =	rddreg [dreg:$0x4]  }
0x1e6: {  	s0 =	sadd.s32 @!p0 $0x100000, s0  }
0x1e7: {  	[sflag:s0] =	ssyncadd.tile.s32 @!p0 $0x1;
	_ =	shalt  }
.Lfunc_end2:
_tile_overlayer_lowered:
.L_overlay_start_2:
0x1e8: {  	(tag) =	ssettag $0x2  }
0x1e9: {  	s0 =	rddreg [dreg:$0x0];
	s2 =	stileid.u32  }
0x1ea: {  	s1 =	rddreg [dreg:$0x1];
	p0 =	sne.s32 s2, $0x0  }
0x1eb: {  	s3 =	rddreg [dreg:$0x2];
	[bflag:$0x3] =	sbarrier.arrive $0xFFFF;
	s2 =	simm.s32 @!p0 $0x1C02  }
0x1ec: {  	[timem:s3], [sflag:s2] =	dma.local @!p0 [hbm:s0], s1  }
0x1ed: {  	s0 =	simm.s32 @!p0 $0x2  }
0x1ee: {  	_ =	swait.ge @!p0 [sflag:s0], s1  }
0x1ef: {  	s1 =	ssub.s32 @!p0 $0x0, s1;
	[sflag:s0] =	ssyncset.done @!p0 $0x0  }
0x1f0: {  	[sflag:s0] =	ssyncadd.s32 @!p0 s1  }
0x1f1: {  	[bflag:$0x3] =	sbarrier.arrive $0xFFFF  }
0x1f2: {  	_ =	shalt  }

</sc_bundles>
